<compile_context>
chip_gen: v7x
topology: tpu7x:2x2x1
jax: 0.10.2.dev20260603
libtpu: 0.0.44.dev20260713+nightly
codegen_flags: <defaults>
</compile_context>

<pallas_src>
import jax
import jax.numpy as jnp
from jax import lax
from jax.experimental import pallas as pl
from jax.experimental.pallas import tpu as pltpu
from jax.experimental.pallas import tpu_sc as plsc

B, N = 4, 32768
M = B * N
GH, GW = 256, 256
T = 16
FIN = 10
C = 32
Ptot = B * GH * GW
VX = 1.0 / GW
VY = 1.0 / GH
ZC = 0.5
EPS = 1e-5

NW = 32
CHUNK = M // NW
NBINS = B * GH
BIN_PAD = 1040
CAP = M + 704
PB = 8192

_sc_params = pltpu.CompilerParams(
    needs_layout_passes=False, use_tc_tiling_on_sc=False)


def _dup_ranks(v):
  lane = lax.broadcasted_iota(jnp.int32, (16,), 0)
  one = jnp.full((16,), 1, jnp.int32)
  zero = jnp.zeros((16,), jnp.int32)
  rank = jnp.zeros((16,), jnp.int32)
  total = jnp.zeros((16,), jnp.int32)
  for j in range(16):
    eqm = v == v[j]
    rank = rank + jnp.where(eqm & (lane > j), one, zero)
    total = total + jnp.where(eqm, one, zero)
  return rank, rank == total - 1


def _k1_body(pts_ref, out_ref):
  x = pts_ref[3:4, :]
  y = pts_ref[4:5, :]
  z = pts_ref[5:6, :]
  gi = (x * GW).astype(jnp.int32)
  gj = (y * GH).astype(jnp.int32)
  valid = (gi >= 0) & (gi < GW) & (gj >= 0) & (gj < GH) & (z >= 0.0) & (z < 1.0)
  rgb = pts_ref[0:3, :]
  out_ref[...] = jnp.max(jnp.where(valid, rgb, -jnp.inf)).reshape(1, 1)


def _k2_body(pts_ref, w_ref, rmax_ref, pid_ref, xlin_ref):
  i = pl.program_id(0)
  x = pts_ref[3:4, :]
  y = pts_ref[4:5, :]
  z = pts_ref[5:6, :]
  gi = (x * GW).astype(jnp.int32)
  gj = (y * GH).astype(jnp.int32)
  valid = (gi >= 0) & (gi < GW) & (gj >= 0) & (gj < GH) & (z >= 0.0) & (z < 1.0)
  gidx = i * PB + lax.broadcasted_iota(jnp.int32, (1, PB), 1)
  bidx = lax.shift_right_logical(gidx, 15)
  pid = jnp.where(valid, bidx * (GH * GW) + gj * GW + gi, Ptot)
  pid_ref[...] = pid.reshape(PB)

  scale = jnp.where(rmax_ref[0, 0] > 1.1, jnp.float32(1.0 / 255.0),
                    jnp.float32(1.0))
  cxp = (gi.astype(jnp.float32) + 0.5) * VX
  cyp = (gj.astype(jnp.float32) + 0.5) * VY
  r = pts_ref[0:1, :] * scale
  g = pts_ref[1:2, :] * scale
  bch = pts_ref[2:3, :] * scale
  ones = jnp.ones((1, PB), jnp.float32)
  featsT = jnp.concatenate(
      [x, y, z, r, g, bch, x - cxp, y - cyp, z - ZC, ones], axis=0)
  feats = jnp.transpose(featsT)
  xlin_ref[...] = lax.dot_general(
      feats, w_ref[...], (((1,), (1,)), ((), ())),
      preferred_element_type=jnp.float32)


PCH = M // 16


def _k345_body(pid_hbm, xlin_hbm, mx_out, mn_out, cnts_out, part_out,
               pid_v, hist_v, off_v, tot_v, starts_v, dst_v, rec_v,
               mx_v, mn_v, cnt_v, rec_st, idx_st, xg, acc_v,
               sh_hist, sh_rec, sem):
  cid = lax.axis_index("c")
  sid = lax.axis_index("s")
  lane = lax.broadcasted_iota(jnp.int32, (16,), 0)
  sh8 = jnp.full((16,), 8, jnp.int32)
  pltpu.sync_copy(pid_hbm.at[pl.ds(pl.multiple_of(sid * PCH, 8), PCH)], pid_v)

  def zero(i, _):
    off_v[pl.ds(i * 16, 16)] = jnp.zeros((16,), jnp.int32)
    return 0
  lax.fori_loop(0, BIN_PAD // 16, zero, 0)

  def hstep(t, _):
    v = pid_v[pl.ds(t * 16, 16)]
    bins = lax.shift_right_logical(v, sh8)
    rank, last = _dup_ranks(bins)
    cur = plsc.load_gather(off_v, [bins])
    plsc.store_scatter(off_v, [bins], cur + rank + 1, mask=last)
    return 0
  lax.fori_loop(0, PCH // 16, hstep, 0)
  pltpu.sync_copy(off_v, sh_hist.at[sid])
  plsc.subcore_barrier()
  pltpu.sync_copy(sh_hist, hist_v)

  def offs(ci, run):
    sl = pl.ds(ci * 16, 16)
    tot = jnp.zeros((16,), jnp.int32)
    part = jnp.zeros((16,), jnp.int32)
    for s in range(16):
      row = hist_v[s, sl]
      tot = tot + row
      pre = jnp.where(s < sid, jnp.int32(1), jnp.int32(0))
      part = part + row * pre
    csum = plsc.cumsum(tot)
    excl = csum - tot + run
    starts_v[sl] = excl
    tot_v[sl] = tot
    off_v[sl] = excl + part
    return run + jnp.sum(tot)
  lax.fori_loop(0, BIN_PAD // 16, offs, 0)

  @pl.when(sid == 0)
  def _():
    def z(i, _):
      rec_v[pl.ds(i * 16, 16)] = jnp.zeros((16,), jnp.int32)
      return 0
    lax.fori_loop(0, (CAP - M) // 16, z, 0)
    pltpu.sync_copy(rec_v.at[pl.ds(0, CAP - M)],
                    sh_rec.at[pl.ds(pl.multiple_of(M, 8), CAP - M)])

  def pchunk(j, _):
    def prow(rr, _):
      def place(tt, _):
        t = j * 64 + rr * 8 + tt
        v = pid_v[pl.ds(t * 16, 16)]
        bins = lax.shift_right_logical(v, sh8)
        rank, last = _dup_ranks(bins)
        cur = plsc.load_gather(off_v, [bins])
        plsc.store_scatter(off_v, [bins], cur + rank + 1, mask=last)
        dst_v[rr, pl.ds(tt * 16, 16)] = cur + rank
        idxv = sid * PCH + j * 1024 + rr * 128 + tt * 16 + lane
        rec_v[pl.ds(rr * 128 + tt * 16, 16)] = jnp.bitwise_or(
            lax.shift_left(idxv, sh8), jnp.bitwise_and(v, 255))
        return 0
      lax.fori_loop(0, 8, place, 0)
      return 0
    lax.fori_loop(0, 8, prow, 0)
    for r in range(8):
      pltpu.sync_copy(rec_v.at[pl.ds(r * 128, 128)], sh_rec.at[dst_v.at[r]])
    return 0
  lax.fori_loop(0, 8, pchunk, 0)
  plsc.subcore_barrier()

  fz = jnp.zeros((16,), jnp.float32)
  fo = jnp.full((16,), 1.0, jnp.float32)
  sums = (fz, fz, fz, fz, fz)

  def bin_body(bi, sums):
    b = cid * 512 + sid * 32 + bi
    start = starts_v[pl.ds(b, 16)][0]
    cnt = tot_v[pl.ds(b, 16)][0]
    for k in range(272 // 16):
      cnt_v[pl.ds(k * 16, 16)] = jnp.zeros((16,), jnp.int32)

    nwin = lax.shift_right_logical(cnt + 511, 9)

    def win(w, sums, start=start, cnt=cnt):
      base = start + w * 512
      n = jnp.minimum(512, cnt - w * 512)
      a0 = jnp.bitwise_and(base, -8)
      skip = base - a0
      pltpu.sync_copy(sh_rec.at[pl.ds(pl.multiple_of(a0, 8), 640)], rec_st)

      def shf(k, _):
        idx_st[pl.ds(k * 16, 16)] = lax.shift_right_logical(
            rec_st[pl.ds(k * 16, 16)], sh8)
        return 0
      lax.fori_loop(0, 640 // 16, shf, 0)
      cps = []
      for r in range(5):
        cps.append(pltpu.async_copy(
            xlin_hbm.at[idx_st.at[pl.ds(r * 128, 128)]],
            xg.at[pl.ds(r * 128, 128)], sem))
      for cp in cps:
        cp.wait()

      def pt(i, sums):
        s1lo, s1hi, s2lo, s2hi, occv = sums
        pv = rec_st[pl.ds(skip + i, 16)][0]
        col = jnp.bitwise_and(pv, 255)
        rv = cnt_v[pl.ds(col, 16)]
        r = rv[0]
        plsc.store_scatter(cnt_v, [jnp.full((16,), col, jnp.int32)], rv + 1,
                           mask=lane == 0)
        gi16 = jnp.full((16,), skip + i, jnp.int32)
        x0 = plsc.load_gather(xg, [gi16, lane])
        x1 = plsc.load_gather(xg, [gi16, lane + 16])
        kf = jnp.where(r < T, jnp.float32(1.0), jnp.float32(0.0))
        s1lo = s1lo + x0 * kf
        s1hi = s1hi + x1 * kf
        s2lo = s2lo + x0 * x0 * kf
        s2hi = s2hi + x1 * x1 * kf

        rfull = jnp.full((16,), r, jnp.int32)
        keepm = rfull < T
        firstm = rfull == 0
        mxlo = mx_v[col, 0:16]
        mxhi = mx_v[col, 16:32]
        mnlo = mn_v[col, 0:16]
        mnhi = mn_v[col, 16:32]
        mx_v[col, 0:16] = jnp.where(
            keepm, jnp.where(firstm, x0, jnp.maximum(mxlo, x0)), mxlo)
        mx_v[col, 16:32] = jnp.where(
            keepm, jnp.where(firstm, x1, jnp.maximum(mxhi, x1)), mxhi)
        mn_v[col, 0:16] = jnp.where(
            keepm, jnp.where(firstm, x0, jnp.minimum(mnlo, x0)), mnlo)
        mn_v[col, 16:32] = jnp.where(
            keepm, jnp.where(firstm, x1, jnp.minimum(mnhi, x1)), mnhi)

        return (s1lo, s1hi, s2lo, s2hi, occv)

      return lax.fori_loop(0, n, pt, sums)

    sums = lax.fori_loop(0, nwin, win, sums)

    s1lo, s1hi, s2lo, s2hi, occv = sums
    for k in range(256 // 16):
      ch = cnt_v[pl.ds(k * 16, 16)]
      occv = occv + jnp.where(ch > 0, fo, fz)
    sums = (s1lo, s1hi, s2lo, s2hi, occv)

    pltpu.sync_copy(cnt_v.at[pl.ds(0, 256)], cnts_out.at[pl.ds(pl.multiple_of(b * 256, 8), 256)])
    pltpu.sync_copy(mx_v, mx_out.at[pl.ds(pl.multiple_of(b * 256, 8), 256)])
    pltpu.sync_copy(mn_v, mn_out.at[pl.ds(pl.multiple_of(b * 256, 8), 256)])
    return sums

  sums = lax.fori_loop(0, 32, bin_body, sums)
  s1lo, s1hi, s2lo, s2hi, occv = sums
  acc_v[pl.ds(0, 16)] = s1lo
  acc_v[pl.ds(16, 16)] = s1hi
  acc_v[pl.ds(32, 16)] = s2lo
  acc_v[pl.ds(48, 16)] = s2hi
  acc_v[pl.ds(64, 16)] = occv
  wid = cid * 16 + sid
  pltpu.sync_copy(acc_v, part_out.at[pl.ds(pl.multiple_of(wid * 80, 8), 80)])


def _k5b_body(part_ref, g_ref, b_ref, ab_ref):
  S = part_ref[...]
  S1 = jnp.sum(S[:, 0:32], axis=0, keepdims=True)
  S2 = jnp.sum(S[:, 32:64], axis=0, keepdims=True)
  Pocc = jnp.sum(S[:, 64:80])
  denom = Pocc * jnp.float32(T)
  mean = S1 / denom
  var = S2 / denom - mean * mean
  a = g_ref[...] / jnp.sqrt(var + EPS)
  b2 = b_ref[...] - mean * a
  ab_ref[...] = jnp.transpose(
      jnp.concatenate([a, b2, jnp.zeros((6, C), jnp.float32)], axis=0))


def _k6_body(mx_ref, mn_ref, cnt_ref, ab_ref, out_ref):
  mxT = jnp.transpose(mx_ref[...])
  mnT = jnp.transpose(mn_ref[...])
  cvec = cnt_ref[0]
  has_empty = cvec < T
  occ = cvec > 0
  a = ab_ref[:, 0:1]
  b2 = ab_ref[:, 1:2]
  mxT = jnp.where(has_empty, jnp.maximum(mxT, 0.0), mxT)
  mnT = jnp.where(has_empty, jnp.minimum(mnT, 0.0), mnT)
  e = jnp.where(a >= 0.0, a * mxT + b2, a * mnT + b2)
  e = jnp.maximum(e, 0.0)
  e = jnp.where(occ, e, 0.0)
  out_ref[...] = e.reshape(1, C, 8, GW)


def kernel(batch_points, W_lin, gamma, beta):
  pts = jnp.transpose(batch_points.reshape(M, 6))

  rmax = pl.pallas_call(
      _k1_body,
      out_shape=jax.ShapeDtypeStruct((1, 1), jnp.float32),
  )(pts)

  pid, xlin = pl.pallas_call(
      _k2_body,
      grid=(M // PB,),
      in_specs=[
          pl.BlockSpec((6, PB), lambda i: (0, i)),
          pl.BlockSpec((C, FIN), lambda i: (0, 0)),
          pl.BlockSpec((1, 1), lambda i: (0, 0)),
      ],
      out_specs=[
          pl.BlockSpec((PB,), lambda i: (i,)),
          pl.BlockSpec((PB, C), lambda i: (i, 0)),
      ],
      out_shape=[
          jax.ShapeDtypeStruct((M,), jnp.int32),
          jax.ShapeDtypeStruct((M, C), jnp.float32),
      ],
  )(pts, W_lin, rmax)

  mx, mn, cnts, part = pl.kernel(
      _k345_body,
      out_type=(
          jax.ShapeDtypeStruct((Ptot, C), jnp.float32),
          jax.ShapeDtypeStruct((Ptot, C), jnp.float32),
          jax.ShapeDtypeStruct((NBINS * GW,), jnp.int32),
          jax.ShapeDtypeStruct((NW * 80,), jnp.float32),
      ),
      mesh=plsc.VectorSubcoreMesh(core_axis_name="c", subcore_axis_name="s"),
      scratch_types=[
          pltpu.VMEM((PCH,), jnp.int32),
          pltpu.VMEM((16, BIN_PAD), jnp.int32),
          pltpu.VMEM((BIN_PAD,), jnp.int32),
          pltpu.VMEM((BIN_PAD,), jnp.int32),
          pltpu.VMEM((BIN_PAD,), jnp.int32),
          pltpu.VMEM((8, 128), jnp.int32),
          pltpu.VMEM((1024,), jnp.int32),
          pltpu.VMEM((GW, C), jnp.float32),
          pltpu.VMEM((GW, C), jnp.float32),
          pltpu.VMEM((272,), jnp.int32),
          pltpu.VMEM((640,), jnp.int32),
          pltpu.VMEM((640,), jnp.int32),
          pltpu.VMEM((640, C), jnp.float32),
          pltpu.VMEM((80,), jnp.float32),
          pltpu.VMEM_SHARED((16, BIN_PAD), jnp.int32),
          pltpu.VMEM_SHARED((CAP,), jnp.int32),
          pltpu.SemaphoreType.DMA,
      ],
      compiler_params=_sc_params,
  )(pid, xlin)

  ab = pl.pallas_call(
      _k5b_body,
      out_shape=jax.ShapeDtypeStruct((C, 8), jnp.float32),
  )(part.reshape(NW, 80), gamma.reshape(1, C), beta.reshape(1, C))

  bev = pl.pallas_call(
      _k6_body,
      grid=(B, GH // 8),
      in_specs=[
          pl.BlockSpec((8 * GW, C), lambda b, gj: (b * (GH // 8) + gj, 0)),
          pl.BlockSpec((8 * GW, C), lambda b, gj: (b * (GH // 8) + gj, 0)),
          pl.BlockSpec((1, 1, 8 * GW), lambda b, gj: (b * (GH // 8) + gj, 0, 0)),
          pl.BlockSpec((C, 8), lambda b, gj: (0, 0)),
      ],
      out_specs=pl.BlockSpec((1, C, 8, GW), lambda b, gj: (b, 0, gj, 0)),
      out_shape=jax.ShapeDtypeStruct((B, C, GH, GW), jnp.float32),
  )(mx, mn, cnts.reshape(NBINS // 8, 1, 8 * GW), ab)

  return bev

# --- scband reference (transcript-rebuilt; emitter-appended) ---
"""Pipeline reference for scband-point-pillars-encoder-65274912965084 (READ-ONLY COPY).

The authoritative reference and input builder live on the scoring server;
editing this copy changes nothing except your own understanding.
"""

import jax, jax.numpy as jnp
import numpy as np

X_MIN, X_MAX = 0.0, 1.0
Y_MIN, Y_MAX = 0.0, 1.0
Z_MIN, Z_MAX = 0.0, 1.0
GRID_H, GRID_W = 256, 256
T = 16
FIN = 10
C_OUT = 32
B, N = 4, 32768
VX = (X_MAX - X_MIN) / float(GRID_W)
VY = (Y_MAX - Y_MIN) / float(GRID_H)
Z_CENTER = 0.5 * (Z_MIN + Z_MAX)
EPS = 1e-5

def setup_inputs(seed: int = 0):
    key = jax.random.key(seed)
    k1, k2 = jax.random.split(key, 2)
    batch_points = jax.random.uniform(k1, (B, N, 6), dtype=jnp.float32)
    W_lin = jax.random.normal(k2, (C_OUT, FIN), dtype=jnp.float32) * 0.1
    gamma = jnp.ones((C_OUT,), dtype=jnp.float32)
    beta = jnp.zeros((C_OUT,), dtype=jnp.float32)
    return {"batch_points": batch_points, "W_lin": W_lin, "gamma": gamma, "beta": beta}

def reference(batch_points, W_lin, gamma, beta):
    Bn, Nn, Cin = batch_points.shape
    M = Bn * Nn
    pts = batch_points.reshape(M, Cin)
    batch_idx = jnp.repeat(jnp.arange(Bn, dtype=jnp.int32), Nn)
    x = pts[:, 3]; y = pts[:, 4]; z = pts[:, 5]
    gi = ((x - X_MIN) / VX).astype(jnp.int32)
    gj = ((y - Y_MIN) / VY).astype(jnp.int32)
    valid = (gi >= 0) & (gi < GRID_W) & (gj >= 0) & (gj < GRID_H) & (z >= Z_MIN) & (z < Z_MAX)
    Ptot = Bn * GRID_H * GRID_W
    pid = jnp.where(valid, batch_idx * (GRID_H * GRID_W) + gj * GRID_W + gi, Ptot)
    rgb_raw = pts[:, 0:3]
    rgb_max = jnp.max(jnp.where(valid[:, None], rgb_raw, -jnp.inf))
    rgb_scale = jnp.where(rgb_max > 1.1, jnp.float32(1.0 / 255.0), jnp.float32(1.0))
    rgb = rgb_raw * rgb_scale
    cxp = X_MIN + (gi.astype(jnp.float32) + 0.5) * VX
    cyp = Y_MIN + (gj.astype(jnp.float32) + 0.5) * VY
    ones = jnp.ones((M, 1), dtype=jnp.float32)
    feats = jnp.concatenate([jnp.stack([x, y, z], axis=1), rgb, jnp.stack([x - cxp, y - cyp, z - Z_CENTER], axis=1), ones], axis=1)
    order = jnp.argsort(pid, stable=True)
    sorted_pid = jnp.take(pid, order)
    idx = jnp.arange(M, dtype=jnp.int32)
    is_start = jnp.concatenate([jnp.ones((1,), dtype=bool), sorted_pid[1:] != sorted_pid[:-1]])
    start_idx = jax.lax.cummax(jnp.where(is_start, idx, 0), axis=0)
    rank_sorted = idx - start_idx
    rank = jnp.zeros((M,), dtype=jnp.int32).at[order].set(rank_sorted)
    keep2 = valid & (rank < T)
    pid2 = jnp.where(keep2, pid, Ptot)
    rnk2 = jnp.where(keep2, rank, 0)
    featsc = jnp.where(keep2[:, None], feats, jnp.float32(0.0))
    pillar = jnp.zeros((Ptot + 1, T, FIN), dtype=jnp.float32).at[pid2, rnk2].set(featsc)[:Ptot]
    counts = jnp.zeros((Ptot + 1,), dtype=jnp.int32).at[pid].add(1)[:Ptot]
    occ = counts > 0
    P_occ = jnp.sum(occ).astype(jnp.float32)
    denom = P_occ * jnp.float32(T)
    xlin = pillar.reshape(Ptot * T, FIN) @ W_lin.T
    mean = jnp.sum(xlin, axis=0) / denom
    d = xlin - mean
    rowmask = jnp.repeat(occ, T)[:, None]
    var = jnp.sum(jnp.where(rowmask, d * d, jnp.float32(0.0)), axis=0) / denom
    xn = d / jnp.sqrt(var + EPS) * gamma + beta
    xr = jax.nn.relu(xn).reshape(Ptot, T, C_OUT)
    emb = jnp.max(xr, axis=1)
    emb = jnp.where(occ[:, None], emb, jnp.float32(0.0))
    bev = emb.reshape(Bn, GRID_H, GRID_W, C_OUT).transpose(0, 3, 1, 2)
    return bev

if __name__ == "__main__":
    import jax
    _d = setup_inputs()
    print(jax.jit(kernel)(*tuple(_d.values())))

</pallas_src>

<mosaic_0001>
#map = affine_map<(d0, d1) -> (0)>
#map1 = affine_map<(d0, d1) -> (0, 0)>
module attributes {stable_mosaic.version = 14 : i64} {
  func.func @_k345_body(%arg0: i32, %arg1: i32, %arg2: memref<131072xi32, #tpu.memory_space<hbm>>, %arg3: memref<131072x32xf32, #tpu.memory_space<hbm>>, %arg4: memref<262144x32xf32, #tpu.memory_space<hbm>>, %arg5: memref<262144x32xf32, #tpu.memory_space<hbm>>, %arg6: memref<262144xi32, #tpu.memory_space<hbm>>, %arg7: memref<2560xf32, #tpu.memory_space<hbm>>, %arg8: memref<8192xi32, #tpu.memory_space<vmem>>, %arg9: memref<16x1040xi32, #tpu.memory_space<vmem>>, %arg10: memref<1040xi32, #tpu.memory_space<vmem>>, %arg11: memref<1040xi32, #tpu.memory_space<vmem>>, %arg12: memref<1040xi32, #tpu.memory_space<vmem>>, %arg13: memref<8x128xi32, #tpu.memory_space<vmem>>, %arg14: memref<1024xi32, #tpu.memory_space<vmem>>, %arg15: memref<256x32xf32, #tpu.memory_space<vmem>>, %arg16: memref<256x32xf32, #tpu.memory_space<vmem>>, %arg17: memref<272xi32, #tpu.memory_space<vmem>>, %arg18: memref<640xi32, #tpu.memory_space<vmem>>, %arg19: memref<640xi32, #tpu.memory_space<vmem>>, %arg20: memref<640x32xf32, #tpu.memory_space<vmem>>, %arg21: memref<80xf32, #tpu.memory_space<vmem>>, %arg22: memref<16x1040xi32, #tpu.memory_space<vmem_shared>>, %arg23: memref<131776xi32, #tpu.memory_space<vmem_shared>>, %arg24: memref<!tpu.dma_semaphore, #tpu.memory_space<semaphore_mem>>) attributes {dimension_semantics = [#tpu.dimension_semantics<core_parallel>, #tpu.dimension_semantics<subcore_parallel>], iteration_bounds = array<i64: 2, 16>, scalar_prefetch = 0 : i64, scratch_operands = 17 : i64, tpu.core_type = #tpu.core_type<sc_vector_subcore>, window_params = [{transform_indices = #map}, {transform_indices = #map1}, {transform_indices = #map1}, {transform_indices = #map1}, {transform_indices = #map}, {transform_indices = #map}]} {
    %iota3A = tpu.iota {dimensions = array<i32: 0>} : vector<16xi32>
    %broadcast_in_dim3A = arith.constant 8 : i32
    %broadcast_in_dim3A_0 = vector.broadcast %broadcast_in_dim3A : i32 to vector<16xi32>
    %mul3A = arith.constant 8192 : i32
    %mul3A_1 = arith.muli %arg1, %mul3A : i32
    %multiple_of3A = tpu.assume_multiple %mul3A_1, 8 : i32
    "tpu.region"() ({
      %run_scoped3A = tpu.sem_alloc : memref<!tpu.dma_semaphore, #tpu.memory_space<semaphore_mem>>
      %dma_start3A = tpu.memref_slice %arg2[%multiple_of3A] : memref<131072xi32, #tpu.memory_space<hbm>> -> memref<8192xi32, #tpu.memory_space<hbm>>
      %dma_start3A_56 = tpu.memref_slice %arg2[%multiple_of3A] : memref<131072xi32, #tpu.memory_space<hbm>> -> memref<8192xi32, #tpu.memory_space<hbm>>
      tpu.enqueue_dma source(%dma_start3A_56 : memref<8192xi32, #tpu.memory_space<hbm>>) target(%arg8 : memref<8192xi32, #tpu.memory_space<vmem>>) target_semaphore(%run_scoped3A : memref<!tpu.dma_semaphore, #tpu.memory_space<semaphore_mem>>)
      %dma_wait3A = tpu.memref_slice %arg2[%multiple_of3A] : memref<131072xi32, #tpu.memory_space<hbm>> -> memref<8192xi32, #tpu.memory_space<hbm>>
      %dma_wait3A_57 = tpu.memref_slice %arg2[%multiple_of3A] : memref<131072xi32, #tpu.memory_space<hbm>> -> memref<8192xi32, #tpu.memory_space<hbm>>
      tpu.wait_dma2 semaphore(%run_scoped3A : memref<!tpu.dma_semaphore, #tpu.memory_space<semaphore_mem>>) src(%dma_wait3A_57 : memref<8192xi32, #tpu.memory_space<hbm>>) dst(%arg8 : memref<8192xi32, #tpu.memory_space<vmem>>)
      tpu.yield
    }) : () -> ()
    %scan3A = arith.constant 0 : i32
    %scan3A_2 = arith.constant 0 : i32
    %scan3A_3 = arith.constant 65 : i32
    %scan3A_4 = arith.addi %scan3A_2, %scan3A_3 : i32
    %scan3A_5 = arith.constant 1 : i32
    %scan3A_6 = scf.for %scan3A_56 = %scan3A_2 to %scan3A_4 step %scan3A_5 iter_args(%scan3A_57 = %scan3A) -> (i32)  : i32 {
      %broadcast_in_dim3A_58 = arith.constant 0 : i32
      %broadcast_in_dim3A_59 = vector.broadcast %broadcast_in_dim3A_58 : i32 to vector<16xi32>
      %mul3A_60 = arith.constant 16 : i32
      %mul3A_61 = arith.muli %scan3A_56, %mul3A_60 : i32
      %swap3A_62 = arith.index_cast %mul3A_61 : i32 to index
      %swap3A_63 = tpu.vector_load %arg10[%swap3A_62] {strides = array<i32>} : memref<1040xi32, #tpu.memory_space<vmem>>, vector<16xi32>,
      tpu.vector_store %arg10[%swap3A_62], %broadcast_in_dim3A_59 {strides = array<i32>} : memref<1040xi32, #tpu.memory_space<vmem>>, vector<16xi32>,
      %scan3A_64 = arith.constant 0 : i32
      scf.yield %scan3A_64 : i32
    }
    %scan3A_7 = arith.constant 65 : i32
    %scan3A_8 = arith.constant 0 : i32
    %scan3A_9 = arith.constant 0 : i32
    %scan3A_10 = arith.constant 512 : i32
    %scan3A_11 = arith.addi %scan3A_9, %scan3A_10 : i32
    %scan3A_12 = arith.constant 1 : i32
    %scan3A_13 = scf.for %scan3A_56 = %scan3A_9 to %scan3A_11 step %scan3A_12 iter_args(%scan3A_57 = %scan3A_8) -> (i32)  : i32 {
      %mul3A_58 = arith.constant 16 : i32
      %mul3A_59 = arith.muli %scan3A_56, %mul3A_58 : i32
      %get3A = arith.index_cast %mul3A_59 : i32 to index
      %get3A_60 = tpu.vector_load %arg8[%get3A] {strides = array<i32>} : memref<8192xi32, #tpu.memory_space<vmem>>, vector<16xi32>,
      %shift_right_logical3A = arith.shrui %get3A_60, %broadcast_in_dim3A_0 : vector<16xi32>
      %iota3A_61 = tpu.iota {dimensions = array<i32: 0>} : vector<16xi32>
      %broadcast_in_dim3A_62 = arith.constant 1 : i32
      %broadcast_in_dim3A_63 = vector.broadcast %broadcast_in_dim3A_62 : i32 to vector<16xi32>
      %broadcast_in_dim3A_64 = arith.constant 0 : i32
      %broadcast_in_dim3A_65 = vector.broadcast %broadcast_in_dim3A_64 : i32 to vector<16xi32>
      %broadcast_in_dim3A_66 = arith.constant 0 : i32
      %broadcast_in_dim3A_67 = vector.broadcast %broadcast_in_dim3A_66 : i32 to vector<16xi32>
      %broadcast_in_dim3A_68 = arith.constant 0 : i32
      %broadcast_in_dim3A_69 = vector.broadcast %broadcast_in_dim3A_68 : i32 to vector<16xi32>
      %slice3A = vector.extract_strided_slice %shift_right_logical3A {offsets = [0], sizes = [1], strides = [1]} : vector<16xi32> to vector<1xi32>
      %squeeze3A = vector.extract %slice3A[0] : i32 from vector<1xi32>
      %eq3A_70 = vector.broadcast %squeeze3A : i32 to vector<16xi32>
      %eq3A_71 = arith.cmpi eq, %shift_right_logical3A, %eq3A_70 : vector<16xi32>
      %gt3A = arith.constant 0 : i32
      %gt3A_72 = vector.broadcast %gt3A : i32 to vector<16xi32>
      %gt3A_73 = arith.cmpi sgt, %iota3A_61, %gt3A_72 : vector<16xi32>
      %and3A = arith.andi %eq3A_71, %gt3A_73 : vector<16xi1>
      %select_n3A = arith.select %and3A, %broadcast_in_dim3A_63, %broadcast_in_dim3A_65 : vector<16xi1>, vector<16xi32>
      %add3A_74 = arith.addi %broadcast_in_dim3A_67, %select_n3A : vector<16xi32>
      %select_n3A_75 = arith.select %eq3A_71, %broadcast_in_dim3A_63, %broadcast_in_dim3A_65 : vector<16xi1>, vector<16xi32>
      %add3A_76 = arith.addi %broadcast_in_dim3A_69, %select_n3A_75 : vector<16xi32>
      %slice3A_77 = vector.extract_strided_slice %shift_right_logical3A {offsets = [1], sizes = [1], strides = [1]} : vector<16xi32> to vector<1xi32>
      %squeeze3A_78 = vector.extract %slice3A_77[0] : i32 from vector<1xi32>
      %eq3A_79 = vector.broadcast %squeeze3A_78 : i32 to vector<16xi32>
      %eq3A_80 = arith.cmpi eq, %shift_right_logical3A, %eq3A_79 : vector<16xi32>
      %gt3A_81 = arith.constant 1 : i32
      %gt3A_82 = vector.broadcast %gt3A_81 : i32 to vector<16xi32>
      %gt3A_83 = arith.cmpi sgt, %iota3A_61, %gt3A_82 : vector<16xi32>
      %and3A_84 = arith.andi %eq3A_80, %gt3A_83 : vector<16xi1>
      %select_n3A_85 = arith.select %and3A_84, %broadcast_in_dim3A_63, %broadcast_in_dim3A_65 : vector<16xi1>, vector<16xi32>
      %add3A_86 = arith.addi %add3A_74, %select_n3A_85 : vector<16xi32>
      %select_n3A_87 = arith.select %eq3A_80, %broadcast_in_dim3A_63, %broadcast_in_dim3A_65 : vector<16xi1>, vector<16xi32>
      %add3A_88 = arith.addi %add3A_76, %select_n3A_87 : vector<16xi32>
      %slice3A_89 = vector.extract_strided_slice %shift_right_logical3A {offsets = [2], sizes = [1], strides = [1]} : vector<16xi32> to vector<1xi32>
      %squeeze3A_90 = vector.extract %slice3A_89[0] : i32 from vector<1xi32>
      %eq3A_91 = vector.broadcast %squeeze3A_90 : i32 to vector<16xi32>
      %eq3A_92 = arith.cmpi eq, %shift_right_logical3A, %eq3A_91 : vector<16xi32>
      %gt3A_93 = arith.constant 2 : i32
      %gt3A_94 = vector.broadcast %gt3A_93 : i32 to vector<16xi32>
      %gt3A_95 = arith.cmpi sgt, %iota3A_61, %gt3A_94 : vector<16xi32>
      %and3A_96 = arith.andi %eq3A_92, %gt3A_95 : vector<16xi1>
      %select_n3A_97 = arith.select %and3A_96, %broadcast_in_dim3A_63, %broadcast_in_dim3A_65 : vector<16xi1>, vector<16xi32>
      %add3A_98 = arith.addi %add3A_86, %select_n3A_97 : vector<16xi32>
      %select_n3A_99 = arith.select %eq3A_92, %broadcast_in_dim3A_63, %broadcast_in_dim3A_65 : vector<16xi1>, vector<16xi32>
      %add3A_100 = arith.addi %add3A_88, %select_n3A_99 : vector<16xi32>
      %slice3A_101 = vector.extract_strided_slice %shift_right_logical3A {offsets = [3], sizes = [1], strides = [1]} : vector<16xi32> to vector<1xi32>
      %squeeze3A_102 = vector.extract %slice3A_101[0] : i32 from vector<1xi32>
      %eq3A_103 = vector.broadcast %squeeze3A_102 : i32 to vector<16xi32>
      %eq3A_104 = arith.cmpi eq, %shift_right_logical3A, %eq3A_103 : vector<16xi32>
      %gt3A_105 = arith.constant 3 : i32
      %gt3A_106 = vector.broadcast %gt3A_105 : i32 to vector<16xi32>
      %gt3A_107 = arith.cmpi sgt, %iota3A_61, %gt3A_106 : vector<16xi32>
      %and3A_108 = arith.andi %eq3A_104, %gt3A_107 : vector<16xi1>
      %select_n3A_109 = arith.select %and3A_108, %broadcast_in_dim3A_63, %broadcast_in_dim3A_65 : vector<16xi1>, vector<16xi32>
      %add3A_110 = arith.addi %add3A_98, %select_n3A_109 : vector<16xi32>
      %select_n3A_111 = arith.select %eq3A_104, %broadcast_in_dim3A_63, %broadcast_in_dim3A_65 : vector<16xi1>, vector<16xi32>
      %add3A_112 = arith.addi %add3A_100, %select_n3A_111 : vector<16xi32>
      %slice3A_113 = vector.extract_strided_slice %shift_right_logical3A {offsets = [4], sizes = [1], strides = [1]} : vector<16xi32> to vector<1xi32>
      %squeeze3A_114 = vector.extract %slice3A_113[0] : i32 from vector<1xi32>
      %eq3A_115 = vector.broadcast %squeeze3A_114 : i32 to vector<16xi32>
      %eq3A_116 = arith.cmpi eq, %shift_right_logical3A, %eq3A_115 : vector<16xi32>
      %gt3A_117 = arith.constant 4 : i32
      %gt3A_118 = vector.broadcast %gt3A_117 : i32 to vector<16xi32>
      %gt3A_119 = arith.cmpi sgt, %iota3A_61, %gt3A_118 : vector<16xi32>
      %and3A_120 = arith.andi %eq3A_116, %gt3A_119 : vector<16xi1>
      %select_n3A_121 = arith.select %and3A_120, %broadcast_in_dim3A_63, %broadcast_in_dim3A_65 : vector<16xi1>, vector<16xi32>
      %add3A_122 = arith.addi %add3A_110, %select_n3A_121 : vector<16xi32>
      %select_n3A_123 = arith.select %eq3A_116, %broadcast_in_dim3A_63, %broadcast_in_dim3A_65 : vector<16xi1>, vector<16xi32>
      %add3A_124 = arith.addi %add3A_112, %select_n3A_123 : vector<16xi32>
      %slice3A_125 = vector.extract_strided_slice %shift_right_logical3A {offsets = [5], sizes = [1], strides = [1]} : vector<16xi32> to vector<1xi32>
      %squeeze3A_126 = vector.extract %slice3A_125[0] : i32 from vector<1xi32>
      %eq3A_127 = vector.broadcast %squeeze3A_126 : i32 to vector<16xi32>
      %eq3A_128 = arith.cmpi eq, %shift_right_logical3A, %eq3A_127 : vector<16xi32>
      %gt3A_129 = arith.constant 5 : i32
      %gt3A_130 = vector.broadcast %gt3A_129 : i32 to vector<16xi32>
      %gt3A_131 = arith.cmpi sgt, %iota3A_61, %gt3A_130 : vector<16xi32>
      %and3A_132 = arith.andi %eq3A_128, %gt3A_131 : vector<16xi1>
      %select_n3A_133 = arith.select %and3A_132, %broadcast_in_dim3A_63, %broadcast_in_dim3A_65 : vector<16xi1>, vector<16xi32>
      %add3A_134 = arith.addi %add3A_122, %select_n3A_133 : vector<16xi32>
      %select_n3A_135 = arith.select %eq3A_128, %broadcast_in_dim3A_63, %broadcast_in_dim3A_65 : vector<16xi1>, vector<16xi32>
      %add3A_136 = arith.addi %add3A_124, %select_n3A_135 : vector<16xi32>
      %slice3A_137 = vector.extract_strided_slice %shift_right_logical3A {offsets = [6], sizes = [1], strides = [1]} : vector<16xi32> to vector<1xi32>
      %squeeze3A_138 = vector.extract %slice3A_137[0] : i32 from vector<1xi32>
      %eq3A_139 = vector.broadcast %squeeze3A_138 : i32 to vector<16xi32>
      %eq3A_140 = arith.cmpi eq, %shift_right_logical3A, %eq3A_139 : vector<16xi32>
      %gt3A_141 = arith.constant 6 : i32
      %gt3A_142 = vector.broadcast %gt3A_141 : i32 to vector<16xi32>
      %gt3A_143 = arith.cmpi sgt, %iota3A_61, %gt3A_142 : vector<16xi32>
      %and3A_144 = arith.andi %eq3A_140, %gt3A_143 : vector<16xi1>
      %select_n3A_145 = arith.select %and3A_144, %broadcast_in_dim3A_63, %broadcast_in_dim3A_65 : vector<16xi1>, vector<16xi32>
      %add3A_146 = arith.addi %add3A_134, %select_n3A_145 : vector<16xi32>
      %select_n3A_147 = arith.select %eq3A_140, %broadcast_in_dim3A_63, %broadcast_in_dim3A_65 : vector<16xi1>, vector<16xi32>
      %add3A_148 = arith.addi %add3A_136, %select_n3A_147 : vector<16xi32>
      %slice3A_149 = vector.extract_strided_slice %shift_right_logical3A {offsets = [7], sizes = [1], strides = [1]} : vector<16xi32> to vector<1xi32>
      %squeeze3A_150 = vector.extract %slice3A_149[0] : i32 from vector<1xi32>
      %eq3A_151 = vector.broadcast %squeeze3A_150 : i32 to vector<16xi32>
      %eq3A_152 = arith.cmpi eq, %shift_right_logical3A, %eq3A_151 : vector<16xi32>
      %gt3A_153 = arith.constant 7 : i32
      %gt3A_154 = vector.broadcast %gt3A_153 : i32 to vector<16xi32>
      %gt3A_155 = arith.cmpi sgt, %iota3A_61, %gt3A_154 : vector<16xi32>
      %and3A_156 = arith.andi %eq3A_152, %gt3A_155 : vector<16xi1>
      %select_n3A_157 = arith.select %and3A_156, %broadcast_in_dim3A_63, %broadcast_in_dim3A_65 : vector<16xi1>, vector<16xi32>
      %add3A_158 = arith.addi %add3A_146, %select_n3A_157 : vector<16xi32>
      %select_n3A_159 = arith.select %eq3A_152, %broadcast_in_dim3A_63, %broadcast_in_dim3A_65 : vector<16xi1>, vector<16xi32>
      %add3A_160 = arith.addi %add3A_148, %select_n3A_159 : vector<16xi32>
      %slice3A_161 = vector.extract_strided_slice %shift_right_logical3A {offsets = [8], sizes = [1], strides = [1]} : vector<16xi32> to vector<1xi32>
      %squeeze3A_162 = vector.extract %slice3A_161[0] : i32 from vector<1xi32>
      %eq3A_163 = vector.broadcast %squeeze3A_162 : i32 to vector<16xi32>
      %eq3A_164 = arith.cmpi eq, %shift_right_logical3A, %eq3A_163 : vector<16xi32>
      %gt3A_165 = arith.constant 8 : i32
      %gt3A_166 = vector.broadcast %gt3A_165 : i32 to vector<16xi32>
      %gt3A_167 = arith.cmpi sgt, %iota3A_61, %gt3A_166 : vector<16xi32>
      %and3A_168 = arith.andi %eq3A_164, %gt3A_167 : vector<16xi1>
      %select_n3A_169 = arith.select %and3A_168, %broadcast_in_dim3A_63, %broadcast_in_dim3A_65 : vector<16xi1>, vector<16xi32>
      %add3A_170 = arith.addi %add3A_158, %select_n3A_169 : vector<16xi32>
      %select_n3A_171 = arith.select %eq3A_164, %broadcast_in_dim3A_63, %broadcast_in_dim3A_65 : vector<16xi1>, vector<16xi32>
      %add3A_172 = arith.addi %add3A_160, %select_n3A_171 : vector<16xi32>
      %slice3A_173 = vector.extract_strided_slice %shift_right_logical3A {offsets = [9], sizes = [1], strides = [1]} : vector<16xi32> to vector<1xi32>
      %squeeze3A_174 = vector.extract %slice3A_173[0] : i32 from vector<1xi32>
      %eq3A_175 = vector.broadcast %squeeze3A_174 : i32 to vector<16xi32>
      %eq3A_176 = arith.cmpi eq, %shift_right_logical3A, %eq3A_175 : vector<16xi32>
      %gt3A_177 = arith.constant 9 : i32
      %gt3A_178 = vector.broadcast %gt3A_177 : i32 to vector<16xi32>
      %gt3A_179 = arith.cmpi sgt, %iota3A_61, %gt3A_178 : vector<16xi32>
      %and3A_180 = arith.andi %eq3A_176, %gt3A_179 : vector<16xi1>
      %select_n3A_181 = arith.select %and3A_180, %broadcast_in_dim3A_63, %broadcast_in_dim3A_65 : vector<16xi1>, vector<16xi32>
      %add3A_182 = arith.addi %add3A_170, %select_n3A_181 : vector<16xi32>
      %select_n3A_183 = arith.select %eq3A_176, %broadcast_in_dim3A_63, %broadcast_in_dim3A_65 : vector<16xi1>, vector<16xi32>
      %add3A_184 = arith.addi %add3A_172, %select_n3A_183 : vector<16xi32>
      %slice3A_185 = vector.extract_strided_slice %shift_right_logical3A {offsets = [10], sizes = [1], strides = [1]} : vector<16xi32> to vector<1xi32>
      %squeeze3A_186 = vector.extract %slice3A_185[0] : i32 from vector<1xi32>
      %eq3A_187 = vector.broadcast %squeeze3A_186 : i32 to vector<16xi32>
      %eq3A_188 = arith.cmpi eq, %shift_right_logical3A, %eq3A_187 : vector<16xi32>
      %gt3A_189 = arith.constant 10 : i32
      %gt3A_190 = vector.broadcast %gt3A_189 : i32 to vector<16xi32>
      %gt3A_191 = arith.cmpi sgt, %iota3A_61, %gt3A_190 : vector<16xi32>
      %and3A_192 = arith.andi %eq3A_188, %gt3A_191 : vector<16xi1>
      %select_n3A_193 = arith.select %and3A_192, %broadcast_in_dim3A_63, %broadcast_in_dim3A_65 : vector<16xi1>, vector<16xi32>
      %add3A_194 = arith.addi %add3A_182, %select_n3A_193 : vector<16xi32>
      %select_n3A_195 = arith.select %eq3A_188, %broadcast_in_dim3A_63, %broadcast_in_dim3A_65 : vector<16xi1>, vector<16xi32>
      %add3A_196 = arith.addi %add3A_184, %select_n3A_195 : vector<16xi32>
      %slice3A_197 = vector.extract_strided_slice %shift_right_logical3A {offsets = [11], sizes = [1], strides = [1]} : vector<16xi32> to vector<1xi32>
      %squeeze3A_198 = vector.extract %slice3A_197[0] : i32 from vector<1xi32>
      %eq3A_199 = vector.broadcast %squeeze3A_198 : i32 to vector<16xi32>
      %eq3A_200 = arith.cmpi eq, %shift_right_logical3A, %eq3A_199 : vector<16xi32>
      %gt3A_201 = arith.constant 11 : i32
      %gt3A_202 = vector.broadcast %gt3A_201 : i32 to vector<16xi32>
      %gt3A_203 = arith.cmpi sgt, %iota3A_61, %gt3A_202 : vector<16xi32>
      %and3A_204 = arith.andi %eq3A_200, %gt3A_203 : vector<16xi1>
      %select_n3A_205 = arith.select %and3A_204, %broadcast_in_dim3A_63, %broadcast_in_dim3A_65 : vector<16xi1>, vector<16xi32>
      %add3A_206 = arith.addi %add3A_194, %select_n3A_205 : vector<16xi32>
      %select_n3A_207 = arith.select %eq3A_200, %broadcast_in_dim3A_63, %broadcast_in_dim3A_65 : vector<16xi1>, vector<16xi32>
      %add3A_208 = arith.addi %add3A_196, %select_n3A_207 : vector<16xi32>
      %slice3A_209 = vector.extract_strided_slice %shift_right_logical3A {offsets = [12], sizes = [1], strides = [1]} : vector<16xi32> to vector<1xi32>
      %squeeze3A_210 = vector.extract %slice3A_209[0] : i32 from vector<1xi32>
      %eq3A_211 = vector.broadcast %squeeze3A_210 : i32 to vector<16xi32>
      %eq3A_212 = arith.cmpi eq, %shift_right_logical3A, %eq3A_211 : vector<16xi32>
      %gt3A_213 = arith.constant 12 : i32
      %gt3A_214 = vector.broadcast %gt3A_213 : i32 to vector<16xi32>
      %gt3A_215 = arith.cmpi sgt, %iota3A_61, %gt3A_214 : vector<16xi32>
      %and3A_216 = arith.andi %eq3A_212, %gt3A_215 : vector<16xi1>
      %select_n3A_217 = arith.select %and3A_216, %broadcast_in_dim3A_63, %broadcast_in_dim3A_65 : vector<16xi1>, vector<16xi32>
      %add3A_218 = arith.addi %add3A_206, %select_n3A_217 : vector<16xi32>
      %select_n3A_219 = arith.select %eq3A_212, %broadcast_in_dim3A_63, %broadcast_in_dim3A_65 : vector<16xi1>, vector<16xi32>
      %add3A_220 = arith.addi %add3A_208, %select_n3A_219 : vector<16xi32>
      %slice3A_221 = vector.extract_strided_slice %shift_right_logical3A {offsets = [13], sizes = [1], strides = [1]} : vector<16xi32> to vector<1xi32>
      %squeeze3A_222 = vector.extract %slice3A_221[0] : i32 from vector<1xi32>
      %eq3A_223 = vector.broadcast %squeeze3A_222 : i32 to vector<16xi32>
      %eq3A_224 = arith.cmpi eq, %shift_right_logical3A, %eq3A_223 : vector<16xi32>
      %gt3A_225 = arith.constant 13 : i32
      %gt3A_226 = vector.broadcast %gt3A_225 : i32 to vector<16xi32>
      %gt3A_227 = arith.cmpi sgt, %iota3A_61, %gt3A_226 : vector<16xi32>
      %and3A_228 = arith.andi %eq3A_224, %gt3A_227 : vector<16xi1>
      %select_n3A_229 = arith.select %and3A_228, %broadcast_in_dim3A_63, %broadcast_in_dim3A_65 : vector<16xi1>, vector<16xi32>
      %add3A_230 = arith.addi %add3A_218, %select_n3A_229 : vector<16xi32>
      %select_n3A_231 = arith.select %eq3A_224, %broadcast_in_dim3A_63, %broadcast_in_dim3A_65 : vector<16xi1>, vector<16xi32>
      %add3A_232 = arith.addi %add3A_220, %select_n3A_231 : vector<16xi32>
      %slice3A_233 = vector.extract_strided_slice %shift_right_logical3A {offsets = [14], sizes = [1], strides = [1]} : vector<16xi32> to vector<1xi32>
      %squeeze3A_234 = vector.extract %slice3A_233[0] : i32 from vector<1xi32>
      %eq3A_235 = vector.broadcast %squeeze3A_234 : i32 to vector<16xi32>
      %eq3A_236 = arith.cmpi eq, %shift_right_logical3A, %eq3A_235 : vector<16xi32>
      %gt3A_237 = arith.constant 14 : i32
      %gt3A_238 = vector.broadcast %gt3A_237 : i32 to vector<16xi32>
      %gt3A_239 = arith.cmpi sgt, %iota3A_61, %gt3A_238 : vector<16xi32>
      %and3A_240 = arith.andi %eq3A_236, %gt3A_239 : vector<16xi1>
      %select_n3A_241 = arith.select %and3A_240, %broadcast_in_dim3A_63, %broadcast_in_dim3A_65 : vector<16xi1>, vector<16xi32>
      %add3A_242 = arith.addi %add3A_230, %select_n3A_241 : vector<16xi32>
      %select_n3A_243 = arith.select %eq3A_236, %broadcast_in_dim3A_63, %broadcast_in_dim3A_65 : vector<16xi1>, vector<16xi32>
      %add3A_244 = arith.addi %add3A_232, %select_n3A_243 : vector<16xi32>
      %slice3A_245 = vector.extract_strided_slice %shift_right_logical3A {offsets = [15], sizes = [1], strides = [1]} : vector<16xi32> to vector<1xi32>
      %squeeze3A_246 = vector.extract %slice3A_245[0] : i32 from vector<1xi32>
      %eq3A_247 = vector.broadcast %squeeze3A_246 : i32 to vector<16xi32>
      %eq3A_248 = arith.cmpi eq, %shift_right_logical3A, %eq3A_247 : vector<16xi32>
      %gt3A_249 = arith.constant 15 : i32
      %gt3A_250 = vector.broadcast %gt3A_249 : i32 to vector<16xi32>
      %gt3A_251 = arith.cmpi sgt, %iota3A_61, %gt3A_250 : vector<16xi32>
      %and3A_252 = arith.andi %eq3A_248, %gt3A_251 : vector<16xi1>
      %select_n3A_253 = arith.select %and3A_252, %broadcast_in_dim3A_63, %broadcast_in_dim3A_65 : vector<16xi1>, vector<16xi32>
      %add3A_254 = arith.addi %add3A_242, %select_n3A_253 : vector<16xi32>
      %select_n3A_255 = arith.select %eq3A_248, %broadcast_in_dim3A_63, %broadcast_in_dim3A_65 : vector<16xi1>, vector<16xi32>
      %add3A_256 = arith.addi %add3A_244, %select_n3A_255 : vector<16xi32>
      %sub3A = arith.constant 1 : i32
      %sub3A_257 = vector.broadcast %sub3A : i32 to vector<16xi32>
      %sub3A_258 = arith.subi %add3A_256, %sub3A_257 : vector<16xi32>
      %eq3A_259 = arith.cmpi eq, %add3A_254, %sub3A_258 : vector<16xi32>
      %gather3A = tpu.vector_load_idx %arg10[%shift_right_logical3A] : memref<1040xi32, #tpu.memory_space<vmem>>[vector<16xi32>], vector<16xi32>,
      %add3A_260 = arith.addi %gather3A, %add3A_254 : vector<16xi32>
      %add3A_261 = arith.constant 1 : i32
      %add3A_262 = vector.broadcast %add3A_261 : i32 to vector<16xi32>
      %add3A_263 = arith.addi %add3A_260, %add3A_262 : vector<16xi32>
      tpu.vector_store_idx %arg10[%shift_right_logical3A], %add3A_263 masked %eq3A_259 : memref<1040xi32, #tpu.memory_space<vmem>>[vector<16xi32>], vector<16xi32>, vector<16xi1>
      %scan3A_264 = arith.constant 0 : i32
      scf.yield %scan3A_264 : i32
    }
    %scan3A_14 = arith.constant 512 : i32
    "tpu.region"() ({
      %run_scoped3A = tpu.sem_alloc : memref<!tpu.dma_semaphore, #tpu.memory_space<semaphore_mem>>
      %dma_start3A = arith.constant 0 : i32
      %dma_start3A_56 = tpu.memref_slice %arg22[%arg1, %dma_start3A] : memref<16x1040xi32, #tpu.memory_space<vmem_shared>> -> memref<1x1040xi32, #tpu.memory_space<vmem_shared>>
      %dma_start3A_57 = tpu.memref_squeeze %dma_start3A_56 : memref<1x1040xi32, #tpu.memory_space<vmem_shared>> -> memref<1040xi32, #tpu.memory_space<vmem_shared>>
      %dma_start3A_58 = arith.constant 0 : i32
      %dma_start3A_59 = tpu.memref_slice %arg22[%arg1, %dma_start3A_58] : memref<16x1040xi32, #tpu.memory_space<vmem_shared>> -> memref<1x1040xi32, #tpu.memory_space<vmem_shared>>
      %dma_start3A_60 = tpu.memref_squeeze %dma_start3A_59 : memref<1x1040xi32, #tpu.memory_space<vmem_shared>> -> memref<1040xi32, #tpu.memory_space<vmem_shared>>
      tpu.enqueue_dma source(%arg10 : memref<1040xi32, #tpu.memory_space<vmem>>) target(%dma_start3A_60 : memref<1040xi32, #tpu.memory_space<vmem_shared>>) target_semaphore(%run_scoped3A : memref<!tpu.dma_semaphore, #tpu.memory_space<semaphore_mem>>)
      %dma_wait3A = arith.constant 0 : i32
      %dma_wait3A_61 = tpu.memref_slice %arg22[%arg1, %dma_wait3A] : memref<16x1040xi32, #tpu.memory_space<vmem_shared>> -> memref<1x1040xi32, #tpu.memory_space<vmem_shared>>
      %dma_wait3A_62 = tpu.memref_squeeze %dma_wait3A_61 : memref<1x1040xi32, #tpu.memory_space<vmem_shared>> -> memref<1040xi32, #tpu.memory_space<vmem_shared>>
      %dma_wait3A_63 = arith.constant 0 : i32
      %dma_wait3A_64 = tpu.memref_slice %arg22[%arg1, %dma_wait3A_63] : memref<16x1040xi32, #tpu.memory_space<vmem_shared>> -> memref<1x1040xi32, #tpu.memory_space<vmem_shared>>
      %dma_wait3A_65 = tpu.memref_squeeze %dma_wait3A_64 : memref<1x1040xi32, #tpu.memory_space<vmem_shared>> -> memref<1040xi32, #tpu.memory_space<vmem_shared>>
      tpu.wait_dma2 semaphore(%run_scoped3A : memref<!tpu.dma_semaphore, #tpu.memory_space<semaphore_mem>>) src(%arg10 : memref<1040xi32, #tpu.memory_space<vmem>>) dst(%dma_wait3A_65 : memref<1040xi32, #tpu.memory_space<vmem_shared>>)
      tpu.yield
    }) : () -> ()
    %barrier3A = arith.constant 0 : index
    tpu.barrier barrier_id(%barrier3A)
    "tpu.region"() ({
      %run_scoped3A = tpu.sem_alloc : memref<!tpu.dma_semaphore, #tpu.memory_space<semaphore_mem>>
      tpu.enqueue_dma source(%arg22 : memref<16x1040xi32, #tpu.memory_space<vmem_shared>>) target(%arg9 : memref<16x1040xi32, #tpu.memory_space<vmem>>) target_semaphore(%run_scoped3A : memref<!tpu.dma_semaphore, #tpu.memory_space<semaphore_mem>>)
      tpu.wait_dma2 semaphore(%run_scoped3A : memref<!tpu.dma_semaphore, #tpu.memory_space<semaphore_mem>>) src(%arg22 : memref<16x1040xi32, #tpu.memory_space<vmem_shared>>) dst(%arg9 : memref<16x1040xi32, #tpu.memory_space<vmem>>)
      tpu.yield
    }) : () -> ()
    %scan3A_15 = arith.constant 0 : i32
    %scan3A_16 = arith.constant 0 : i32
    %scan3A_17 = arith.constant 65 : i32
    %scan3A_18 = arith.addi %scan3A_16, %scan3A_17 : i32
    %scan3A_19 = arith.constant 1 : i32
    %scan3A_20 = scf.for %scan3A_56 = %scan3A_16 to %scan3A_18 step %scan3A_19 iter_args(%scan3A_57 = %scan3A_15) -> (i32)  : i32 {
      %mul3A_58 = arith.constant 16 : i32
      %mul3A_59 = arith.muli %scan3A_56, %mul3A_58 : i32
      %broadcast_in_dim3A_60 = arith.constant 0 : i32
      %broadcast_in_dim3A_61 = vector.broadcast %broadcast_in_dim3A_60 : i32 to vector<16xi32>
      %broadcast_in_dim3A_62 = arith.constant 0 : i32
      %broadcast_in_dim3A_63 = vector.broadcast %broadcast_in_dim3A_62 : i32 to vector<16xi32>
      %get3A = arith.constant 0 : i32
      %get3A_64 = arith.index_cast %get3A : i32 to index
      %get3A_65 = arith.index_cast %mul3A_59 : i32 to index
      %get3A_66 = tpu.vector_load %arg9[%get3A_64, %get3A_65] {strides = array<i32>} : memref<16x1040xi32, #tpu.memory_space<vmem>>, vector<16xi32>,
      %add3A_67 = arith.addi %broadcast_in_dim3A_61, %get3A_66 : vector<16xi32>
      %gt3A = arith.constant 0 : i32
      %gt3A_68 = arith.cmpi sgt, %arg1, %gt3A : i32
      %jit3A = arith.constant 1 : i32
      %jit3A_69 = arith.constant 0 : i32
      %select_n3A = arith.select %gt3A_68, %jit3A, %jit3A_69 : i32
      %mul3A_70 = vector.broadcast %select_n3A : i32 to vector<16xi32>
      %mul3A_71 = arith.muli %get3A_66, %mul3A_70 : vector<16xi32>
      %add3A_72 = arith.addi %broadcast_in_dim3A_63, %mul3A_71 : vector<16xi32>
      %get3A_73 = arith.constant 1 : i32
      %get3A_74 = arith.index_cast %get3A_73 : i32 to index
      %get3A_75 = arith.index_cast %mul3A_59 : i32 to index
      %get3A_76 = tpu.vector_load %arg9[%get3A_74, %get3A_75] {strides = array<i32>} : memref<16x1040xi32, #tpu.memory_space<vmem>>, vector<16xi32>,
      %add3A_77 = arith.addi %add3A_67, %get3A_76 : vector<16xi32>
      %gt3A_78 = arith.constant 1 : i32
      %gt3A_79 = arith.cmpi sgt, %arg1, %gt3A_78 : i32
      %jit3A_80 = arith.constant 1 : i32
      %jit3A_81 = arith.constant 0 : i32
      %select_n3A_82 = arith.select %gt3A_79, %jit3A_80, %jit3A_81 : i32
      %mul3A_83 = vector.broadcast %select_n3A_82 : i32 to vector<16xi32>
      %mul3A_84 = arith.muli %get3A_76, %mul3A_83 : vector<16xi32>
      %add3A_85 = arith.addi %add3A_72, %mul3A_84 : vector<16xi32>
      %get3A_86 = arith.constant 2 : i32
      %get3A_87 = arith.index_cast %get3A_86 : i32 to index
      %get3A_88 = arith.index_cast %mul3A_59 : i32 to index
      %get3A_89 = tpu.vector_load %arg9[%get3A_87, %get3A_88] {strides = array<i32>} : memref<16x1040xi32, #tpu.memory_space<vmem>>, vector<16xi32>,
      %add3A_90 = arith.addi %add3A_77, %get3A_89 : vector<16xi32>
      %gt3A_91 = arith.constant 2 : i32
      %gt3A_92 = arith.cmpi sgt, %arg1, %gt3A_91 : i32
      %jit3A_93 = arith.constant 1 : i32
      %jit3A_94 = arith.constant 0 : i32
      %select_n3A_95 = arith.select %gt3A_92, %jit3A_93, %jit3A_94 : i32
      %mul3A_96 = vector.broadcast %select_n3A_95 : i32 to vector<16xi32>
      %mul3A_97 = arith.muli %get3A_89, %mul3A_96 : vector<16xi32>
      %add3A_98 = arith.addi %add3A_85, %mul3A_97 : vector<16xi32>
      %get3A_99 = arith.constant 3 : i32
      %get3A_100 = arith.index_cast %get3A_99 : i32 to index
      %get3A_101 = arith.index_cast %mul3A_59 : i32 to index
      %get3A_102 = tpu.vector_load %arg9[%get3A_100, %get3A_101] {strides = array<i32>} : memref<16x1040xi32, #tpu.memory_space<vmem>>, vector<16xi32>,
      %add3A_103 = arith.addi %add3A_90, %get3A_102 : vector<16xi32>
      %gt3A_104 = arith.constant 3 : i32
      %gt3A_105 = arith.cmpi sgt, %arg1, %gt3A_104 : i32
      %jit3A_106 = arith.constant 1 : i32
      %jit3A_107 = arith.constant 0 : i32
      %select_n3A_108 = arith.select %gt3A_105, %jit3A_106, %jit3A_107 : i32
      %mul3A_109 = vector.broadcast %select_n3A_108 : i32 to vector<16xi32>
      %mul3A_110 = arith.muli %get3A_102, %mul3A_109 : vector<16xi32>
      %add3A_111 = arith.addi %add3A_98, %mul3A_110 : vector<16xi32>
      %get3A_112 = arith.constant 4 : i32
      %get3A_113 = arith.index_cast %get3A_112 : i32 to index
      %get3A_114 = arith.index_cast %mul3A_59 : i32 to index
      %get3A_115 = tpu.vector_load %arg9[%get3A_113, %get3A_114] {strides = array<i32>} : memref<16x1040xi32, #tpu.memory_space<vmem>>, vector<16xi32>,
      %add3A_116 = arith.addi %add3A_103, %get3A_115 : vector<16xi32>
      %gt3A_117 = arith.constant 4 : i32
      %gt3A_118 = arith.cmpi sgt, %arg1, %gt3A_117 : i32
      %jit3A_119 = arith.constant 1 : i32
      %jit3A_120 = arith.constant 0 : i32
      %select_n3A_121 = arith.select %gt3A_118, %jit3A_119, %jit3A_120 : i32
      %mul3A_122 = vector.broadcast %select_n3A_121 : i32 to vector<16xi32>
      %mul3A_123 = arith.muli %get3A_115, %mul3A_122 : vector<16xi32>
      %add3A_124 = arith.addi %add3A_111, %mul3A_123 : vector<16xi32>
      %get3A_125 = arith.constant 5 : i32
      %get3A_126 = arith.index_cast %get3A_125 : i32 to index
      %get3A_127 = arith.index_cast %mul3A_59 : i32 to index
      %get3A_128 = tpu.vector_load %arg9[%get3A_126, %get3A_127] {strides = array<i32>} : memref<16x1040xi32, #tpu.memory_space<vmem>>, vector<16xi32>,
      %add3A_129 = arith.addi %add3A_116, %get3A_128 : vector<16xi32>
      %gt3A_130 = arith.constant 5 : i32
      %gt3A_131 = arith.cmpi sgt, %arg1, %gt3A_130 : i32
      %jit3A_132 = arith.constant 1 : i32
      %jit3A_133 = arith.constant 0 : i32
      %select_n3A_134 = arith.select %gt3A_131, %jit3A_132, %jit3A_133 : i32
      %mul3A_135 = vector.broadcast %select_n3A_134 : i32 to vector<16xi32>
      %mul3A_136 = arith.muli %get3A_128, %mul3A_135 : vector<16xi32>
      %add3A_137 = arith.addi %add3A_124, %mul3A_136 : vector<16xi32>
      %get3A_138 = arith.constant 6 : i32
      %get3A_139 = arith.index_cast %get3A_138 : i32 to index
      %get3A_140 = arith.index_cast %mul3A_59 : i32 to index
      %get3A_141 = tpu.vector_load %arg9[%get3A_139, %get3A_140] {strides = array<i32>} : memref<16x1040xi32, #tpu.memory_space<vmem>>, vector<16xi32>,
      %add3A_142 = arith.addi %add3A_129, %get3A_141 : vector<16xi32>
      %gt3A_143 = arith.constant 6 : i32
      %gt3A_144 = arith.cmpi sgt, %arg1, %gt3A_143 : i32
      %jit3A_145 = arith.constant 1 : i32
      %jit3A_146 = arith.constant 0 : i32
      %select_n3A_147 = arith.select %gt3A_144, %jit3A_145, %jit3A_146 : i32
      %mul3A_148 = vector.broadcast %select_n3A_147 : i32 to vector<16xi32>
      %mul3A_149 = arith.muli %get3A_141, %mul3A_148 : vector<16xi32>
      %add3A_150 = arith.addi %add3A_137, %mul3A_149 : vector<16xi32>
      %get3A_151 = arith.constant 7 : i32
      %get3A_152 = arith.index_cast %get3A_151 : i32 to index
      %get3A_153 = arith.index_cast %mul3A_59 : i32 to index
      %get3A_154 = tpu.vector_load %arg9[%get3A_152, %get3A_153] {strides = array<i32>} : memref<16x1040xi32, #tpu.memory_space<vmem>>, vector<16xi32>,
      %add3A_155 = arith.addi %add3A_142, %get3A_154 : vector<16xi32>
      %gt3A_156 = arith.constant 7 : i32
      %gt3A_157 = arith.cmpi sgt, %arg1, %gt3A_156 : i32
      %jit3A_158 = arith.constant 1 : i32
      %jit3A_159 = arith.constant 0 : i32
      %select_n3A_160 = arith.select %gt3A_157, %jit3A_158, %jit3A_159 : i32
      %mul3A_161 = vector.broadcast %select_n3A_160 : i32 to vector<16xi32>
      %mul3A_162 = arith.muli %get3A_154, %mul3A_161 : vector<16xi32>
      %add3A_163 = arith.addi %add3A_150, %mul3A_162 : vector<16xi32>
      %get3A_164 = arith.constant 8 : i32
      %get3A_165 = arith.index_cast %get3A_164 : i32 to index
      %get3A_166 = arith.index_cast %mul3A_59 : i32 to index
      %get3A_167 = tpu.vector_load %arg9[%get3A_165, %get3A_166] {strides = array<i32>} : memref<16x1040xi32, #tpu.memory_space<vmem>>, vector<16xi32>,
      %add3A_168 = arith.addi %add3A_155, %get3A_167 : vector<16xi32>
      %gt3A_169 = arith.constant 8 : i32
      %gt3A_170 = arith.cmpi sgt, %arg1, %gt3A_169 : i32
      %jit3A_171 = arith.constant 1 : i32
      %jit3A_172 = arith.constant 0 : i32
      %select_n3A_173 = arith.select %gt3A_170, %jit3A_171, %jit3A_172 : i32
      %mul3A_174 = vector.broadcast %select_n3A_173 : i32 to vector<16xi32>
      %mul3A_175 = arith.muli %get3A_167, %mul3A_174 : vector<16xi32>
      %add3A_176 = arith.addi %add3A_163, %mul3A_175 : vector<16xi32>
      %get3A_177 = arith.constant 9 : i32
      %get3A_178 = arith.index_cast %get3A_177 : i32 to index
      %get3A_179 = arith.index_cast %mul3A_59 : i32 to index
      %get3A_180 = tpu.vector_load %arg9[%get3A_178, %get3A_179] {strides = array<i32>} : memref<16x1040xi32, #tpu.memory_space<vmem>>, vector<16xi32>,
      %add3A_181 = arith.addi %add3A_168, %get3A_180 : vector<16xi32>
      %gt3A_182 = arith.constant 9 : i32
      %gt3A_183 = arith.cmpi sgt, %arg1, %gt3A_182 : i32
      %jit3A_184 = arith.constant 1 : i32
      %jit3A_185 = arith.constant 0 : i32
      %select_n3A_186 = arith.select %gt3A_183, %jit3A_184, %jit3A_185 : i32
      %mul3A_187 = vector.broadcast %select_n3A_186 : i32 to vector<16xi32>
      %mul3A_188 = arith.muli %get3A_180, %mul3A_187 : vector<16xi32>
      %add3A_189 = arith.addi %add3A_176, %mul3A_188 : vector<16xi32>
      %get3A_190 = arith.constant 10 : i32
      %get3A_191 = arith.index_cast %get3A_190 : i32 to index
      %get3A_192 = arith.index_cast %mul3A_59 : i32 to index
      %get3A_193 = tpu.vector_load %arg9[%get3A_191, %get3A_192] {strides = array<i32>} : memref<16x1040xi32, #tpu.memory_space<vmem>>, vector<16xi32>,
      %add3A_194 = arith.addi %add3A_181, %get3A_193 : vector<16xi32>
      %gt3A_195 = arith.constant 10 : i32
      %gt3A_196 = arith.cmpi sgt, %arg1, %gt3A_195 : i32
      %jit3A_197 = arith.constant 1 : i32
      %jit3A_198 = arith.constant 0 : i32
      %select_n3A_199 = arith.select %gt3A_196, %jit3A_197, %jit3A_198 : i32
      %mul3A_200 = vector.broadcast %select_n3A_199 : i32 to vector<16xi32>
      %mul3A_201 = arith.muli %get3A_193, %mul3A_200 : vector<16xi32>
      %add3A_202 = arith.addi %add3A_189, %mul3A_201 : vector<16xi32>
      %get3A_203 = arith.constant 11 : i32
      %get3A_204 = arith.index_cast %get3A_203 : i32 to index
      %get3A_205 = arith.index_cast %mul3A_59 : i32 to index
      %get3A_206 = tpu.vector_load %arg9[%get3A_204, %get3A_205] {strides = array<i32>} : memref<16x1040xi32, #tpu.memory_space<vmem>>, vector<16xi32>,
      %add3A_207 = arith.addi %add3A_194, %get3A_206 : vector<16xi32>
      %gt3A_208 = arith.constant 11 : i32
      %gt3A_209 = arith.cmpi sgt, %arg1, %gt3A_208 : i32
      %jit3A_210 = arith.constant 1 : i32
      %jit3A_211 = arith.constant 0 : i32
      %select_n3A_212 = arith.select %gt3A_209, %jit3A_210, %jit3A_211 : i32
      %mul3A_213 = vector.broadcast %select_n3A_212 : i32 to vector<16xi32>
      %mul3A_214 = arith.muli %get3A_206, %mul3A_213 : vector<16xi32>
      %add3A_215 = arith.addi %add3A_202, %mul3A_214 : vector<16xi32>
      %get3A_216 = arith.constant 12 : i32
      %get3A_217 = arith.index_cast %get3A_216 : i32 to index
      %get3A_218 = arith.index_cast %mul3A_59 : i32 to index
      %get3A_219 = tpu.vector_load %arg9[%get3A_217, %get3A_218] {strides = array<i32>} : memref<16x1040xi32, #tpu.memory_space<vmem>>, vector<16xi32>,
      %add3A_220 = arith.addi %add3A_207, %get3A_219 : vector<16xi32>
      %gt3A_221 = arith.constant 12 : i32
      %gt3A_222 = arith.cmpi sgt, %arg1, %gt3A_221 : i32
      %jit3A_223 = arith.constant 1 : i32
      %jit3A_224 = arith.constant 0 : i32
      %select_n3A_225 = arith.select %gt3A_222, %jit3A_223, %jit3A_224 : i32
      %mul3A_226 = vector.broadcast %select_n3A_225 : i32 to vector<16xi32>
      %mul3A_227 = arith.muli %get3A_219, %mul3A_226 : vector<16xi32>
      %add3A_228 = arith.addi %add3A_215, %mul3A_227 : vector<16xi32>
      %get3A_229 = arith.constant 13 : i32
      %get3A_230 = arith.index_cast %get3A_229 : i32 to index
      %get3A_231 = arith.index_cast %mul3A_59 : i32 to index
      %get3A_232 = tpu.vector_load %arg9[%get3A_230, %get3A_231] {strides = array<i32>} : memref<16x1040xi32, #tpu.memory_space<vmem>>, vector<16xi32>,
      %add3A_233 = arith.addi %add3A_220, %get3A_232 : vector<16xi32>
      %gt3A_234 = arith.constant 13 : i32
      %gt3A_235 = arith.cmpi sgt, %arg1, %gt3A_234 : i32
      %jit3A_236 = arith.constant 1 : i32
      %jit3A_237 = arith.constant 0 : i32
      %select_n3A_238 = arith.select %gt3A_235, %jit3A_236, %jit3A_237 : i32
      %mul3A_239 = vector.broadcast %select_n3A_238 : i32 to vector<16xi32>
      %mul3A_240 = arith.muli %get3A_232, %mul3A_239 : vector<16xi32>
      %add3A_241 = arith.addi %add3A_228, %mul3A_240 : vector<16xi32>
      %get3A_242 = arith.constant 14 : i32
      %get3A_243 = arith.index_cast %get3A_242 : i32 to index
      %get3A_244 = arith.index_cast %mul3A_59 : i32 to index
      %get3A_245 = tpu.vector_load %arg9[%get3A_243, %get3A_244] {strides = array<i32>} : memref<16x1040xi32, #tpu.memory_space<vmem>>, vector<16xi32>,
      %add3A_246 = arith.addi %add3A_233, %get3A_245 : vector<16xi32>
      %gt3A_247 = arith.constant 14 : i32
      %gt3A_248 = arith.cmpi sgt, %arg1, %gt3A_247 : i32
      %jit3A_249 = arith.constant 1 : i32
      %jit3A_250 = arith.constant 0 : i32
      %select_n3A_251 = arith.select %gt3A_248, %jit3A_249, %jit3A_250 : i32
      %mul3A_252 = vector.broadcast %select_n3A_251 : i32 to vector<16xi32>
      %mul3A_253 = arith.muli %get3A_245, %mul3A_252 : vector<16xi32>
      %add3A_254 = arith.addi %add3A_241, %mul3A_253 : vector<16xi32>
      %get3A_255 = arith.constant 15 : i32
      %get3A_256 = arith.index_cast %get3A_255 : i32 to index
      %get3A_257 = arith.index_cast %mul3A_59 : i32 to index
      %get3A_258 = tpu.vector_load %arg9[%get3A_256, %get3A_257] {strides = array<i32>} : memref<16x1040xi32, #tpu.memory_space<vmem>>, vector<16xi32>,
      %add3A_259 = arith.addi %add3A_246, %get3A_258 : vector<16xi32>
      %gt3A_260 = arith.constant 15 : i32
      %gt3A_261 = arith.cmpi sgt, %arg1, %gt3A_260 : i32
      %jit3A_262 = arith.constant 1 : i32
      %jit3A_263 = arith.constant 0 : i32
      %select_n3A_264 = arith.select %gt3A_261, %jit3A_262, %jit3A_263 : i32
      %mul3A_265 = vector.broadcast %select_n3A_264 : i32 to vector<16xi32>
      %mul3A_266 = arith.muli %get3A_258, %mul3A_265 : vector<16xi32>
      %add3A_267 = arith.addi %add3A_254, %mul3A_266 : vector<16xi32>
      %broadcast_in_dim3A_268 = arith.constant true
      %broadcast_in_dim3A_269 = vector.broadcast %broadcast_in_dim3A_268 : i1 to vector<16xi1>
      %masked_cumsum3A = tpu.scan <sum>, %add3A_259 masked %broadcast_in_dim3A_269 : vector<16xi32>, vector<16xi1> -> vector<16xi32>
      %sub3A = arith.subi %masked_cumsum3A, %add3A_259 : vector<16xi32>
      %add3A_270 = vector.broadcast %scan3A_57 : i32 to vector<16xi32>
      %add3A_271 = arith.addi %sub3A, %add3A_270 : vector<16xi32>
      %swap3A_272 = arith.index_cast %mul3A_59 : i32 to index
      %swap3A_273 = tpu.vector_load %arg12[%swap3A_272] {strides = array<i32>} : memref<1040xi32, #tpu.memory_space<vmem>>, vector<16xi32>,
      tpu.vector_store %arg12[%swap3A_272], %add3A_271 {strides = array<i32>} : memref<1040xi32, #tpu.memory_space<vmem>>, vector<16xi32>,
      %swap3A_274 = arith.index_cast %mul3A_59 : i32 to index
      %swap3A_275 = tpu.vector_load %arg11[%swap3A_274] {strides = array<i32>} : memref<1040xi32, #tpu.memory_space<vmem>>, vector<16xi32>,
      tpu.vector_store %arg11[%swap3A_274], %add3A_259 {strides = array<i32>} : memref<1040xi32, #tpu.memory_space<vmem>>, vector<16xi32>,
      %add3A_276 = arith.addi %add3A_271, %add3A_267 : vector<16xi32>
      %swap3A_277 = arith.index_cast %mul3A_59 : i32 to index
      %swap3A_278 = tpu.vector_load %arg10[%swap3A_277] {strides = array<i32>} : memref<1040xi32, #tpu.memory_space<vmem>>, vector<16xi32>,
      tpu.vector_store %arg10[%swap3A_277], %add3A_276 {strides = array<i32>} : memref<1040xi32, #tpu.memory_space<vmem>>, vector<16xi32>,
      %reduce_sum3A = arith.constant true
      %reduce_sum3A_279 = vector.broadcast %reduce_sum3A : i1 to vector<16xi1>
      %reduce_sum3A_280 = tpu.scan <sum>, %add3A_259 masked %reduce_sum3A_279 : vector<16xi32>, vector<16xi1> -> vector<16xi32>
      %reduce_sum3A_281 = vector.extract %reduce_sum3A_280[15] : i32 from vector<16xi32>
      %add3A_282 = arith.addi %scan3A_57, %reduce_sum3A_281 : i32
      scf.yield %add3A_282 : i32
    }
    %scan3A_21 = arith.constant 65 : i32
    %eq3A = arith.constant 0 : i32
    %eq3A_22 = arith.cmpi eq, %arg1, %eq3A : i32
    %convert_element_type3A = arith.extui %eq3A_22 : i1 to i32
    %cond3A = arith.constant 0 : i32
    %cond3A_23 = arith.cmpi ne, %convert_element_type3A, %cond3A : i32
    scf.if %cond3A_23 {
      %scan3A_56 = arith.constant 0 : i32
      %scan3A_57 = arith.constant 0 : i32
      %scan3A_58 = arith.constant 44 : i32
      %scan3A_59 = arith.addi %scan3A_57, %scan3A_58 : i32
      %scan3A_60 = arith.constant 1 : i32
      %scan3A_61 = scf.for %scan3A_65 = %scan3A_57 to %scan3A_59 step %scan3A_60 iter_args(%scan3A_66 = %scan3A_56) -> (i32)  : i32 {
        %broadcast_in_dim3A_67 = arith.constant 0 : i32
        %broadcast_in_dim3A_68 = vector.broadcast %broadcast_in_dim3A_67 : i32 to vector<16xi32>
        %mul3A_69 = arith.constant 16 : i32
        %mul3A_70 = arith.muli %scan3A_65, %mul3A_69 : i32
        %swap3A_71 = arith.index_cast %mul3A_70 : i32 to index
        %swap3A_72 = tpu.vector_load %arg14[%swap3A_71] {strides = array<i32>} : memref<1024xi32, #tpu.memory_space<vmem>>, vector<16xi32>,
        tpu.vector_store %arg14[%swap3A_71], %broadcast_in_dim3A_68 {strides = array<i32>} : memref<1024xi32, #tpu.memory_space<vmem>>, vector<16xi32>,
        %scan3A_73 = arith.constant 0 : i32
        scf.yield %scan3A_73 : i32
      }
      %scan3A_62 = arith.constant 44 : i32
      %multiple_of3A_63 = arith.constant 131072 : i32
      %multiple_of3A_64 = tpu.assume_multiple %multiple_of3A_63, 8 : i32
      "tpu.region"() ({
        %run_scoped3A = tpu.sem_alloc : memref<!tpu.dma_semaphore, #tpu.memory_space<semaphore_mem>>
        %dma_start3A = arith.constant 0 : i32
        %dma_start3A_65 = tpu.memref_slice %arg14[%dma_start3A] : memref<1024xi32, #tpu.memory_space<vmem>> -> memref<704xi32, #tpu.memory_space<vmem>>
        %dma_start3A_66 = tpu.memref_slice %arg23[%multiple_of3A_64] : memref<131776xi32, #tpu.memory_space<vmem_shared>> -> memref<704xi32, #tpu.memory_space<vmem_shared>>
        %dma_start3A_67 = tpu.memref_slice %arg23[%multiple_of3A_64] : memref<131776xi32, #tpu.memory_space<vmem_shared>> -> memref<704xi32, #tpu.memory_space<vmem_shared>>
        %dma_start3A_68 = arith.constant 0 : i32
        %dma_start3A_69 = tpu.memref_slice %arg14[%dma_start3A_68] : memref<1024xi32, #tpu.memory_space<vmem>> -> memref<704xi32, #tpu.memory_space<vmem>>
        tpu.enqueue_dma source(%dma_start3A_69 : memref<704xi32, #tpu.memory_space<vmem>>) target(%dma_start3A_67 : memref<704xi32, #tpu.memory_space<vmem_shared>>) target_semaphore(%run_scoped3A : memref<!tpu.dma_semaphore, #tpu.memory_space<semaphore_mem>>)
        %dma_wait3A = arith.constant 0 : i32
        %dma_wait3A_70 = tpu.memref_slice %arg14[%dma_wait3A] : memref<1024xi32, #tpu.memory_space<vmem>> -> memref<704xi32, #tpu.memory_space<vmem>>
        %dma_wait3A_71 = tpu.memref_slice %arg23[%multiple_of3A_64] : memref<131776xi32, #tpu.memory_space<vmem_shared>> -> memref<704xi32, #tpu.memory_space<vmem_shared>>
        %dma_wait3A_72 = tpu.memref_slice %arg23[%multiple_of3A_64] : memref<131776xi32, #tpu.memory_space<vmem_shared>> -> memref<704xi32, #tpu.memory_space<vmem_shared>>
        %dma_wait3A_73 = arith.constant 0 : i32
        %dma_wait3A_74 = tpu.memref_slice %arg14[%dma_wait3A_73] : memref<1024xi32, #tpu.memory_space<vmem>> -> memref<704xi32, #tpu.memory_space<vmem>>
        tpu.wait_dma2 semaphore(%run_scoped3A : memref<!tpu.dma_semaphore, #tpu.memory_space<semaphore_mem>>) src(%dma_wait3A_74 : memref<704xi32, #tpu.memory_space<vmem>>) dst(%dma_wait3A_72 : memref<704xi32, #tpu.memory_space<vmem_shared>>)
        tpu.yield
      }) : () -> ()
    } else {
    }
    %scan3A_24 = arith.constant 0 : i32
    %scan3A_25 = arith.constant 0 : i32
    %scan3A_26 = arith.constant 8 : i32
    %scan3A_27 = arith.addi %scan3A_25, %scan3A_26 : i32
    %scan3A_28 = arith.constant 1 : i32
    %scan3A_29 = scf.for %scan3A_56 = %scan3A_25 to %scan3A_27 step %scan3A_28 iter_args(%scan3A_57 = %scan3A_24) -> (i32)  : i32 {
      %scan3A_58 = arith.constant 0 : i32
      %scan3A_59 = arith.constant 0 : i32
      %scan3A_60 = arith.constant 8 : i32
      %scan3A_61 = arith.addi %scan3A_59, %scan3A_60 : i32
      %scan3A_62 = arith.constant 1 : i32
      %scan3A_63 = scf.for %scan3A_73 = %scan3A_59 to %scan3A_61 step %scan3A_62 iter_args(%scan3A_74 = %scan3A_58) -> (i32)  : i32 {
        %scan3A_75 = arith.constant 0 : i32
        %scan3A_76 = arith.constant 0 : i32
        %scan3A_77 = arith.constant 8 : i32
        %scan3A_78 = arith.addi %scan3A_76, %scan3A_77 : i32
        %scan3A_79 = arith.constant 1 : i32
        %scan3A_80 = scf.for %scan3A_83 = %scan3A_76 to %scan3A_78 step %scan3A_79 iter_args(%scan3A_84 = %scan3A_75) -> (i32)  : i32 {
          %mul3A_85 = arith.constant 64 : i32
          %mul3A_86 = arith.muli %scan3A_56, %mul3A_85 : i32
          %mul3A_87 = arith.constant 8 : i32
          %mul3A_88 = arith.muli %scan3A_73, %mul3A_87 : i32
          %add3A_89 = arith.addi %mul3A_86, %mul3A_88 : i32
          %add3A_90 = arith.addi %add3A_89, %scan3A_83 : i32
          %mul3A_91 = arith.constant 16 : i32
          %mul3A_92 = arith.muli %add3A_90, %mul3A_91 : i32
          %get3A = arith.index_cast %mul3A_92 : i32 to index
          %get3A_93 = tpu.vector_load %arg8[%get3A] {strides = array<i32>} : memref<8192xi32, #tpu.memory_space<vmem>>, vector<16xi32>,
          %shift_right_logical3A = arith.shrui %get3A_93, %broadcast_in_dim3A_0 : vector<16xi32>
          %iota3A_94 = tpu.iota {dimensions = array<i32: 0>} : vector<16xi32>
          %broadcast_in_dim3A_95 = arith.constant 1 : i32
          %broadcast_in_dim3A_96 = vector.broadcast %broadcast_in_dim3A_95 : i32 to vector<16xi32>
          %broadcast_in_dim3A_97 = arith.constant 0 : i32
          %broadcast_in_dim3A_98 = vector.broadcast %broadcast_in_dim3A_97 : i32 to vector<16xi32>
          %broadcast_in_dim3A_99 = arith.constant 0 : i32
          %broadcast_in_dim3A_100 = vector.broadcast %broadcast_in_dim3A_99 : i32 to vector<16xi32>
          %broadcast_in_dim3A_101 = arith.constant 0 : i32
          %broadcast_in_dim3A_102 = vector.broadcast %broadcast_in_dim3A_101 : i32 to vector<16xi32>
          %slice3A = vector.extract_strided_slice %shift_right_logical3A {offsets = [0], sizes = [1], strides = [1]} : vector<16xi32> to vector<1xi32>
          %squeeze3A = vector.extract %slice3A[0] : i32 from vector<1xi32>
          %eq3A_103 = vector.broadcast %squeeze3A : i32 to vector<16xi32>
          %eq3A_104 = arith.cmpi eq, %shift_right_logical3A, %eq3A_103 : vector<16xi32>
          %gt3A = arith.constant 0 : i32
          %gt3A_105 = vector.broadcast %gt3A : i32 to vector<16xi32>
          %gt3A_106 = arith.cmpi sgt, %iota3A_94, %gt3A_105 : vector<16xi32>
          %and3A = arith.andi %eq3A_104, %gt3A_106 : vector<16xi1>
          %select_n3A = arith.select %and3A, %broadcast_in_dim3A_96, %broadcast_in_dim3A_98 : vector<16xi1>, vector<16xi32>
          %add3A_107 = arith.addi %broadcast_in_dim3A_100, %select_n3A : vector<16xi32>
          %select_n3A_108 = arith.select %eq3A_104, %broadcast_in_dim3A_96, %broadcast_in_dim3A_98 : vector<16xi1>, vector<16xi32>
          %add3A_109 = arith.addi %broadcast_in_dim3A_102, %select_n3A_108 : vector<16xi32>
          %slice3A_110 = vector.extract_strided_slice %shift_right_logical3A {offsets = [1], sizes = [1], strides = [1]} : vector<16xi32> to vector<1xi32>
          %squeeze3A_111 = vector.extract %slice3A_110[0] : i32 from vector<1xi32>
          %eq3A_112 = vector.broadcast %squeeze3A_111 : i32 to vector<16xi32>
          %eq3A_113 = arith.cmpi eq, %shift_right_logical3A, %eq3A_112 : vector<16xi32>
          %gt3A_114 = arith.constant 1 : i32
          %gt3A_115 = vector.broadcast %gt3A_114 : i32 to vector<16xi32>
          %gt3A_116 = arith.cmpi sgt, %iota3A_94, %gt3A_115 : vector<16xi32>
          %and3A_117 = arith.andi %eq3A_113, %gt3A_116 : vector<16xi1>
          %select_n3A_118 = arith.select %and3A_117, %broadcast_in_dim3A_96, %broadcast_in_dim3A_98 : vector<16xi1>, vector<16xi32>
          %add3A_119 = arith.addi %add3A_107, %select_n3A_118 : vector<16xi32>
          %select_n3A_120 = arith.select %eq3A_113, %broadcast_in_dim3A_96, %broadcast_in_dim3A_98 : vector<16xi1>, vector<16xi32>
          %add3A_121 = arith.addi %add3A_109, %select_n3A_120 : vector<16xi32>
          %slice3A_122 = vector.extract_strided_slice %shift_right_logical3A {offsets = [2], sizes = [1], strides = [1]} : vector<16xi32> to vector<1xi32>
          %squeeze3A_123 = vector.extract %slice3A_122[0] : i32 from vector<1xi32>
          %eq3A_124 = vector.broadcast %squeeze3A_123 : i32 to vector<16xi32>
          %eq3A_125 = arith.cmpi eq, %shift_right_logical3A, %eq3A_124 : vector<16xi32>
          %gt3A_126 = arith.constant 2 : i32
          %gt3A_127 = vector.broadcast %gt3A_126 : i32 to vector<16xi32>
          %gt3A_128 = arith.cmpi sgt, %iota3A_94, %gt3A_127 : vector<16xi32>
          %and3A_129 = arith.andi %eq3A_125, %gt3A_128 : vector<16xi1>
          %select_n3A_130 = arith.select %and3A_129, %broadcast_in_dim3A_96, %broadcast_in_dim3A_98 : vector<16xi1>, vector<16xi32>
          %add3A_131 = arith.addi %add3A_119, %select_n3A_130 : vector<16xi32>
          %select_n3A_132 = arith.select %eq3A_125, %broadcast_in_dim3A_96, %broadcast_in_dim3A_98 : vector<16xi1>, vector<16xi32>
          %add3A_133 = arith.addi %add3A_121, %select_n3A_132 : vector<16xi32>
          %slice3A_134 = vector.extract_strided_slice %shift_right_logical3A {offsets = [3], sizes = [1], strides = [1]} : vector<16xi32> to vector<1xi32>
          %squeeze3A_135 = vector.extract %slice3A_134[0] : i32 from vector<1xi32>
          %eq3A_136 = vector.broadcast %squeeze3A_135 : i32 to vector<16xi32>
          %eq3A_137 = arith.cmpi eq, %shift_right_logical3A, %eq3A_136 : vector<16xi32>
          %gt3A_138 = arith.constant 3 : i32
          %gt3A_139 = vector.broadcast %gt3A_138 : i32 to vector<16xi32>
          %gt3A_140 = arith.cmpi sgt, %iota3A_94, %gt3A_139 : vector<16xi32>
          %and3A_141 = arith.andi %eq3A_137, %gt3A_140 : vector<16xi1>
          %select_n3A_142 = arith.select %and3A_141, %broadcast_in_dim3A_96, %broadcast_in_dim3A_98 : vector<16xi1>, vector<16xi32>
          %add3A_143 = arith.addi %add3A_131, %select_n3A_142 : vector<16xi32>
          %select_n3A_144 = arith.select %eq3A_137, %broadcast_in_dim3A_96, %broadcast_in_dim3A_98 : vector<16xi1>, vector<16xi32>
          %add3A_145 = arith.addi %add3A_133, %select_n3A_144 : vector<16xi32>
          %slice3A_146 = vector.extract_strided_slice %shift_right_logical3A {offsets = [4], sizes = [1], strides = [1]} : vector<16xi32> to vector<1xi32>
          %squeeze3A_147 = vector.extract %slice3A_146[0] : i32 from vector<1xi32>
          %eq3A_148 = vector.broadcast %squeeze3A_147 : i32 to vector<16xi32>
          %eq3A_149 = arith.cmpi eq, %shift_right_logical3A, %eq3A_148 : vector<16xi32>
          %gt3A_150 = arith.constant 4 : i32
          %gt3A_151 = vector.broadcast %gt3A_150 : i32 to vector<16xi32>
          %gt3A_152 = arith.cmpi sgt, %iota3A_94, %gt3A_151 : vector<16xi32>
          %and3A_153 = arith.andi %eq3A_149, %gt3A_152 : vector<16xi1>
          %select_n3A_154 = arith.select %and3A_153, %broadcast_in_dim3A_96, %broadcast_in_dim3A_98 : vector<16xi1>, vector<16xi32>
          %add3A_155 = arith.addi %add3A_143, %select_n3A_154 : vector<16xi32>
          %select_n3A_156 = arith.select %eq3A_149, %broadcast_in_dim3A_96, %broadcast_in_dim3A_98 : vector<16xi1>, vector<16xi32>
          %add3A_157 = arith.addi %add3A_145, %select_n3A_156 : vector<16xi32>
          %slice3A_158 = vector.extract_strided_slice %shift_right_logical3A {offsets = [5], sizes = [1], strides = [1]} : vector<16xi32> to vector<1xi32>
          %squeeze3A_159 = vector.extract %slice3A_158[0] : i32 from vector<1xi32>
          %eq3A_160 = vector.broadcast %squeeze3A_159 : i32 to vector<16xi32>
          %eq3A_161 = arith.cmpi eq, %shift_right_logical3A, %eq3A_160 : vector<16xi32>
          %gt3A_162 = arith.constant 5 : i32
          %gt3A_163 = vector.broadcast %gt3A_162 : i32 to vector<16xi32>
          %gt3A_164 = arith.cmpi sgt, %iota3A_94, %gt3A_163 : vector<16xi32>
          %and3A_165 = arith.andi %eq3A_161, %gt3A_164 : vector<16xi1>
          %select_n3A_166 = arith.select %and3A_165, %broadcast_in_dim3A_96, %broadcast_in_dim3A_98 : vector<16xi1>, vector<16xi32>
          %add3A_167 = arith.addi %add3A_155, %select_n3A_166 : vector<16xi32>
          %select_n3A_168 = arith.select %eq3A_161, %broadcast_in_dim3A_96, %broadcast_in_dim3A_98 : vector<16xi1>, vector<16xi32>
          %add3A_169 = arith.addi %add3A_157, %select_n3A_168 : vector<16xi32>
          %slice3A_170 = vector.extract_strided_slice %shift_right_logical3A {offsets = [6], sizes = [1], strides = [1]} : vector<16xi32> to vector<1xi32>
          %squeeze3A_171 = vector.extract %slice3A_170[0] : i32 from vector<1xi32>
          %eq3A_172 = vector.broadcast %squeeze3A_171 : i32 to vector<16xi32>
          %eq3A_173 = arith.cmpi eq, %shift_right_logical3A, %eq3A_172 : vector<16xi32>
          %gt3A_174 = arith.constant 6 : i32
          %gt3A_175 = vector.broadcast %gt3A_174 : i32 to vector<16xi32>
          %gt3A_176 = arith.cmpi sgt, %iota3A_94, %gt3A_175 : vector<16xi32>
          %and3A_177 = arith.andi %eq3A_173, %gt3A_176 : vector<16xi1>
          %select_n3A_178 = arith.select %and3A_177, %broadcast_in_dim3A_96, %broadcast_in_dim3A_98 : vector<16xi1>, vector<16xi32>
          %add3A_179 = arith.addi %add3A_167, %select_n3A_178 : vector<16xi32>
          %select_n3A_180 = arith.select %eq3A_173, %broadcast_in_dim3A_96, %broadcast_in_dim3A_98 : vector<16xi1>, vector<16xi32>
          %add3A_181 = arith.addi %add3A_169, %select_n3A_180 : vector<16xi32>
          %slice3A_182 = vector.extract_strided_slice %shift_right_logical3A {offsets = [7], sizes = [1], strides = [1]} : vector<16xi32> to vector<1xi32>
          %squeeze3A_183 = vector.extract %slice3A_182[0] : i32 from vector<1xi32>
          %eq3A_184 = vector.broadcast %squeeze3A_183 : i32 to vector<16xi32>
          %eq3A_185 = arith.cmpi eq, %shift_right_logical3A, %eq3A_184 : vector<16xi32>
          %gt3A_186 = arith.constant 7 : i32
          %gt3A_187 = vector.broadcast %gt3A_186 : i32 to vector<16xi32>
          %gt3A_188 = arith.cmpi sgt, %iota3A_94, %gt3A_187 : vector<16xi32>
          %and3A_189 = arith.andi %eq3A_185, %gt3A_188 : vector<16xi1>
          %select_n3A_190 = arith.select %and3A_189, %broadcast_in_dim3A_96, %broadcast_in_dim3A_98 : vector<16xi1>, vector<16xi32>
          %add3A_191 = arith.addi %add3A_179, %select_n3A_190 : vector<16xi32>
          %select_n3A_192 = arith.select %eq3A_185, %broadcast_in_dim3A_96, %broadcast_in_dim3A_98 : vector<16xi1>, vector<16xi32>
          %add3A_193 = arith.addi %add3A_181, %select_n3A_192 : vector<16xi32>
          %slice3A_194 = vector.extract_strided_slice %shift_right_logical3A {offsets = [8], sizes = [1], strides = [1]} : vector<16xi32> to vector<1xi32>
          %squeeze3A_195 = vector.extract %slice3A_194[0] : i32 from vector<1xi32>
          %eq3A_196 = vector.broadcast %squeeze3A_195 : i32 to vector<16xi32>
          %eq3A_197 = arith.cmpi eq, %shift_right_logical3A, %eq3A_196 : vector<16xi32>
          %gt3A_198 = arith.constant 8 : i32
          %gt3A_199 = vector.broadcast %gt3A_198 : i32 to vector<16xi32>
          %gt3A_200 = arith.cmpi sgt, %iota3A_94, %gt3A_199 : vector<16xi32>
          %and3A_201 = arith.andi %eq3A_197, %gt3A_200 : vector<16xi1>
          %select_n3A_202 = arith.select %and3A_201, %broadcast_in_dim3A_96, %broadcast_in_dim3A_98 : vector<16xi1>, vector<16xi32>
          %add3A_203 = arith.addi %add3A_191, %select_n3A_202 : vector<16xi32>
          %select_n3A_204 = arith.select %eq3A_197, %broadcast_in_dim3A_96, %broadcast_in_dim3A_98 : vector<16xi1>, vector<16xi32>
          %add3A_205 = arith.addi %add3A_193, %select_n3A_204 : vector<16xi32>
          %slice3A_206 = vector.extract_strided_slice %shift_right_logical3A {offsets = [9], sizes = [1], strides = [1]} : vector<16xi32> to vector<1xi32>
          %squeeze3A_207 = vector.extract %slice3A_206[0] : i32 from vector<1xi32>
          %eq3A_208 = vector.broadcast %squeeze3A_207 : i32 to vector<16xi32>
          %eq3A_209 = arith.cmpi eq, %shift_right_logical3A, %eq3A_208 : vector<16xi32>
          %gt3A_210 = arith.constant 9 : i32
          %gt3A_211 = vector.broadcast %gt3A_210 : i32 to vector<16xi32>
          %gt3A_212 = arith.cmpi sgt, %iota3A_94, %gt3A_211 : vector<16xi32>
          %and3A_213 = arith.andi %eq3A_209, %gt3A_212 : vector<16xi1>
          %select_n3A_214 = arith.select %and3A_213, %broadcast_in_dim3A_96, %broadcast_in_dim3A_98 : vector<16xi1>, vector<16xi32>
          %add3A_215 = arith.addi %add3A_203, %select_n3A_214 : vector<16xi32>
          %select_n3A_216 = arith.select %eq3A_209, %broadcast_in_dim3A_96, %broadcast_in_dim3A_98 : vector<16xi1>, vector<16xi32>
          %add3A_217 = arith.addi %add3A_205, %select_n3A_216 : vector<16xi32>
          %slice3A_218 = vector.extract_strided_slice %shift_right_logical3A {offsets = [10], sizes = [1], strides = [1]} : vector<16xi32> to vector<1xi32>
          %squeeze3A_219 = vector.extract %slice3A_218[0] : i32 from vector<1xi32>
          %eq3A_220 = vector.broadcast %squeeze3A_219 : i32 to vector<16xi32>
          %eq3A_221 = arith.cmpi eq, %shift_right_logical3A, %eq3A_220 : vector<16xi32>
          %gt3A_222 = arith.constant 10 : i32
          %gt3A_223 = vector.broadcast %gt3A_222 : i32 to vector<16xi32>
          %gt3A_224 = arith.cmpi sgt, %iota3A_94, %gt3A_223 : vector<16xi32>
          %and3A_225 = arith.andi %eq3A_221, %gt3A_224 : vector<16xi1>
          %select_n3A_226 = arith.select %and3A_225, %broadcast_in_dim3A_96, %broadcast_in_dim3A_98 : vector<16xi1>, vector<16xi32>
          %add3A_227 = arith.addi %add3A_215, %select_n3A_226 : vector<16xi32>
          %select_n3A_228 = arith.select %eq3A_221, %broadcast_in_dim3A_96, %broadcast_in_dim3A_98 : vector<16xi1>, vector<16xi32>
          %add3A_229 = arith.addi %add3A_217, %select_n3A_228 : vector<16xi32>
          %slice3A_230 = vector.extract_strided_slice %shift_right_logical3A {offsets = [11], sizes = [1], strides = [1]} : vector<16xi32> to vector<1xi32>
          %squeeze3A_231 = vector.extract %slice3A_230[0] : i32 from vector<1xi32>
          %eq3A_232 = vector.broadcast %squeeze3A_231 : i32 to vector<16xi32>
          %eq3A_233 = arith.cmpi eq, %shift_right_logical3A, %eq3A_232 : vector<16xi32>
          %gt3A_234 = arith.constant 11 : i32
          %gt3A_235 = vector.broadcast %gt3A_234 : i32 to vector<16xi32>
          %gt3A_236 = arith.cmpi sgt, %iota3A_94, %gt3A_235 : vector<16xi32>
          %and3A_237 = arith.andi %eq3A_233, %gt3A_236 : vector<16xi1>
          %select_n3A_238 = arith.select %and3A_237, %broadcast_in_dim3A_96, %broadcast_in_dim3A_98 : vector<16xi1>, vector<16xi32>
          %add3A_239 = arith.addi %add3A_227, %select_n3A_238 : vector<16xi32>
          %select_n3A_240 = arith.select %eq3A_233, %broadcast_in_dim3A_96, %broadcast_in_dim3A_98 : vector<16xi1>, vector<16xi32>
          %add3A_241 = arith.addi %add3A_229, %select_n3A_240 : vector<16xi32>
          %slice3A_242 = vector.extract_strided_slice %shift_right_logical3A {offsets = [12], sizes = [1], strides = [1]} : vector<16xi32> to vector<1xi32>
          %squeeze3A_243 = vector.extract %slice3A_242[0] : i32 from vector<1xi32>
          %eq3A_244 = vector.broadcast %squeeze3A_243 : i32 to vector<16xi32>
          %eq3A_245 = arith.cmpi eq, %shift_right_logical3A, %eq3A_244 : vector<16xi32>
          %gt3A_246 = arith.constant 12 : i32
          %gt3A_247 = vector.broadcast %gt3A_246 : i32 to vector<16xi32>
          %gt3A_248 = arith.cmpi sgt, %iota3A_94, %gt3A_247 : vector<16xi32>
          %and3A_249 = arith.andi %eq3A_245, %gt3A_248 : vector<16xi1>
          %select_n3A_250 = arith.select %and3A_249, %broadcast_in_dim3A_96, %broadcast_in_dim3A_98 : vector<16xi1>, vector<16xi32>
          %add3A_251 = arith.addi %add3A_239, %select_n3A_250 : vector<16xi32>
          %select_n3A_252 = arith.select %eq3A_245, %broadcast_in_dim3A_96, %broadcast_in_dim3A_98 : vector<16xi1>, vector<16xi32>
          %add3A_253 = arith.addi %add3A_241, %select_n3A_252 : vector<16xi32>
          %slice3A_254 = vector.extract_strided_slice %shift_right_logical3A {offsets = [13], sizes = [1], strides = [1]} : vector<16xi32> to vector<1xi32>
          %squeeze3A_255 = vector.extract %slice3A_254[0] : i32 from vector<1xi32>
          %eq3A_256 = vector.broadcast %squeeze3A_255 : i32 to vector<16xi32>
          %eq3A_257 = arith.cmpi eq, %shift_right_logical3A, %eq3A_256 : vector<16xi32>
          %gt3A_258 = arith.constant 13 : i32
          %gt3A_259 = vector.broadcast %gt3A_258 : i32 to vector<16xi32>
          %gt3A_260 = arith.cmpi sgt, %iota3A_94, %gt3A_259 : vector<16xi32>
          %and3A_261 = arith.andi %eq3A_257, %gt3A_260 : vector<16xi1>
          %select_n3A_262 = arith.select %and3A_261, %broadcast_in_dim3A_96, %broadcast_in_dim3A_98 : vector<16xi1>, vector<16xi32>
          %add3A_263 = arith.addi %add3A_251, %select_n3A_262 : vector<16xi32>
          %select_n3A_264 = arith.select %eq3A_257, %broadcast_in_dim3A_96, %broadcast_in_dim3A_98 : vector<16xi1>, vector<16xi32>
          %add3A_265 = arith.addi %add3A_253, %select_n3A_264 : vector<16xi32>
          %slice3A_266 = vector.extract_strided_slice %shift_right_logical3A {offsets = [14], sizes = [1], strides = [1]} : vector<16xi32> to vector<1xi32>
          %squeeze3A_267 = vector.extract %slice3A_266[0] : i32 from vector<1xi32>
          %eq3A_268 = vector.broadcast %squeeze3A_267 : i32 to vector<16xi32>
          %eq3A_269 = arith.cmpi eq, %shift_right_logical3A, %eq3A_268 : vector<16xi32>
          %gt3A_270 = arith.constant 14 : i32
          %gt3A_271 = vector.broadcast %gt3A_270 : i32 to vector<16xi32>
          %gt3A_272 = arith.cmpi sgt, %iota3A_94, %gt3A_271 : vector<16xi32>
          %and3A_273 = arith.andi %eq3A_269, %gt3A_272 : vector<16xi1>
          %select_n3A_274 = arith.select %and3A_273, %broadcast_in_dim3A_96, %broadcast_in_dim3A_98 : vector<16xi1>, vector<16xi32>
          %add3A_275 = arith.addi %add3A_263, %select_n3A_274 : vector<16xi32>
          %select_n3A_276 = arith.select %eq3A_269, %broadcast_in_dim3A_96, %broadcast_in_dim3A_98 : vector<16xi1>, vector<16xi32>
          %add3A_277 = arith.addi %add3A_265, %select_n3A_276 : vector<16xi32>
          %slice3A_278 = vector.extract_strided_slice %shift_right_logical3A {offsets = [15], sizes = [1], strides = [1]} : vector<16xi32> to vector<1xi32>
          %squeeze3A_279 = vector.extract %slice3A_278[0] : i32 from vector<1xi32>
          %eq3A_280 = vector.broadcast %squeeze3A_279 : i32 to vector<16xi32>
          %eq3A_281 = arith.cmpi eq, %shift_right_logical3A, %eq3A_280 : vector<16xi32>
          %gt3A_282 = arith.constant 15 : i32
          %gt3A_283 = vector.broadcast %gt3A_282 : i32 to vector<16xi32>
          %gt3A_284 = arith.cmpi sgt, %iota3A_94, %gt3A_283 : vector<16xi32>
          %and3A_285 = arith.andi %eq3A_281, %gt3A_284 : vector<16xi1>
          %select_n3A_286 = arith.select %and3A_285, %broadcast_in_dim3A_96, %broadcast_in_dim3A_98 : vector<16xi1>, vector<16xi32>
          %add3A_287 = arith.addi %add3A_275, %select_n3A_286 : vector<16xi32>
          %select_n3A_288 = arith.select %eq3A_281, %broadcast_in_dim3A_96, %broadcast_in_dim3A_98 : vector<16xi1>, vector<16xi32>
          %add3A_289 = arith.addi %add3A_277, %select_n3A_288 : vector<16xi32>
          %sub3A = arith.constant 1 : i32
          %sub3A_290 = vector.broadcast %sub3A : i32 to vector<16xi32>
          %sub3A_291 = arith.subi %add3A_289, %sub3A_290 : vector<16xi32>
          %eq3A_292 = arith.cmpi eq, %add3A_287, %sub3A_291 : vector<16xi32>
          %gather3A = tpu.vector_load_idx %arg10[%shift_right_logical3A] : memref<1040xi32, #tpu.memory_space<vmem>>[vector<16xi32>], vector<16xi32>,
          %add3A_293 = arith.addi %gather3A, %add3A_287 : vector<16xi32>
          %add3A_294 = arith.constant 1 : i32
          %add3A_295 = vector.broadcast %add3A_294 : i32 to vector<16xi32>
          %add3A_296 = arith.addi %add3A_293, %add3A_295 : vector<16xi32>
          tpu.vector_store_idx %arg10[%shift_right_logical3A], %add3A_296 masked %eq3A_292 : memref<1040xi32, #tpu.memory_space<vmem>>[vector<16xi32>], vector<16xi32>, vector<16xi1>
          %add3A_297 = arith.addi %gather3A, %add3A_287 : vector<16xi32>
          %mul3A_298 = arith.constant 16 : i32
          %mul3A_299 = arith.muli %scan3A_83, %mul3A_298 : i32
          %swap3A_300 = arith.index_cast %scan3A_73 : i32 to index
          %swap3A_301 = arith.index_cast %mul3A_299 : i32 to index
          %swap3A_302 = tpu.vector_load %arg13[%swap3A_300, %swap3A_301] {strides = array<i32>} : memref<8x128xi32, #tpu.memory_space<vmem>>, vector<16xi32>,
          tpu.vector_store %arg13[%swap3A_300, %swap3A_301], %add3A_297 {strides = array<i32>} : memref<8x128xi32, #tpu.memory_space<vmem>>, vector<16xi32>,
          %mul3A_303 = arith.constant 8192 : i32
          %mul3A_304 = arith.muli %arg1, %mul3A_303 : i32
          %mul3A_305 = arith.constant 1024 : i32
          %mul3A_306 = arith.muli %scan3A_56, %mul3A_305 : i32
          %add3A_307 = arith.addi %mul3A_304, %mul3A_306 : i32
          %mul3A_308 = arith.constant 128 : i32
          %mul3A_309 = arith.muli %scan3A_73, %mul3A_308 : i32
          %add3A_310 = arith.addi %add3A_307, %mul3A_309 : i32
          %mul3A_311 = arith.constant 16 : i32
          %mul3A_312 = arith.muli %scan3A_83, %mul3A_311 : i32
          %add3A_313 = arith.addi %add3A_310, %mul3A_312 : i32
          %add3A_314 = vector.broadcast %add3A_313 : i32 to vector<16xi32>
          %add3A_315 = arith.addi %add3A_314, %iota3A : vector<16xi32>
          %shift_left3A = arith.shli %add3A_315, %broadcast_in_dim3A_0 : vector<16xi32>
          %and3A_316 = arith.constant 255 : i32
          %and3A_317 = vector.broadcast %and3A_316 : i32 to vector<16xi32>
          %and3A_318 = arith.andi %get3A_93, %and3A_317 : vector<16xi32>
          %or3A = arith.ori %shift_left3A, %and3A_318 : vector<16xi32>
          %mul3A_319 = arith.constant 128 : i32
          %mul3A_320 = arith.muli %scan3A_73, %mul3A_319 : i32
          %mul3A_321 = arith.constant 16 : i32
          %mul3A_322 = arith.muli %scan3A_83, %mul3A_321 : i32
          %add3A_323 = arith.addi %mul3A_320, %mul3A_322 : i32
          %swap3A_324 = arith.index_cast %add3A_323 : i32 to index
          %swap3A_325 = tpu.vector_load %arg14[%swap3A_324] {strides = array<i32>} : memref<1024xi32, #tpu.memory_space<vmem>>, vector<16xi32>,
          tpu.vector_store %arg14[%swap3A_324], %or3A {strides = array<i32>} : memref<1024xi32, #tpu.memory_space<vmem>>, vector<16xi32>,
          %scan3A_326 = arith.constant 0 : i32
          scf.yield %scan3A_326 : i32
        }
        %scan3A_81 = arith.constant 8 : i32
        %scan3A_82 = arith.constant 0 : i32
        scf.yield %scan3A_82 : i32
      }
      %scan3A_64 = arith.constant 8 : i32
      %run_scoped3A = arith.constant 0 : i32
      "tpu.region"() ({
        %run_scoped3A_73 = tpu.sem_alloc : memref<!tpu.dma_semaphore, #tpu.memory_space<semaphore_mem>>
        %dma_start3A = arith.constant 0 : i32
        %dma_start3A_74 = tpu.memref_slice %arg14[%dma_start3A] : memref<1024xi32, #tpu.memory_space<vmem>> -> memref<128xi32, #tpu.memory_space<vmem>>
        %dma_start3A_75 = arith.constant 0 : i32
        %dma_start3A_76 = tpu.memref_slice %arg13[%run_scoped3A, %dma_start3A_75] : memref<8x128xi32, #tpu.memory_space<vmem>> -> memref<1x128xi32, #tpu.memory_space<vmem>>
        %dma_start3A_77 = tpu.memref_squeeze %dma_start3A_76 : memref<1x128xi32, #tpu.memory_space<vmem>> -> memref<128xi32, #tpu.memory_space<vmem>>
        %dma_start3A_78 = arith.constant 0 : i32
        %dma_start3A_79 = tpu.memref_slice %arg23[%dma_start3A_78] : memref<131776xi32, #tpu.memory_space<vmem_shared>> -> memref<131776xi32, #tpu.memory_space<vmem_shared>>
        tpu.enqueue_indirect_dma source(%dma_start3A_74 : memref<128xi32, #tpu.memory_space<vmem>>) target(%dma_start3A_79 : memref<131776xi32, #tpu.memory_space<vmem_shared>>) offsets(%dma_start3A_77 : memref<128xi32, #tpu.memory_space<vmem>>) semaphore(%run_scoped3A_73 : memref<!tpu.dma_semaphore, #tpu.memory_space<semaphore_mem>>)
        %dma_wait3A = arith.constant 0 : i32
        %dma_wait3A_80 = tpu.memref_slice %arg14[%dma_wait3A] : memref<1024xi32, #tpu.memory_space<vmem>> -> memref<128xi32, #tpu.memory_space<vmem>>
        %dma_wait3A_81 = arith.constant 0 : i32
        %dma_wait3A_82 = tpu.memref_slice %arg13[%run_scoped3A, %dma_wait3A_81] : memref<8x128xi32, #tpu.memory_space<vmem>> -> memref<1x128xi32, #tpu.memory_space<vmem>>
        %dma_wait3A_83 = tpu.memref_squeeze %dma_wait3A_82 : memref<1x128xi32, #tpu.memory_space<vmem>> -> memref<128xi32, #tpu.memory_space<vmem>>
        %dma_wait3A_84 = arith.constant 0 : i32
        %dma_wait3A_85 = tpu.memref_slice %arg23[%dma_wait3A_84] : memref<131776xi32, #tpu.memory_space<vmem_shared>> -> memref<131776xi32, #tpu.memory_space<vmem_shared>>
        tpu.wait_indirect_dma semaphore(%run_scoped3A_73 : memref<!tpu.dma_semaphore, #tpu.memory_space<semaphore_mem>>) src(%dma_wait3A_80 : memref<128xi32, #tpu.memory_space<vmem>>) dst(%dma_wait3A_85 : memref<131776xi32, #tpu.memory_space<vmem_shared>>)
        tpu.yield
      }) : () -> ()
      %run_scoped3A_65 = arith.constant 1 : i32
      "tpu.region"() ({
        %run_scoped3A_73 = tpu.sem_alloc : memref<!tpu.dma_semaphore, #tpu.memory_space<semaphore_mem>>
        %dma_start3A = arith.constant 128 : i32
        %dma_start3A_74 = tpu.memref_slice %arg14[%dma_start3A] : memref<1024xi32, #tpu.memory_space<vmem>> -> memref<128xi32, #tpu.memory_space<vmem>>
        %dma_start3A_75 = arith.constant 0 : i32
        %dma_start3A_76 = tpu.memref_slice %arg13[%run_scoped3A_65, %dma_start3A_75] : memref<8x128xi32, #tpu.memory_space<vmem>> -> memref<1x128xi32, #tpu.memory_space<vmem>>
        %dma_start3A_77 = tpu.memref_squeeze %dma_start3A_76 : memref<1x128xi32, #tpu.memory_space<vmem>> -> memref<128xi32, #tpu.memory_space<vmem>>
        %dma_start3A_78 = arith.constant 0 : i32
        %dma_start3A_79 = tpu.memref_slice %arg23[%dma_start3A_78] : memref<131776xi32, #tpu.memory_space<vmem_shared>> -> memref<131776xi32, #tpu.memory_space<vmem_shared>>
        tpu.enqueue_indirect_dma source(%dma_start3A_74 : memref<128xi32, #tpu.memory_space<vmem>>) target(%dma_start3A_79 : memref<131776xi32, #tpu.memory_space<vmem_shared>>) offsets(%dma_start3A_77 : memref<128xi32, #tpu.memory_space<vmem>>) semaphore(%run_scoped3A_73 : memref<!tpu.dma_semaphore, #tpu.memory_space<semaphore_mem>>)
        %dma_wait3A = arith.constant 128 : i32
        %dma_wait3A_80 = tpu.memref_slice %arg14[%dma_wait3A] : memref<1024xi32, #tpu.memory_space<vmem>> -> memref<128xi32, #tpu.memory_space<vmem>>
        %dma_wait3A_81 = arith.constant 0 : i32
        %dma_wait3A_82 = tpu.memref_slice %arg13[%run_scoped3A_65, %dma_wait3A_81] : memref<8x128xi32, #tpu.memory_space<vmem>> -> memref<1x128xi32, #tpu.memory_space<vmem>>
        %dma_wait3A_83 = tpu.memref_squeeze %dma_wait3A_82 : memref<1x128xi32, #tpu.memory_space<vmem>> -> memref<128xi32, #tpu.memory_space<vmem>>
        %dma_wait3A_84 = arith.constant 0 : i32
        %dma_wait3A_85 = tpu.memref_slice %arg23[%dma_wait3A_84] : memref<131776xi32, #tpu.memory_space<vmem_shared>> -> memref<131776xi32, #tpu.memory_space<vmem_shared>>
        tpu.wait_indirect_dma semaphore(%run_scoped3A_73 : memref<!tpu.dma_semaphore, #tpu.memory_space<semaphore_mem>>) src(%dma_wait3A_80 : memref<128xi32, #tpu.memory_space<vmem>>) dst(%dma_wait3A_85 : memref<131776xi32, #tpu.memory_space<vmem_shared>>)
        tpu.yield
      }) : () -> ()
      %run_scoped3A_66 = arith.constant 2 : i32
      "tpu.region"() ({
        %run_scoped3A_73 = tpu.sem_alloc : memref<!tpu.dma_semaphore, #tpu.memory_space<semaphore_mem>>
        %dma_start3A = arith.constant 256 : i32
        %dma_start3A_74 = tpu.memref_slice %arg14[%dma_start3A] : memref<1024xi32, #tpu.memory_space<vmem>> -> memref<128xi32, #tpu.memory_space<vmem>>
        %dma_start3A_75 = arith.constant 0 : i32
        %dma_start3A_76 = tpu.memref_slice %arg13[%run_scoped3A_66, %dma_start3A_75] : memref<8x128xi32, #tpu.memory_space<vmem>> -> memref<1x128xi32, #tpu.memory_space<vmem>>
        %dma_start3A_77 = tpu.memref_squeeze %dma_start3A_76 : memref<1x128xi32, #tpu.memory_space<vmem>> -> memref<128xi32, #tpu.memory_space<vmem>>
        %dma_start3A_78 = arith.constant 0 : i32
        %dma_start3A_79 = tpu.memref_slice %arg23[%dma_start3A_78] : memref<131776xi32, #tpu.memory_space<vmem_shared>> -> memref<131776xi32, #tpu.memory_space<vmem_shared>>
        tpu.enqueue_indirect_dma source(%dma_start3A_74 : memref<128xi32, #tpu.memory_space<vmem>>) target(%dma_start3A_79 : memref<131776xi32, #tpu.memory_space<vmem_shared>>) offsets(%dma_start3A_77 : memref<128xi32, #tpu.memory_space<vmem>>) semaphore(%run_scoped3A_73 : memref<!tpu.dma_semaphore, #tpu.memory_space<semaphore_mem>>)
        %dma_wait3A = arith.constant 256 : i32
        %dma_wait3A_80 = tpu.memref_slice %arg14[%dma_wait3A] : memref<1024xi32, #tpu.memory_space<vmem>> -> memref<128xi32, #tpu.memory_space<vmem>>
        %dma_wait3A_81 = arith.constant 0 : i32
        %dma_wait3A_82 = tpu.memref_slice %arg13[%run_scoped3A_66, %dma_wait3A_81] : memref<8x128xi32, #tpu.memory_space<vmem>> -> memref<1x128xi32, #tpu.memory_space<vmem>>
        %dma_wait3A_83 = tpu.memref_squeeze %dma_wait3A_82 : memref<1x128xi32, #tpu.memory_space<vmem>> -> memref<128xi32, #tpu.memory_space<vmem>>
        %dma_wait3A_84 = arith.constant 0 : i32
        %dma_wait3A_85 = tpu.memref_slice %arg23[%dma_wait3A_84] : memref<131776xi32, #tpu.memory_space<vmem_shared>> -> memref<131776xi32, #tpu.memory_space<vmem_shared>>
        tpu.wait_indirect_dma semaphore(%run_scoped3A_73 : memref<!tpu.dma_semaphore, #tpu.memory_space<semaphore_mem>>) src(%dma_wait3A_80 : memref<128xi32, #tpu.memory_space<vmem>>) dst(%dma_wait3A_85 : memref<131776xi32, #tpu.memory_space<vmem_shared>>)
        tpu.yield
      }) : () -> ()
      %run_scoped3A_67 = arith.constant 3 : i32
      "tpu.region"() ({
        %run_scoped3A_73 = tpu.sem_alloc : memref<!tpu.dma_semaphore, #tpu.memory_space<semaphore_mem>>
        %dma_start3A = arith.constant 384 : i32
        %dma_start3A_74 = tpu.memref_slice %arg14[%dma_start3A] : memref<1024xi32, #tpu.memory_space<vmem>> -> memref<128xi32, #tpu.memory_space<vmem>>
        %dma_start3A_75 = arith.constant 0 : i32
        %dma_start3A_76 = tpu.memref_slice %arg13[%run_scoped3A_67, %dma_start3A_75] : memref<8x128xi32, #tpu.memory_space<vmem>> -> memref<1x128xi32, #tpu.memory_space<vmem>>
        %dma_start3A_77 = tpu.memref_squeeze %dma_start3A_76 : memref<1x128xi32, #tpu.memory_space<vmem>> -> memref<128xi32, #tpu.memory_space<vmem>>
        %dma_start3A_78 = arith.constant 0 : i32
        %dma_start3A_79 = tpu.memref_slice %arg23[%dma_start3A_78] : memref<131776xi32, #tpu.memory_space<vmem_shared>> -> memref<131776xi32, #tpu.memory_space<vmem_shared>>
        tpu.enqueue_indirect_dma source(%dma_start3A_74 : memref<128xi32, #tpu.memory_space<vmem>>) target(%dma_start3A_79 : memref<131776xi32, #tpu.memory_space<vmem_shared>>) offsets(%dma_start3A_77 : memref<128xi32, #tpu.memory_space<vmem>>) semaphore(%run_scoped3A_73 : memref<!tpu.dma_semaphore, #tpu.memory_space<semaphore_mem>>)
        %dma_wait3A = arith.constant 384 : i32
        %dma_wait3A_80 = tpu.memref_slice %arg14[%dma_wait3A] : memref<1024xi32, #tpu.memory_space<vmem>> -> memref<128xi32, #tpu.memory_space<vmem>>
        %dma_wait3A_81 = arith.constant 0 : i32
        %dma_wait3A_82 = tpu.memref_slice %arg13[%run_scoped3A_67, %dma_wait3A_81] : memref<8x128xi32, #tpu.memory_space<vmem>> -> memref<1x128xi32, #tpu.memory_space<vmem>>
        %dma_wait3A_83 = tpu.memref_squeeze %dma_wait3A_82 : memref<1x128xi32, #tpu.memory_space<vmem>> -> memref<128xi32, #tpu.memory_space<vmem>>
        %dma_wait3A_84 = arith.constant 0 : i32
        %dma_wait3A_85 = tpu.memref_slice %arg23[%dma_wait3A_84] : memref<131776xi32, #tpu.memory_space<vmem_shared>> -> memref<131776xi32, #tpu.memory_space<vmem_shared>>
        tpu.wait_indirect_dma semaphore(%run_scoped3A_73 : memref<!tpu.dma_semaphore, #tpu.memory_space<semaphore_mem>>) src(%dma_wait3A_80 : memref<128xi32, #tpu.memory_space<vmem>>) dst(%dma_wait3A_85 : memref<131776xi32, #tpu.memory_space<vmem_shared>>)
        tpu.yield
      }) : () -> ()
      %run_scoped3A_68 = arith.constant 4 : i32
      "tpu.region"() ({
        %run_scoped3A_73 = tpu.sem_alloc : memref<!tpu.dma_semaphore, #tpu.memory_space<semaphore_mem>>
        %dma_start3A = arith.constant 512 : i32
        %dma_start3A_74 = tpu.memref_slice %arg14[%dma_start3A] : memref<1024xi32, #tpu.memory_space<vmem>> -> memref<128xi32, #tpu.memory_space<vmem>>
        %dma_start3A_75 = arith.constant 0 : i32
        %dma_start3A_76 = tpu.memref_slice %arg13[%run_scoped3A_68, %dma_start3A_75] : memref<8x128xi32, #tpu.memory_space<vmem>> -> memref<1x128xi32, #tpu.memory_space<vmem>>
        %dma_start3A_77 = tpu.memref_squeeze %dma_start3A_76 : memref<1x128xi32, #tpu.memory_space<vmem>> -> memref<128xi32, #tpu.memory_space<vmem>>
        %dma_start3A_78 = arith.constant 0 : i32
        %dma_start3A_79 = tpu.memref_slice %arg23[%dma_start3A_78] : memref<131776xi32, #tpu.memory_space<vmem_shared>> -> memref<131776xi32, #tpu.memory_space<vmem_shared>>
        tpu.enqueue_indirect_dma source(%dma_start3A_74 : memref<128xi32, #tpu.memory_space<vmem>>) target(%dma_start3A_79 : memref<131776xi32, #tpu.memory_space<vmem_shared>>) offsets(%dma_start3A_77 : memref<128xi32, #tpu.memory_space<vmem>>) semaphore(%run_scoped3A_73 : memref<!tpu.dma_semaphore, #tpu.memory_space<semaphore_mem>>)
        %dma_wait3A = arith.constant 512 : i32
        %dma_wait3A_80 = tpu.memref_slice %arg14[%dma_wait3A] : memref<1024xi32, #tpu.memory_space<vmem>> -> memref<128xi32, #tpu.memory_space<vmem>>
        %dma_wait3A_81 = arith.constant 0 : i32
        %dma_wait3A_82 = tpu.memref_slice %arg13[%run_scoped3A_68, %dma_wait3A_81] : memref<8x128xi32, #tpu.memory_space<vmem>> -> memref<1x128xi32, #tpu.memory_space<vmem>>
        %dma_wait3A_83 = tpu.memref_squeeze %dma_wait3A_82 : memref<1x128xi32, #tpu.memory_space<vmem>> -> memref<128xi32, #tpu.memory_space<vmem>>
        %dma_wait3A_84 = arith.constant 0 : i32
        %dma_wait3A_85 = tpu.memref_slice %arg23[%dma_wait3A_84] : memref<131776xi32, #tpu.memory_space<vmem_shared>> -> memref<131776xi32, #tpu.memory_space<vmem_shared>>
        tpu.wait_indirect_dma semaphore(%run_scoped3A_73 : memref<!tpu.dma_semaphore, #tpu.memory_space<semaphore_mem>>) src(%dma_wait3A_80 : memref<128xi32, #tpu.memory_space<vmem>>) dst(%dma_wait3A_85 : memref<131776xi32, #tpu.memory_space<vmem_shared>>)
        tpu.yield
      }) : () -> ()
      %run_scoped3A_69 = arith.constant 5 : i32
      "tpu.region"() ({
        %run_scoped3A_73 = tpu.sem_alloc : memref<!tpu.dma_semaphore, #tpu.memory_space<semaphore_mem>>
        %dma_start3A = arith.constant 640 : i32
        %dma_start3A_74 = tpu.memref_slice %arg14[%dma_start3A] : memref<1024xi32, #tpu.memory_space<vmem>> -> memref<128xi32, #tpu.memory_space<vmem>>
        %dma_start3A_75 = arith.constant 0 : i32
        %dma_start3A_76 = tpu.memref_slice %arg13[%run_scoped3A_69, %dma_start3A_75] : memref<8x128xi32, #tpu.memory_space<vmem>> -> memref<1x128xi32, #tpu.memory_space<vmem>>
        %dma_start3A_77 = tpu.memref_squeeze %dma_start3A_76 : memref<1x128xi32, #tpu.memory_space<vmem>> -> memref<128xi32, #tpu.memory_space<vmem>>
        %dma_start3A_78 = arith.constant 0 : i32
        %dma_start3A_79 = tpu.memref_slice %arg23[%dma_start3A_78] : memref<131776xi32, #tpu.memory_space<vmem_shared>> -> memref<131776xi32, #tpu.memory_space<vmem_shared>>
        tpu.enqueue_indirect_dma source(%dma_start3A_74 : memref<128xi32, #tpu.memory_space<vmem>>) target(%dma_start3A_79 : memref<131776xi32, #tpu.memory_space<vmem_shared>>) offsets(%dma_start3A_77 : memref<128xi32, #tpu.memory_space<vmem>>) semaphore(%run_scoped3A_73 : memref<!tpu.dma_semaphore, #tpu.memory_space<semaphore_mem>>)
        %dma_wait3A = arith.constant 640 : i32
        %dma_wait3A_80 = tpu.memref_slice %arg14[%dma_wait3A] : memref<1024xi32, #tpu.memory_space<vmem>> -> memref<128xi32, #tpu.memory_space<vmem>>
        %dma_wait3A_81 = arith.constant 0 : i32
        %dma_wait3A_82 = tpu.memref_slice %arg13[%run_scoped3A_69, %dma_wait3A_81] : memref<8x128xi32, #tpu.memory_space<vmem>> -> memref<1x128xi32, #tpu.memory_space<vmem>>
        %dma_wait3A_83 = tpu.memref_squeeze %dma_wait3A_82 : memref<1x128xi32, #tpu.memory_space<vmem>> -> memref<128xi32, #tpu.memory_space<vmem>>
        %dma_wait3A_84 = arith.constant 0 : i32
        %dma_wait3A_85 = tpu.memref_slice %arg23[%dma_wait3A_84] : memref<131776xi32, #tpu.memory_space<vmem_shared>> -> memref<131776xi32, #tpu.memory_space<vmem_shared>>
        tpu.wait_indirect_dma semaphore(%run_scoped3A_73 : memref<!tpu.dma_semaphore, #tpu.memory_space<semaphore_mem>>) src(%dma_wait3A_80 : memref<128xi32, #tpu.memory_space<vmem>>) dst(%dma_wait3A_85 : memref<131776xi32, #tpu.memory_space<vmem_shared>>)
        tpu.yield
      }) : () -> ()
      %run_scoped3A_70 = arith.constant 6 : i32
      "tpu.region"() ({
        %run_scoped3A_73 = tpu.sem_alloc : memref<!tpu.dma_semaphore, #tpu.memory_space<semaphore_mem>>
        %dma_start3A = arith.constant 768 : i32
        %dma_start3A_74 = tpu.memref_slice %arg14[%dma_start3A] : memref<1024xi32, #tpu.memory_space<vmem>> -> memref<128xi32, #tpu.memory_space<vmem>>
        %dma_start3A_75 = arith.constant 0 : i32
        %dma_start3A_76 = tpu.memref_slice %arg13[%run_scoped3A_70, %dma_start3A_75] : memref<8x128xi32, #tpu.memory_space<vmem>> -> memref<1x128xi32, #tpu.memory_space<vmem>>
        %dma_start3A_77 = tpu.memref_squeeze %dma_start3A_76 : memref<1x128xi32, #tpu.memory_space<vmem>> -> memref<128xi32, #tpu.memory_space<vmem>>
        %dma_start3A_78 = arith.constant 0 : i32
        %dma_start3A_79 = tpu.memref_slice %arg23[%dma_start3A_78] : memref<131776xi32, #tpu.memory_space<vmem_shared>> -> memref<131776xi32, #tpu.memory_space<vmem_shared>>
        tpu.enqueue_indirect_dma source(%dma_start3A_74 : memref<128xi32, #tpu.memory_space<vmem>>) target(%dma_start3A_79 : memref<131776xi32, #tpu.memory_space<vmem_shared>>) offsets(%dma_start3A_77 : memref<128xi32, #tpu.memory_space<vmem>>) semaphore(%run_scoped3A_73 : memref<!tpu.dma_semaphore, #tpu.memory_space<semaphore_mem>>)
        %dma_wait3A = arith.constant 768 : i32
        %dma_wait3A_80 = tpu.memref_slice %arg14[%dma_wait3A] : memref<1024xi32, #tpu.memory_space<vmem>> -> memref<128xi32, #tpu.memory_space<vmem>>
        %dma_wait3A_81 = arith.constant 0 : i32
        %dma_wait3A_82 = tpu.memref_slice %arg13[%run_scoped3A_70, %dma_wait3A_81] : memref<8x128xi32, #tpu.memory_space<vmem>> -> memref<1x128xi32, #tpu.memory_space<vmem>>
        %dma_wait3A_83 = tpu.memref_squeeze %dma_wait3A_82 : memref<1x128xi32, #tpu.memory_space<vmem>> -> memref<128xi32, #tpu.memory_space<vmem>>
        %dma_wait3A_84 = arith.constant 0 : i32
        %dma_wait3A_85 = tpu.memref_slice %arg23[%dma_wait3A_84] : memref<131776xi32, #tpu.memory_space<vmem_shared>> -> memref<131776xi32, #tpu.memory_space<vmem_shared>>
        tpu.wait_indirect_dma semaphore(%run_scoped3A_73 : memref<!tpu.dma_semaphore, #tpu.memory_space<semaphore_mem>>) src(%dma_wait3A_80 : memref<128xi32, #tpu.memory_space<vmem>>) dst(%dma_wait3A_85 : memref<131776xi32, #tpu.memory_space<vmem_shared>>)
        tpu.yield
      }) : () -> ()
      %run_scoped3A_71 = arith.constant 7 : i32
      "tpu.region"() ({
        %run_scoped3A_73 = tpu.sem_alloc : memref<!tpu.dma_semaphore, #tpu.memory_space<semaphore_mem>>
        %dma_start3A = arith.constant 896 : i32
        %dma_start3A_74 = tpu.memref_slice %arg14[%dma_start3A] : memref<1024xi32, #tpu.memory_space<vmem>> -> memref<128xi32, #tpu.memory_space<vmem>>
        %dma_start3A_75 = arith.constant 0 : i32
        %dma_start3A_76 = tpu.memref_slice %arg13[%run_scoped3A_71, %dma_start3A_75] : memref<8x128xi32, #tpu.memory_space<vmem>> -> memref<1x128xi32, #tpu.memory_space<vmem>>
        %dma_start3A_77 = tpu.memref_squeeze %dma_start3A_76 : memref<1x128xi32, #tpu.memory_space<vmem>> -> memref<128xi32, #tpu.memory_space<vmem>>
        %dma_start3A_78 = arith.constant 0 : i32
        %dma_start3A_79 = tpu.memref_slice %arg23[%dma_start3A_78] : memref<131776xi32, #tpu.memory_space<vmem_shared>> -> memref<131776xi32, #tpu.memory_space<vmem_shared>>
        tpu.enqueue_indirect_dma source(%dma_start3A_74 : memref<128xi32, #tpu.memory_space<vmem>>) target(%dma_start3A_79 : memref<131776xi32, #tpu.memory_space<vmem_shared>>) offsets(%dma_start3A_77 : memref<128xi32, #tpu.memory_space<vmem>>) semaphore(%run_scoped3A_73 : memref<!tpu.dma_semaphore, #tpu.memory_space<semaphore_mem>>)
        %dma_wait3A = arith.constant 896 : i32
        %dma_wait3A_80 = tpu.memref_slice %arg14[%dma_wait3A] : memref<1024xi32, #tpu.memory_space<vmem>> -> memref<128xi32, #tpu.memory_space<vmem>>
        %dma_wait3A_81 = arith.constant 0 : i32
        %dma_wait3A_82 = tpu.memref_slice %arg13[%run_scoped3A_71, %dma_wait3A_81] : memref<8x128xi32, #tpu.memory_space<vmem>> -> memref<1x128xi32, #tpu.memory_space<vmem>>
        %dma_wait3A_83 = tpu.memref_squeeze %dma_wait3A_82 : memref<1x128xi32, #tpu.memory_space<vmem>> -> memref<128xi32, #tpu.memory_space<vmem>>
        %dma_wait3A_84 = arith.constant 0 : i32
        %dma_wait3A_85 = tpu.memref_slice %arg23[%dma_wait3A_84] : memref<131776xi32, #tpu.memory_space<vmem_shared>> -> memref<131776xi32, #tpu.memory_space<vmem_shared>>
        tpu.wait_indirect_dma semaphore(%run_scoped3A_73 : memref<!tpu.dma_semaphore, #tpu.memory_space<semaphore_mem>>) src(%dma_wait3A_80 : memref<128xi32, #tpu.memory_space<vmem>>) dst(%dma_wait3A_85 : memref<131776xi32, #tpu.memory_space<vmem_shared>>)
        tpu.yield
      }) : () -> ()
      %scan3A_72 = arith.constant 0 : i32
      scf.yield %scan3A_72 : i32
    }
    %scan3A_30 = arith.constant 8 : i32
    %barrier3A_31 = arith.constant 0 : index
    tpu.barrier barrier_id(%barrier3A_31)
    %broadcast_in_dim3A_32 = arith.constant 0.000000e+00 : f32
    %broadcast_in_dim3A_33 = vector.broadcast %broadcast_in_dim3A_32 : f32 to vector<16xf32>
    %broadcast_in_dim3A_34 = arith.constant 1.000000e+00 : f32
    %broadcast_in_dim3A_35 = vector.broadcast %broadcast_in_dim3A_34 : f32 to vector<16xf32>
    %scan3A_36 = arith.constant 0 : i32
    %scan3A_37 = arith.constant 32 : i32
    %scan3A_38 = arith.addi %scan3A_36, %scan3A_37 : i32
    %scan3A_39 = arith.constant 1 : i32
    %scan3A_40:5 = scf.for %scan3A_56 = %scan3A_36 to %scan3A_38 step %scan3A_39 iter_args(%scan3A_57 = %broadcast_in_dim3A_33, %scan3A_58 = %broadcast_in_dim3A_33, %scan3A_59 = %broadcast_in_dim3A_33, %scan3A_60 = %broadcast_in_dim3A_33, %scan3A_61 = %broadcast_in_dim3A_33) -> (vector<16xf32>, vector<16xf32>, vector<16xf32>, vector<16xf32>, vector<16xf32>)  : i32 {
      %mul3A_62 = arith.constant 512 : i32
      %mul3A_63 = arith.muli %arg0, %mul3A_62 : i32
      %mul3A_64 = arith.constant 32 : i32
      %mul3A_65 = arith.muli %arg1, %mul3A_64 : i32
      %add3A_66 = arith.addi %mul3A_63, %mul3A_65 : i32
      %add3A_67 = arith.addi %add3A_66, %scan3A_56 : i32
      %get3A = arith.index_cast %add3A_67 : i32 to index
      %get3A_68 = tpu.vector_load %arg12[%get3A] {strides = array<i32>} : memref<1040xi32, #tpu.memory_space<vmem>>, vector<16xi32>,
      %slice3A = vector.extract_strided_slice %get3A_68 {offsets = [0], sizes = [1], strides = [1]} : vector<16xi32> to vector<1xi32>
      %squeeze3A = vector.extract %slice3A[0] : i32 from vector<1xi32>
      %get3A_69 = arith.index_cast %add3A_67 : i32 to index
      %get3A_70 = tpu.vector_load %arg11[%get3A_69] {strides = array<i32>} : memref<1040xi32, #tpu.memory_space<vmem>>, vector<16xi32>,
      %slice3A_71 = vector.extract_strided_slice %get3A_70 {offsets = [0], sizes = [1], strides = [1]} : vector<16xi32> to vector<1xi32>
      %squeeze3A_72 = vector.extract %slice3A_71[0] : i32 from vector<1xi32>
      %broadcast_in_dim3A_73 = arith.constant 0 : i32
      %broadcast_in_dim3A_74 = vector.broadcast %broadcast_in_dim3A_73 : i32 to vector<16xi32>
      %swap3A_75 = arith.constant 0 : index
      %swap3A_76 = tpu.vector_load %arg17[%swap3A_75] {strides = array<i32>} : memref<272xi32, #tpu.memory_space<vmem>>, vector<16xi32>,
      tpu.vector_store %arg17[%swap3A_75], %broadcast_in_dim3A_74 {strides = array<i32>} : memref<272xi32, #tpu.memory_space<vmem>>, vector<16xi32>,
      %broadcast_in_dim3A_77 = arith.constant 0 : i32
      %broadcast_in_dim3A_78 = vector.broadcast %broadcast_in_dim3A_77 : i32 to vector<16xi32>
      %swap3A_79 = arith.constant 16 : index
      %swap3A_80 = tpu.vector_load %arg17[%swap3A_79] {strides = array<i32>} : memref<272xi32, #tpu.memory_space<vmem>>, vector<16xi32>,
      tpu.vector_store %arg17[%swap3A_79], %broadcast_in_dim3A_78 {strides = array<i32>} : memref<272xi32, #tpu.memory_space<vmem>>, vector<16xi32>,
      %broadcast_in_dim3A_81 = arith.constant 0 : i32
      %broadcast_in_dim3A_82 = vector.broadcast %broadcast_in_dim3A_81 : i32 to vector<16xi32>
      %swap3A_83 = arith.constant 32 : index
      %swap3A_84 = tpu.vector_load %arg17[%swap3A_83] {strides = array<i32>} : memref<272xi32, #tpu.memory_space<vmem>>, vector<16xi32>,
      tpu.vector_store %arg17[%swap3A_83], %broadcast_in_dim3A_82 {strides = array<i32>} : memref<272xi32, #tpu.memory_space<vmem>>, vector<16xi32>,
      %broadcast_in_dim3A_85 = arith.constant 0 : i32
      %broadcast_in_dim3A_86 = vector.broadcast %broadcast_in_dim3A_85 : i32 to vector<16xi32>
      %swap3A_87 = arith.constant 48 : index
      %swap3A_88 = tpu.vector_load %arg17[%swap3A_87] {strides = array<i32>} : memref<272xi32, #tpu.memory_space<vmem>>, vector<16xi32>,
      tpu.vector_store %arg17[%swap3A_87], %broadcast_in_dim3A_86 {strides = array<i32>} : memref<272xi32, #tpu.memory_space<vmem>>, vector<16xi32>,
      %broadcast_in_dim3A_89 = arith.constant 0 : i32
      %broadcast_in_dim3A_90 = vector.broadcast %broadcast_in_dim3A_89 : i32 to vector<16xi32>
      %swap3A_91 = arith.constant 64 : index
      %swap3A_92 = tpu.vector_load %arg17[%swap3A_91] {strides = array<i32>} : memref<272xi32, #tpu.memory_space<vmem>>, vector<16xi32>,
      tpu.vector_store %arg17[%swap3A_91], %broadcast_in_dim3A_90 {strides = array<i32>} : memref<272xi32, #tpu.memory_space<vmem>>, vector<16xi32>,
      %broadcast_in_dim3A_93 = arith.constant 0 : i32
      %broadcast_in_dim3A_94 = vector.broadcast %broadcast_in_dim3A_93 : i32 to vector<16xi32>
      %swap3A_95 = arith.constant 80 : index
      %swap3A_96 = tpu.vector_load %arg17[%swap3A_95] {strides = array<i32>} : memref<272xi32, #tpu.memory_space<vmem>>, vector<16xi32>,
      tpu.vector_store %arg17[%swap3A_95], %broadcast_in_dim3A_94 {strides = array<i32>} : memref<272xi32, #tpu.memory_space<vmem>>, vector<16xi32>,
      %broadcast_in_dim3A_97 = arith.constant 0 : i32
      %broadcast_in_dim3A_98 = vector.broadcast %broadcast_in_dim3A_97 : i32 to vector<16xi32>
      %swap3A_99 = arith.constant 96 : index
      %swap3A_100 = tpu.vector_load %arg17[%swap3A_99] {strides = array<i32>} : memref<272xi32, #tpu.memory_space<vmem>>, vector<16xi32>,
      tpu.vector_store %arg17[%swap3A_99], %broadcast_in_dim3A_98 {strides = array<i32>} : memref<272xi32, #tpu.memory_space<vmem>>, vector<16xi32>,
      %broadcast_in_dim3A_101 = arith.constant 0 : i32
      %broadcast_in_dim3A_102 = vector.broadcast %broadcast_in_dim3A_101 : i32 to vector<16xi32>
      %swap3A_103 = arith.constant 112 : index
      %swap3A_104 = tpu.vector_load %arg17[%swap3A_103] {strides = array<i32>} : memref<272xi32, #tpu.memory_space<vmem>>, vector<16xi32>,
      tpu.vector_store %arg17[%swap3A_103], %broadcast_in_dim3A_102 {strides = array<i32>} : memref<272xi32, #tpu.memory_space<vmem>>, vector<16xi32>,
      %broadcast_in_dim3A_105 = arith.constant 0 : i32
      %broadcast_in_dim3A_106 = vector.broadcast %broadcast_in_dim3A_105 : i32 to vector<16xi32>
      %swap3A_107 = arith.constant 128 : index
      %swap3A_108 = tpu.vector_load %arg17[%swap3A_107] {strides = array<i32>} : memref<272xi32, #tpu.memory_space<vmem>>, vector<16xi32>,
      tpu.vector_store %arg17[%swap3A_107], %broadcast_in_dim3A_106 {strides = array<i32>} : memref<272xi32, #tpu.memory_space<vmem>>, vector<16xi32>,
      %broadcast_in_dim3A_109 = arith.constant 0 : i32
      %broadcast_in_dim3A_110 = vector.broadcast %broadcast_in_dim3A_109 : i32 to vector<16xi32>
      %swap3A_111 = arith.constant 144 : index
      %swap3A_112 = tpu.vector_load %arg17[%swap3A_111] {strides = array<i32>} : memref<272xi32, #tpu.memory_space<vmem>>, vector<16xi32>,
      tpu.vector_store %arg17[%swap3A_111], %broadcast_in_dim3A_110 {strides = array<i32>} : memref<272xi32, #tpu.memory_space<vmem>>, vector<16xi32>,
      %broadcast_in_dim3A_113 = arith.constant 0 : i32
      %broadcast_in_dim3A_114 = vector.broadcast %broadcast_in_dim3A_113 : i32 to vector<16xi32>
      %swap3A_115 = arith.constant 160 : index
      %swap3A_116 = tpu.vector_load %arg17[%swap3A_115] {strides = array<i32>} : memref<272xi32, #tpu.memory_space<vmem>>, vector<16xi32>,
      tpu.vector_store %arg17[%swap3A_115], %broadcast_in_dim3A_114 {strides = array<i32>} : memref<272xi32, #tpu.memory_space<vmem>>, vector<16xi32>,
      %broadcast_in_dim3A_117 = arith.constant 0 : i32
      %broadcast_in_dim3A_118 = vector.broadcast %broadcast_in_dim3A_117 : i32 to vector<16xi32>
      %swap3A_119 = arith.constant 176 : index
      %swap3A_120 = tpu.vector_load %arg17[%swap3A_119] {strides = array<i32>} : memref<272xi32, #tpu.memory_space<vmem>>, vector<16xi32>,
      tpu.vector_store %arg17[%swap3A_119], %broadcast_in_dim3A_118 {strides = array<i32>} : memref<272xi32, #tpu.memory_space<vmem>>, vector<16xi32>,
      %broadcast_in_dim3A_121 = arith.constant 0 : i32
      %broadcast_in_dim3A_122 = vector.broadcast %broadcast_in_dim3A_121 : i32 to vector<16xi32>
      %swap3A_123 = arith.constant 192 : index
      %swap3A_124 = tpu.vector_load %arg17[%swap3A_123] {strides = array<i32>} : memref<272xi32, #tpu.memory_space<vmem>>, vector<16xi32>,
      tpu.vector_store %arg17[%swap3A_123], %broadcast_in_dim3A_122 {strides = array<i32>} : memref<272xi32, #tpu.memory_space<vmem>>, vector<16xi32>,
      %broadcast_in_dim3A_125 = arith.constant 0 : i32
      %broadcast_in_dim3A_126 = vector.broadcast %broadcast_in_dim3A_125 : i32 to vector<16xi32>
      %swap3A_127 = arith.constant 208 : index
      %swap3A_128 = tpu.vector_load %arg17[%swap3A_127] {strides = array<i32>} : memref<272xi32, #tpu.memory_space<vmem>>, vector<16xi32>,
      tpu.vector_store %arg17[%swap3A_127], %broadcast_in_dim3A_126 {strides = array<i32>} : memref<272xi32, #tpu.memory_space<vmem>>, vector<16xi32>,
      %broadcast_in_dim3A_129 = arith.constant 0 : i32
      %broadcast_in_dim3A_130 = vector.broadcast %broadcast_in_dim3A_129 : i32 to vector<16xi32>
      %swap3A_131 = arith.constant 224 : index
      %swap3A_132 = tpu.vector_load %arg17[%swap3A_131] {strides = array<i32>} : memref<272xi32, #tpu.memory_space<vmem>>, vector<16xi32>,
      tpu.vector_store %arg17[%swap3A_131], %broadcast_in_dim3A_130 {strides = array<i32>} : memref<272xi32, #tpu.memory_space<vmem>>, vector<16xi32>,
      %broadcast_in_dim3A_133 = arith.constant 0 : i32
      %broadcast_in_dim3A_134 = vector.broadcast %broadcast_in_dim3A_133 : i32 to vector<16xi32>
      %swap3A_135 = arith.constant 240 : index
      %swap3A_136 = tpu.vector_load %arg17[%swap3A_135] {strides = array<i32>} : memref<272xi32, #tpu.memory_space<vmem>>, vector<16xi32>,
      tpu.vector_store %arg17[%swap3A_135], %broadcast_in_dim3A_134 {strides = array<i32>} : memref<272xi32, #tpu.memory_space<vmem>>, vector<16xi32>,
      %broadcast_in_dim3A_137 = arith.constant 0 : i32
      %broadcast_in_dim3A_138 = vector.broadcast %broadcast_in_dim3A_137 : i32 to vector<16xi32>
      %swap3A_139 = arith.constant 256 : index
      %swap3A_140 = tpu.vector_load %arg17[%swap3A_139] {strides = array<i32>} : memref<272xi32, #tpu.memory_space<vmem>>, vector<16xi32>,
      tpu.vector_store %arg17[%swap3A_139], %broadcast_in_dim3A_138 {strides = array<i32>} : memref<272xi32, #tpu.memory_space<vmem>>, vector<16xi32>,
      %add3A_141 = arith.constant 511 : i32
      %add3A_142 = arith.addi %squeeze3A_72, %add3A_141 : i32
      %shift_right_logical3A = arith.constant 9 : i32
      %shift_right_logical3A_143 = arith.shrui %add3A_142, %shift_right_logical3A : i32
      %while3A = arith.constant 0 : i32
      %while3A_144 = arith.subi %shift_right_logical3A_143, %while3A : i32
      %while3A_145 = arith.addi %while3A, %while3A_144 : i32
      %while3A_146 = arith.constant 1 : i32
      %while3A_147 = arith.divsi %while3A_144, %while3A_146 : i32
      %while3A_148 = arith.muli %while3A_147, %while3A_146 : i32
      %while3A_149 = arith.addi %while3A, %while3A_148 : i32
      %while3A_150 = arith.constant 1 : i32
      %while3A_151:4 = scf.for %while3A_273 = %while3A to %while3A_149 step %while3A_150 iter_args(%while3A_274 = %scan3A_57, %while3A_275 = %scan3A_58, %while3A_276 = %scan3A_59, %while3A_277 = %scan3A_60) -> (vector<16xf32>, vector<16xf32>, vector<16xf32>, vector<16xf32>)  : i32 {
        %mul3A_278 = arith.constant 512 : i32
        %mul3A_279 = arith.muli %while3A_273, %mul3A_278 : i32
        %add3A_280 = arith.addi %squeeze3A, %mul3A_279 : i32
        %mul3A_281 = arith.constant 512 : i32
        %mul3A_282 = arith.muli %while3A_273, %mul3A_281 : i32
        %sub3A = arith.subi %squeeze3A_72, %mul3A_282 : i32
        %min3A = arith.constant 512 : i32
        %min3A_283 = arith.minsi %min3A, %sub3A : i32
        %and3A = arith.constant -8 : i32
        %and3A_284 = arith.andi %add3A_280, %and3A : i32
        %sub3A_285 = arith.subi %add3A_280, %and3A_284 : i32
        %multiple_of3A_286 = tpu.assume_multiple %and3A_284, 8 : i32
        "tpu.region"() ({
          %run_scoped3A = tpu.sem_alloc : memref<!tpu.dma_semaphore, #tpu.memory_space<semaphore_mem>>
          %dma_start3A_383 = tpu.memref_slice %arg23[%multiple_of3A_286] : memref<131776xi32, #tpu.memory_space<vmem_shared>> -> memref<640xi32, #tpu.memory_space<vmem_shared>>
          %dma_start3A_384 = tpu.memref_slice %arg23[%multiple_of3A_286] : memref<131776xi32, #tpu.memory_space<vmem_shared>> -> memref<640xi32, #tpu.memory_space<vmem_shared>>
          tpu.enqueue_dma source(%dma_start3A_384 : memref<640xi32, #tpu.memory_space<vmem_shared>>) target(%arg18 : memref<640xi32, #tpu.memory_space<vmem>>) target_semaphore(%run_scoped3A : memref<!tpu.dma_semaphore, #tpu.memory_space<semaphore_mem>>)
          %dma_wait3A_385 = tpu.memref_slice %arg23[%multiple_of3A_286] : memref<131776xi32, #tpu.memory_space<vmem_shared>> -> memref<640xi32, #tpu.memory_space<vmem_shared>>
          %dma_wait3A_386 = tpu.memref_slice %arg23[%multiple_of3A_286] : memref<131776xi32, #tpu.memory_space<vmem_shared>> -> memref<640xi32, #tpu.memory_space<vmem_shared>>
          tpu.wait_dma2 semaphore(%run_scoped3A : memref<!tpu.dma_semaphore, #tpu.memory_space<semaphore_mem>>) src(%dma_wait3A_386 : memref<640xi32, #tpu.memory_space<vmem_shared>>) dst(%arg18 : memref<640xi32, #tpu.memory_space<vmem>>)
          tpu.yield
        }) : () -> ()
        %scan3A_287 = arith.constant 0 : i32
        %scan3A_288 = arith.constant 0 : i32
        %scan3A_289 = arith.constant 40 : i32
        %scan3A_290 = arith.addi %scan3A_288, %scan3A_289 : i32
        %scan3A_291 = arith.constant 1 : i32
        %scan3A_292 = scf.for %scan3A_383 = %scan3A_288 to %scan3A_290 step %scan3A_291 iter_args(%scan3A_384 = %scan3A_287) -> (i32)  : i32 {
          %mul3A_385 = arith.constant 16 : i32
          %mul3A_386 = arith.muli %scan3A_383, %mul3A_385 : i32
          %get3A_387 = arith.index_cast %mul3A_386 : i32 to index
          %get3A_388 = tpu.vector_load %arg18[%get3A_387] {strides = array<i32>} : memref<640xi32, #tpu.memory_space<vmem>>, vector<16xi32>,
          %shift_right_logical3A_389 = arith.shrui %get3A_388, %broadcast_in_dim3A_0 : vector<16xi32>
          %mul3A_390 = arith.constant 16 : i32
          %mul3A_391 = arith.muli %scan3A_383, %mul3A_390 : i32
          %swap3A_392 = arith.index_cast %mul3A_391 : i32 to index
          %swap3A_393 = tpu.vector_load %arg19[%swap3A_392] {strides = array<i32>} : memref<640xi32, #tpu.memory_space<vmem>>, vector<16xi32>,
          tpu.vector_store %arg19[%swap3A_392], %shift_right_logical3A_389 {strides = array<i32>} : memref<640xi32, #tpu.memory_space<vmem>>, vector<16xi32>,
          %scan3A_394 = arith.constant 0 : i32
          scf.yield %scan3A_394 : i32
        }
        %scan3A_293 = arith.constant 40 : i32
        %dma_start3A = arith.constant 0 : i32
        %dma_start3A_294 = arith.constant 0 : i32
        %dma_start3A_295 = tpu.memref_slice %arg20[%dma_start3A, %dma_start3A_294] : memref<640x32xf32, #tpu.memory_space<vmem>> -> memref<128x32xf32, #tpu.memory_space<vmem>>
        %dma_start3A_296 = arith.constant 0 : i32
        %dma_start3A_297 = tpu.memref_slice %arg19[%dma_start3A_296] : memref<640xi32, #tpu.memory_space<vmem>> -> memref<128xi32, #tpu.memory_space<vmem>>
        %dma_start3A_298 = arith.constant 0 : i32
        %dma_start3A_299 = arith.constant 0 : i32
        %dma_start3A_300 = tpu.memref_slice %arg3[%dma_start3A_298, %dma_start3A_299] : memref<131072x32xf32, #tpu.memory_space<hbm>> -> memref<131072x32xf32, #tpu.memory_space<hbm>>
        tpu.enqueue_indirect_dma source(%dma_start3A_300 : memref<131072x32xf32, #tpu.memory_space<hbm>>) target(%dma_start3A_295 : memref<128x32xf32, #tpu.memory_space<vmem>>) offsets(%dma_start3A_297 : memref<128xi32, #tpu.memory_space<vmem>>) semaphore(%arg24 : memref<!tpu.dma_semaphore, #tpu.memory_space<semaphore_mem>>)
        %dma_start3A_301 = arith.constant 128 : i32
        %dma_start3A_302 = arith.constant 0 : i32
        %dma_start3A_303 = tpu.memref_slice %arg20[%dma_start3A_301, %dma_start3A_302] : memref<640x32xf32, #tpu.memory_space<vmem>> -> memref<128x32xf32, #tpu.memory_space<vmem>>
        %dma_start3A_304 = arith.constant 128 : i32
        %dma_start3A_305 = tpu.memref_slice %arg19[%dma_start3A_304] : memref<640xi32, #tpu.memory_space<vmem>> -> memref<128xi32, #tpu.memory_space<vmem>>
        %dma_start3A_306 = arith.constant 0 : i32
        %dma_start3A_307 = arith.constant 0 : i32
        %dma_start3A_308 = tpu.memref_slice %arg3[%dma_start3A_306, %dma_start3A_307] : memref<131072x32xf32, #tpu.memory_space<hbm>> -> memref<131072x32xf32, #tpu.memory_space<hbm>>
        tpu.enqueue_indirect_dma source(%dma_start3A_308 : memref<131072x32xf32, #tpu.memory_space<hbm>>) target(%dma_start3A_303 : memref<128x32xf32, #tpu.memory_space<vmem>>) offsets(%dma_start3A_305 : memref<128xi32, #tpu.memory_space<vmem>>) semaphore(%arg24 : memref<!tpu.dma_semaphore, #tpu.memory_space<semaphore_mem>>)
        %dma_start3A_309 = arith.constant 256 : i32
        %dma_start3A_310 = arith.constant 0 : i32
        %dma_start3A_311 = tpu.memref_slice %arg20[%dma_start3A_309, %dma_start3A_310] : memref<640x32xf32, #tpu.memory_space<vmem>> -> memref<128x32xf32, #tpu.memory_space<vmem>>
        %dma_start3A_312 = arith.constant 256 : i32
        %dma_start3A_313 = tpu.memref_slice %arg19[%dma_start3A_312] : memref<640xi32, #tpu.memory_space<vmem>> -> memref<128xi32, #tpu.memory_space<vmem>>
        %dma_start3A_314 = arith.constant 0 : i32
        %dma_start3A_315 = arith.constant 0 : i32
        %dma_start3A_316 = tpu.memref_slice %arg3[%dma_start3A_314, %dma_start3A_315] : memref<131072x32xf32, #tpu.memory_space<hbm>> -> memref<131072x32xf32, #tpu.memory_space<hbm>>
        tpu.enqueue_indirect_dma source(%dma_start3A_316 : memref<131072x32xf32, #tpu.memory_space<hbm>>) target(%dma_start3A_311 : memref<128x32xf32, #tpu.memory_space<vmem>>) offsets(%dma_start3A_313 : memref<128xi32, #tpu.memory_space<vmem>>) semaphore(%arg24 : memref<!tpu.dma_semaphore, #tpu.memory_space<semaphore_mem>>)
        %dma_start3A_317 = arith.constant 384 : i32
        %dma_start3A_318 = arith.constant 0 : i32
        %dma_start3A_319 = tpu.memref_slice %arg20[%dma_start3A_317, %dma_start3A_318] : memref<640x32xf32, #tpu.memory_space<vmem>> -> memref<128x32xf32, #tpu.memory_space<vmem>>
        %dma_start3A_320 = arith.constant 384 : i32
        %dma_start3A_321 = tpu.memref_slice %arg19[%dma_start3A_320] : memref<640xi32, #tpu.memory_space<vmem>> -> memref<128xi32, #tpu.memory_space<vmem>>
        %dma_start3A_322 = arith.constant 0 : i32
        %dma_start3A_323 = arith.constant 0 : i32
        %dma_start3A_324 = tpu.memref_slice %arg3[%dma_start3A_322, %dma_start3A_323] : memref<131072x32xf32, #tpu.memory_space<hbm>> -> memref<131072x32xf32, #tpu.memory_space<hbm>>
        tpu.enqueue_indirect_dma source(%dma_start3A_324 : memref<131072x32xf32, #tpu.memory_space<hbm>>) target(%dma_start3A_319 : memref<128x32xf32, #tpu.memory_space<vmem>>) offsets(%dma_start3A_321 : memref<128xi32, #tpu.memory_space<vmem>>) semaphore(%arg24 : memref<!tpu.dma_semaphore, #tpu.memory_space<semaphore_mem>>)
        %dma_start3A_325 = arith.constant 512 : i32
        %dma_start3A_326 = arith.constant 0 : i32
        %dma_start3A_327 = tpu.memref_slice %arg20[%dma_start3A_325, %dma_start3A_326] : memref<640x32xf32, #tpu.memory_space<vmem>> -> memref<128x32xf32, #tpu.memory_space<vmem>>
        %dma_start3A_328 = arith.constant 512 : i32
        %dma_start3A_329 = tpu.memref_slice %arg19[%dma_start3A_328] : memref<640xi32, #tpu.memory_space<vmem>> -> memref<128xi32, #tpu.memory_space<vmem>>
        %dma_start3A_330 = arith.constant 0 : i32
        %dma_start3A_331 = arith.constant 0 : i32
        %dma_start3A_332 = tpu.memref_slice %arg3[%dma_start3A_330, %dma_start3A_331] : memref<131072x32xf32, #tpu.memory_space<hbm>> -> memref<131072x32xf32, #tpu.memory_space<hbm>>
        tpu.enqueue_indirect_dma source(%dma_start3A_332 : memref<131072x32xf32, #tpu.memory_space<hbm>>) target(%dma_start3A_327 : memref<128x32xf32, #tpu.memory_space<vmem>>) offsets(%dma_start3A_329 : memref<128xi32, #tpu.memory_space<vmem>>) semaphore(%arg24 : memref<!tpu.dma_semaphore, #tpu.memory_space<semaphore_mem>>)
        %dma_wait3A = arith.constant 0 : i32
        %dma_wait3A_333 = arith.constant 0 : i32
        %dma_wait3A_334 = tpu.memref_slice %arg20[%dma_wait3A, %dma_wait3A_333] : memref<640x32xf32, #tpu.memory_space<vmem>> -> memref<128x32xf32, #tpu.memory_space<vmem>>
        %dma_wait3A_335 = arith.constant 0 : i32
        %dma_wait3A_336 = tpu.memref_slice %arg19[%dma_wait3A_335] : memref<640xi32, #tpu.memory_space<vmem>> -> memref<128xi32, #tpu.memory_space<vmem>>
        %dma_wait3A_337 = arith.constant 0 : i32
        %dma_wait3A_338 = arith.constant 0 : i32
        %dma_wait3A_339 = tpu.memref_slice %arg3[%dma_wait3A_337, %dma_wait3A_338] : memref<131072x32xf32, #tpu.memory_space<hbm>> -> memref<131072x32xf32, #tpu.memory_space<hbm>>
        tpu.wait_indirect_dma semaphore(%arg24 : memref<!tpu.dma_semaphore, #tpu.memory_space<semaphore_mem>>) src(%dma_wait3A_339 : memref<131072x32xf32, #tpu.memory_space<hbm>>) dst(%dma_wait3A_334 : memref<128x32xf32, #tpu.memory_space<vmem>>)
        %dma_wait3A_340 = arith.constant 128 : i32
        %dma_wait3A_341 = arith.constant 0 : i32
        %dma_wait3A_342 = tpu.memref_slice %arg20[%dma_wait3A_340, %dma_wait3A_341] : memref<640x32xf32, #tpu.memory_space<vmem>> -> memref<128x32xf32, #tpu.memory_space<vmem>>
        %dma_wait3A_343 = arith.constant 128 : i32
        %dma_wait3A_344 = tpu.memref_slice %arg19[%dma_wait3A_343] : memref<640xi32, #tpu.memory_space<vmem>> -> memref<128xi32, #tpu.memory_space<vmem>>
        %dma_wait3A_345 = arith.constant 0 : i32
        %dma_wait3A_346 = arith.constant 0 : i32
        %dma_wait3A_347 = tpu.memref_slice %arg3[%dma_wait3A_345, %dma_wait3A_346] : memref<131072x32xf32, #tpu.memory_space<hbm>> -> memref<131072x32xf32, #tpu.memory_space<hbm>>
        tpu.wait_indirect_dma semaphore(%arg24 : memref<!tpu.dma_semaphore, #tpu.memory_space<semaphore_mem>>) src(%dma_wait3A_347 : memref<131072x32xf32, #tpu.memory_space<hbm>>) dst(%dma_wait3A_342 : memref<128x32xf32, #tpu.memory_space<vmem>>)
        %dma_wait3A_348 = arith.constant 256 : i32
        %dma_wait3A_349 = arith.constant 0 : i32
        %dma_wait3A_350 = tpu.memref_slice %arg20[%dma_wait3A_348, %dma_wait3A_349] : memref<640x32xf32, #tpu.memory_space<vmem>> -> memref<128x32xf32, #tpu.memory_space<vmem>>
        %dma_wait3A_351 = arith.constant 256 : i32
        %dma_wait3A_352 = tpu.memref_slice %arg19[%dma_wait3A_351] : memref<640xi32, #tpu.memory_space<vmem>> -> memref<128xi32, #tpu.memory_space<vmem>>
        %dma_wait3A_353 = arith.constant 0 : i32
        %dma_wait3A_354 = arith.constant 0 : i32
        %dma_wait3A_355 = tpu.memref_slice %arg3[%dma_wait3A_353, %dma_wait3A_354] : memref<131072x32xf32, #tpu.memory_space<hbm>> -> memref<131072x32xf32, #tpu.memory_space<hbm>>
        tpu.wait_indirect_dma semaphore(%arg24 : memref<!tpu.dma_semaphore, #tpu.memory_space<semaphore_mem>>) src(%dma_wait3A_355 : memref<131072x32xf32, #tpu.memory_space<hbm>>) dst(%dma_wait3A_350 : memref<128x32xf32, #tpu.memory_space<vmem>>)
        %dma_wait3A_356 = arith.constant 384 : i32
        %dma_wait3A_357 = arith.constant 0 : i32
        %dma_wait3A_358 = tpu.memref_slice %arg20[%dma_wait3A_356, %dma_wait3A_357] : memref<640x32xf32, #tpu.memory_space<vmem>> -> memref<128x32xf32, #tpu.memory_space<vmem>>
        %dma_wait3A_359 = arith.constant 384 : i32
        %dma_wait3A_360 = tpu.memref_slice %arg19[%dma_wait3A_359] : memref<640xi32, #tpu.memory_space<vmem>> -> memref<128xi32, #tpu.memory_space<vmem>>
        %dma_wait3A_361 = arith.constant 0 : i32
        %dma_wait3A_362 = arith.constant 0 : i32
        %dma_wait3A_363 = tpu.memref_slice %arg3[%dma_wait3A_361, %dma_wait3A_362] : memref<131072x32xf32, #tpu.memory_space<hbm>> -> memref<131072x32xf32, #tpu.memory_space<hbm>>
        tpu.wait_indirect_dma semaphore(%arg24 : memref<!tpu.dma_semaphore, #tpu.memory_space<semaphore_mem>>) src(%dma_wait3A_363 : memref<131072x32xf32, #tpu.memory_space<hbm>>) dst(%dma_wait3A_358 : memref<128x32xf32, #tpu.memory_space<vmem>>)
        %dma_wait3A_364 = arith.constant 512 : i32
        %dma_wait3A_365 = arith.constant 0 : i32
        %dma_wait3A_366 = tpu.memref_slice %arg20[%dma_wait3A_364, %dma_wait3A_365] : memref<640x32xf32, #tpu.memory_space<vmem>> -> memref<128x32xf32, #tpu.memory_space<vmem>>
        %dma_wait3A_367 = arith.constant 512 : i32
        %dma_wait3A_368 = tpu.memref_slice %arg19[%dma_wait3A_367] : memref<640xi32, #tpu.memory_space<vmem>> -> memref<128xi32, #tpu.memory_space<vmem>>
        %dma_wait3A_369 = arith.constant 0 : i32
        %dma_wait3A_370 = arith.constant 0 : i32
        %dma_wait3A_371 = tpu.memref_slice %arg3[%dma_wait3A_369, %dma_wait3A_370] : memref<131072x32xf32, #tpu.memory_space<hbm>> -> memref<131072x32xf32, #tpu.memory_space<hbm>>
        tpu.wait_indirect_dma semaphore(%arg24 : memref<!tpu.dma_semaphore, #tpu.memory_space<semaphore_mem>>) src(%dma_wait3A_371 : memref<131072x32xf32, #tpu.memory_space<hbm>>) dst(%dma_wait3A_366 : memref<128x32xf32, #tpu.memory_space<vmem>>)
        %while3A_372 = arith.constant 0 : i32
        %while3A_373 = arith.subi %min3A_283, %while3A_372 : i32
        %while3A_374 = arith.addi %while3A_372, %while3A_373 : i32
        %while3A_375 = arith.constant 1 : i32
        %while3A_376 = arith.divsi %while3A_373, %while3A_375 : i32
        %while3A_377 = arith.muli %while3A_376, %while3A_375 : i32
        %while3A_378 = arith.addi %while3A_372, %while3A_377 : i32
        %while3A_379 = arith.constant 1 : i32
        %while3A_380:4 = scf.for %while3A_383 = %while3A_372 to %while3A_378 step %while3A_379 iter_args(%while3A_384 = %while3A_274, %while3A_385 = %while3A_275, %while3A_386 = %while3A_276, %while3A_387 = %while3A_277) -> (vector<16xf32>, vector<16xf32>, vector<16xf32>, vector<16xf32>)  : i32 {
          %add3A_388 = arith.addi %sub3A_285, %while3A_383 : i32
          %get3A_389 = arith.index_cast %add3A_388 : i32 to index
          %get3A_390 = tpu.vector_load %arg18[%get3A_389] {strides = array<i32>} : memref<640xi32, #tpu.memory_space<vmem>>, vector<16xi32>,
          %slice3A_391 = vector.extract_strided_slice %get3A_390 {offsets = [0], sizes = [1], strides = [1]} : vector<16xi32> to vector<1xi32>
          %squeeze3A_392 = vector.extract %slice3A_391[0] : i32 from vector<1xi32>
          %and3A_393 = arith.constant 255 : i32
          %and3A_394 = arith.andi %squeeze3A_392, %and3A_393 : i32
          %get3A_395 = arith.index_cast %and3A_394 : i32 to index
          %get3A_396 = tpu.vector_load %arg17[%get3A_395] {strides = array<i32>} : memref<272xi32, #tpu.memory_space<vmem>>, vector<16xi32>,
          %slice3A_397 = vector.extract_strided_slice %get3A_396 {offsets = [0], sizes = [1], strides = [1]} : vector<16xi32> to vector<1xi32>
          %squeeze3A_398 = vector.extract %slice3A_397[0] : i32 from vector<1xi32>
          %broadcast_in_dim3A_399 = vector.broadcast %and3A_394 : i32 to vector<16xi32>
          %add3A_400 = arith.constant 1 : i32
          %add3A_401 = vector.broadcast %add3A_400 : i32 to vector<16xi32>
          %add3A_402 = arith.addi %get3A_396, %add3A_401 : vector<16xi32>
          %eq3A_403 = arith.constant 0 : i32
          %eq3A_404 = vector.broadcast %eq3A_403 : i32 to vector<16xi32>
          %eq3A_405 = arith.cmpi eq, %iota3A, %eq3A_404 : vector<16xi32>
          tpu.vector_store_idx %arg17[%broadcast_in_dim3A_399], %add3A_402 masked %eq3A_405 : memref<272xi32, #tpu.memory_space<vmem>>[vector<16xi32>], vector<16xi32>, vector<16xi1>
          %add3A_406 = arith.addi %sub3A_285, %while3A_383 : i32
          %broadcast_in_dim3A_407 = vector.broadcast %add3A_406 : i32 to vector<16xi32>
          %gather3A = tpu.vector_load_idx %arg20[%broadcast_in_dim3A_407, %iota3A] : memref<640x32xf32, #tpu.memory_space<vmem>>[vector<16xi32>, vector<16xi32>], vector<16xf32>,
          %add3A_408 = arith.constant 16 : i32
          %add3A_409 = vector.broadcast %add3A_408 : i32 to vector<16xi32>
          %add3A_410 = arith.addi %iota3A, %add3A_409 : vector<16xi32>
          %gather3A_411 = tpu.vector_load_idx %arg20[%broadcast_in_dim3A_407, %add3A_410] : memref<640x32xf32, #tpu.memory_space<vmem>>[vector<16xi32>, vector<16xi32>], vector<16xf32>,
          %lt3A = arith.constant 16 : i32
          %lt3A_412 = arith.cmpi slt, %squeeze3A_398, %lt3A : i32
          %jit3A = arith.constant 1.000000e+00 : f32
          %jit3A_413 = arith.constant 0.000000e+00 : f32
          %select_n3A_414 = arith.select %lt3A_412, %jit3A, %jit3A_413 : f32
          %mul3A_415 = vector.broadcast %select_n3A_414 : f32 to vector<16xf32>
          %mul3A_416 = arith.mulf %gather3A, %mul3A_415 : vector<16xf32>
          %add3A_417 = arith.addf %while3A_384, %mul3A_416 : vector<16xf32>
          %mul3A_418 = vector.broadcast %select_n3A_414 : f32 to vector<16xf32>
          %mul3A_419 = arith.mulf %gather3A_411, %mul3A_418 : vector<16xf32>
          %add3A_420 = arith.addf %while3A_385, %mul3A_419 : vector<16xf32>
          %mul3A_421 = arith.mulf %gather3A, %gather3A : vector<16xf32>
          %mul3A_422 = vector.broadcast %select_n3A_414 : f32 to vector<16xf32>
          %mul3A_423 = arith.mulf %mul3A_421, %mul3A_422 : vector<16xf32>
          %add3A_424 = arith.addf %while3A_386, %mul3A_423 : vector<16xf32>
          %mul3A_425 = arith.mulf %gather3A_411, %gather3A_411 : vector<16xf32>
          %mul3A_426 = vector.broadcast %select_n3A_414 : f32 to vector<16xf32>
          %mul3A_427 = arith.mulf %mul3A_425, %mul3A_426 : vector<16xf32>
          %add3A_428 = arith.addf %while3A_387, %mul3A_427 : vector<16xf32>
          %broadcast_in_dim3A_429 = vector.broadcast %squeeze3A_398 : i32 to vector<16xi32>
          %lt3A_430 = arith.constant 16 : i32
          %lt3A_431 = vector.broadcast %lt3A_430 : i32 to vector<16xi32>
          %lt3A_432 = arith.cmpi slt, %broadcast_in_dim3A_429, %lt3A_431 : vector<16xi32>
          %eq3A_433 = arith.constant 0 : i32
          %eq3A_434 = vector.broadcast %eq3A_433 : i32 to vector<16xi32>
          %eq3A_435 = arith.cmpi eq, %broadcast_in_dim3A_429, %eq3A_434 : vector<16xi32>
          %get3A_436 = arith.index_cast %and3A_394 : i32 to index
          %get3A_437 = arith.constant 0 : index
          %get3A_438 = tpu.vector_load %arg15[%get3A_436, %get3A_437] {strides = array<i32>} : memref<256x32xf32, #tpu.memory_space<vmem>>, vector<16xf32>,
          %get3A_439 = arith.index_cast %and3A_394 : i32 to index
          %get3A_440 = arith.constant 16 : index
          %get3A_441 = tpu.vector_load %arg15[%get3A_439, %get3A_440] {strides = array<i32>} : memref<256x32xf32, #tpu.memory_space<vmem>>, vector<16xf32>,
          %get3A_442 = arith.index_cast %and3A_394 : i32 to index
          %get3A_443 = arith.constant 0 : index
          %get3A_444 = tpu.vector_load %arg16[%get3A_442, %get3A_443] {strides = array<i32>} : memref<256x32xf32, #tpu.memory_space<vmem>>, vector<16xf32>,
          %get3A_445 = arith.index_cast %and3A_394 : i32 to index
          %get3A_446 = arith.constant 16 : index
          %get3A_447 = tpu.vector_load %arg16[%get3A_445, %get3A_446] {strides = array<i32>} : memref<256x32xf32, #tpu.memory_space<vmem>>, vector<16xf32>,
          %max3A = arith.maximumf %get3A_438, %gather3A : vector<16xf32>
          %select_n3A_448 = arith.select %eq3A_435, %gather3A, %max3A : vector<16xi1>, vector<16xf32>
          %select_n3A_449 = arith.select %lt3A_432, %select_n3A_448, %get3A_438 : vector<16xi1>, vector<16xf32>
          %swap3A_450 = arith.index_cast %and3A_394 : i32 to index
          %swap3A_451 = arith.constant 0 : index
          %swap3A_452 = tpu.vector_load %arg15[%swap3A_450, %swap3A_451] {strides = array<i32>} : memref<256x32xf32, #tpu.memory_space<vmem>>, vector<16xf32>,
          tpu.vector_store %arg15[%swap3A_450, %swap3A_451], %select_n3A_449 {strides = array<i32>} : memref<256x32xf32, #tpu.memory_space<vmem>>, vector<16xf32>,
          %max3A_453 = arith.maximumf %get3A_441, %gather3A_411 : vector<16xf32>
          %select_n3A_454 = arith.select %eq3A_435, %gather3A_411, %max3A_453 : vector<16xi1>, vector<16xf32>
          %select_n3A_455 = arith.select %lt3A_432, %select_n3A_454, %get3A_441 : vector<16xi1>, vector<16xf32>
          %swap3A_456 = arith.index_cast %and3A_394 : i32 to index
          %swap3A_457 = arith.constant 16 : index
          %swap3A_458 = tpu.vector_load %arg15[%swap3A_456, %swap3A_457] {strides = array<i32>} : memref<256x32xf32, #tpu.memory_space<vmem>>, vector<16xf32>,
          tpu.vector_store %arg15[%swap3A_456, %swap3A_457], %select_n3A_455 {strides = array<i32>} : memref<256x32xf32, #tpu.memory_space<vmem>>, vector<16xf32>,
          %min3A_459 = arith.minimumf %get3A_444, %gather3A : vector<16xf32>
          %select_n3A_460 = arith.select %eq3A_435, %gather3A, %min3A_459 : vector<16xi1>, vector<16xf32>
          %select_n3A_461 = arith.select %lt3A_432, %select_n3A_460, %get3A_444 : vector<16xi1>, vector<16xf32>
          %swap3A_462 = arith.index_cast %and3A_394 : i32 to index
          %swap3A_463 = arith.constant 0 : index
          %swap3A_464 = tpu.vector_load %arg16[%swap3A_462, %swap3A_463] {strides = array<i32>} : memref<256x32xf32, #tpu.memory_space<vmem>>, vector<16xf32>,
          tpu.vector_store %arg16[%swap3A_462, %swap3A_463], %select_n3A_461 {strides = array<i32>} : memref<256x32xf32, #tpu.memory_space<vmem>>, vector<16xf32>,
          %min3A_465 = arith.minimumf %get3A_447, %gather3A_411 : vector<16xf32>
          %select_n3A_466 = arith.select %eq3A_435, %gather3A_411, %min3A_465 : vector<16xi1>, vector<16xf32>
          %select_n3A_467 = arith.select %lt3A_432, %select_n3A_466, %get3A_447 : vector<16xi1>, vector<16xf32>
          %swap3A_468 = arith.index_cast %and3A_394 : i32 to index
          %swap3A_469 = arith.constant 16 : index
          %swap3A_470 = tpu.vector_load %arg16[%swap3A_468, %swap3A_469] {strides = array<i32>} : memref<256x32xf32, #tpu.memory_space<vmem>>, vector<16xf32>,
          tpu.vector_store %arg16[%swap3A_468, %swap3A_469], %select_n3A_467 {strides = array<i32>} : memref<256x32xf32, #tpu.memory_space<vmem>>, vector<16xf32>,
          scf.yield %add3A_417, %add3A_420, %add3A_424, %add3A_428 : vector<16xf32>, vector<16xf32>, vector<16xf32>, vector<16xf32>
        }
        %while3A_381 = arith.constant 1 : i32
        %while3A_382:4 = scf.for %while3A_383 = %while3A_378 to %while3A_374 step %while3A_381 iter_args(%while3A_384 = %while3A_380#0, %while3A_385 = %while3A_380#1, %while3A_386 = %while3A_380#2, %while3A_387 = %while3A_380#3) -> (vector<16xf32>, vector<16xf32>, vector<16xf32>, vector<16xf32>)  : i32 {
          %add3A_388 = arith.addi %sub3A_285, %while3A_383 : i32
          %get3A_389 = arith.index_cast %add3A_388 : i32 to index
          %get3A_390 = tpu.vector_load %arg18[%get3A_389] {strides = array<i32>} : memref<640xi32, #tpu.memory_space<vmem>>, vector<16xi32>,
          %slice3A_391 = vector.extract_strided_slice %get3A_390 {offsets = [0], sizes = [1], strides = [1]} : vector<16xi32> to vector<1xi32>
          %squeeze3A_392 = vector.extract %slice3A_391[0] : i32 from vector<1xi32>
          %and3A_393 = arith.constant 255 : i32
          %and3A_394 = arith.andi %squeeze3A_392, %and3A_393 : i32
          %get3A_395 = arith.index_cast %and3A_394 : i32 to index
          %get3A_396 = tpu.vector_load %arg17[%get3A_395] {strides = array<i32>} : memref<272xi32, #tpu.memory_space<vmem>>, vector<16xi32>,
          %slice3A_397 = vector.extract_strided_slice %get3A_396 {offsets = [0], sizes = [1], strides = [1]} : vector<16xi32> to vector<1xi32>
          %squeeze3A_398 = vector.extract %slice3A_397[0] : i32 from vector<1xi32>
          %broadcast_in_dim3A_399 = vector.broadcast %and3A_394 : i32 to vector<16xi32>
          %add3A_400 = arith.constant 1 : i32
          %add3A_401 = vector.broadcast %add3A_400 : i32 to vector<16xi32>
          %add3A_402 = arith.addi %get3A_396, %add3A_401 : vector<16xi32>
          %eq3A_403 = arith.constant 0 : i32
          %eq3A_404 = vector.broadcast %eq3A_403 : i32 to vector<16xi32>
          %eq3A_405 = arith.cmpi eq, %iota3A, %eq3A_404 : vector<16xi32>
          tpu.vector_store_idx %arg17[%broadcast_in_dim3A_399], %add3A_402 masked %eq3A_405 : memref<272xi32, #tpu.memory_space<vmem>>[vector<16xi32>], vector<16xi32>, vector<16xi1>
          %add3A_406 = arith.addi %sub3A_285, %while3A_383 : i32
          %broadcast_in_dim3A_407 = vector.broadcast %add3A_406 : i32 to vector<16xi32>
          %gather3A = tpu.vector_load_idx %arg20[%broadcast_in_dim3A_407, %iota3A] : memref<640x32xf32, #tpu.memory_space<vmem>>[vector<16xi32>, vector<16xi32>], vector<16xf32>,
          %add3A_408 = arith.constant 16 : i32
          %add3A_409 = vector.broadcast %add3A_408 : i32 to vector<16xi32>
          %add3A_410 = arith.addi %iota3A, %add3A_409 : vector<16xi32>
          %gather3A_411 = tpu.vector_load_idx %arg20[%broadcast_in_dim3A_407, %add3A_410] : memref<640x32xf32, #tpu.memory_space<vmem>>[vector<16xi32>, vector<16xi32>], vector<16xf32>,
          %lt3A = arith.constant 16 : i32
          %lt3A_412 = arith.cmpi slt, %squeeze3A_398, %lt3A : i32
          %jit3A = arith.constant 1.000000e+00 : f32
          %jit3A_413 = arith.constant 0.000000e+00 : f32
          %select_n3A_414 = arith.select %lt3A_412, %jit3A, %jit3A_413 : f32
          %mul3A_415 = vector.broadcast %select_n3A_414 : f32 to vector<16xf32>
          %mul3A_416 = arith.mulf %gather3A, %mul3A_415 : vector<16xf32>
          %add3A_417 = arith.addf %while3A_384, %mul3A_416 : vector<16xf32>
          %mul3A_418 = vector.broadcast %select_n3A_414 : f32 to vector<16xf32>
          %mul3A_419 = arith.mulf %gather3A_411, %mul3A_418 : vector<16xf32>
          %add3A_420 = arith.addf %while3A_385, %mul3A_419 : vector<16xf32>
          %mul3A_421 = arith.mulf %gather3A, %gather3A : vector<16xf32>
          %mul3A_422 = vector.broadcast %select_n3A_414 : f32 to vector<16xf32>
          %mul3A_423 = arith.mulf %mul3A_421, %mul3A_422 : vector<16xf32>
          %add3A_424 = arith.addf %while3A_386, %mul3A_423 : vector<16xf32>
          %mul3A_425 = arith.mulf %gather3A_411, %gather3A_411 : vector<16xf32>
          %mul3A_426 = vector.broadcast %select_n3A_414 : f32 to vector<16xf32>
          %mul3A_427 = arith.mulf %mul3A_425, %mul3A_426 : vector<16xf32>
          %add3A_428 = arith.addf %while3A_387, %mul3A_427 : vector<16xf32>
          %broadcast_in_dim3A_429 = vector.broadcast %squeeze3A_398 : i32 to vector<16xi32>
          %lt3A_430 = arith.constant 16 : i32
          %lt3A_431 = vector.broadcast %lt3A_430 : i32 to vector<16xi32>
          %lt3A_432 = arith.cmpi slt, %broadcast_in_dim3A_429, %lt3A_431 : vector<16xi32>
          %eq3A_433 = arith.constant 0 : i32
          %eq3A_434 = vector.broadcast %eq3A_433 : i32 to vector<16xi32>
          %eq3A_435 = arith.cmpi eq, %broadcast_in_dim3A_429, %eq3A_434 : vector<16xi32>
          %get3A_436 = arith.index_cast %and3A_394 : i32 to index
          %get3A_437 = arith.constant 0 : index
          %get3A_438 = tpu.vector_load %arg15[%get3A_436, %get3A_437] {strides = array<i32>} : memref<256x32xf32, #tpu.memory_space<vmem>>, vector<16xf32>,
          %get3A_439 = arith.index_cast %and3A_394 : i32 to index
          %get3A_440 = arith.constant 16 : index
          %get3A_441 = tpu.vector_load %arg15[%get3A_439, %get3A_440] {strides = array<i32>} : memref<256x32xf32, #tpu.memory_space<vmem>>, vector<16xf32>,
          %get3A_442 = arith.index_cast %and3A_394 : i32 to index
          %get3A_443 = arith.constant 0 : index
          %get3A_444 = tpu.vector_load %arg16[%get3A_442, %get3A_443] {strides = array<i32>} : memref<256x32xf32, #tpu.memory_space<vmem>>, vector<16xf32>,
          %get3A_445 = arith.index_cast %and3A_394 : i32 to index
          %get3A_446 = arith.constant 16 : index
          %get3A_447 = tpu.vector_load %arg16[%get3A_445, %get3A_446] {strides = array<i32>} : memref<256x32xf32, #tpu.memory_space<vmem>>, vector<16xf32>,
          %max3A = arith.maximumf %get3A_438, %gather3A : vector<16xf32>
          %select_n3A_448 = arith.select %eq3A_435, %gather3A, %max3A : vector<16xi1>, vector<16xf32>
          %select_n3A_449 = arith.select %lt3A_432, %select_n3A_448, %get3A_438 : vector<16xi1>, vector<16xf32>
          %swap3A_450 = arith.index_cast %and3A_394 : i32 to index
          %swap3A_451 = arith.constant 0 : index
          %swap3A_452 = tpu.vector_load %arg15[%swap3A_450, %swap3A_451] {strides = array<i32>} : memref<256x32xf32, #tpu.memory_space<vmem>>, vector<16xf32>,
          tpu.vector_store %arg15[%swap3A_450, %swap3A_451], %select_n3A_449 {strides = array<i32>} : memref<256x32xf32, #tpu.memory_space<vmem>>, vector<16xf32>,
          %max3A_453 = arith.maximumf %get3A_441, %gather3A_411 : vector<16xf32>
          %select_n3A_454 = arith.select %eq3A_435, %gather3A_411, %max3A_453 : vector<16xi1>, vector<16xf32>
          %select_n3A_455 = arith.select %lt3A_432, %select_n3A_454, %get3A_441 : vector<16xi1>, vector<16xf32>
          %swap3A_456 = arith.index_cast %and3A_394 : i32 to index
          %swap3A_457 = arith.constant 16 : index
          %swap3A_458 = tpu.vector_load %arg15[%swap3A_456, %swap3A_457] {strides = array<i32>} : memref<256x32xf32, #tpu.memory_space<vmem>>, vector<16xf32>,
          tpu.vector_store %arg15[%swap3A_456, %swap3A_457], %select_n3A_455 {strides = array<i32>} : memref<256x32xf32, #tpu.memory_space<vmem>>, vector<16xf32>,
          %min3A_459 = arith.minimumf %get3A_444, %gather3A : vector<16xf32>
          %select_n3A_460 = arith.select %eq3A_435, %gather3A, %min3A_459 : vector<16xi1>, vector<16xf32>
          %select_n3A_461 = arith.select %lt3A_432, %select_n3A_460, %get3A_444 : vector<16xi1>, vector<16xf32>
          %swap3A_462 = arith.index_cast %and3A_394 : i32 to index
          %swap3A_463 = arith.constant 0 : index
          %swap3A_464 = tpu.vector_load %arg16[%swap3A_462, %swap3A_463] {strides = array<i32>} : memref<256x32xf32, #tpu.memory_space<vmem>>, vector<16xf32>,
          tpu.vector_store %arg16[%swap3A_462, %swap3A_463], %select_n3A_461 {strides = array<i32>} : memref<256x32xf32, #tpu.memory_space<vmem>>, vector<16xf32>,
          %min3A_465 = arith.minimumf %get3A_447, %gather3A_411 : vector<16xf32>
          %select_n3A_466 = arith.select %eq3A_435, %gather3A_411, %min3A_465 : vector<16xi1>, vector<16xf32>
          %select_n3A_467 = arith.select %lt3A_432, %select_n3A_466, %get3A_447 : vector<16xi1>, vector<16xf32>
          %swap3A_468 = arith.index_cast %and3A_394 : i32 to index
          %swap3A_469 = arith.constant 16 : index
          %swap3A_470 = tpu.vector_load %arg16[%swap3A_468, %swap3A_469] {strides = array<i32>} : memref<256x32xf32, #tpu.memory_space<vmem>>, vector<16xf32>,
          tpu.vector_store %arg16[%swap3A_468, %swap3A_469], %select_n3A_467 {strides = array<i32>} : memref<256x32xf32, #tpu.memory_space<vmem>>, vector<16xf32>,
          scf.yield %add3A_417, %add3A_420, %add3A_424, %add3A_428 : vector<16xf32>, vector<16xf32>, vector<16xf32>, vector<16xf32>
        }
        scf.yield %while3A_382#0, %while3A_382#1, %while3A_382#2, %while3A_382#3 : vector<16xf32>, vector<16xf32>, vector<16xf32>, vector<16xf32>
      }
      %while3A_152 = arith.constant 1 : i32
      %while3A_153:4 = scf.for %while3A_273 = %while3A_149 to %while3A_145 step %while3A_152 iter_args(%while3A_274 = %while3A_151#0, %while3A_275 = %while3A_151#1, %while3A_276 = %while3A_151#2, %while3A_277 = %while3A_151#3) -> (vector<16xf32>, vector<16xf32>, vector<16xf32>, vector<16xf32>)  : i32 {
        %mul3A_278 = arith.constant 512 : i32
        %mul3A_279 = arith.muli %while3A_273, %mul3A_278 : i32
        %add3A_280 = arith.addi %squeeze3A, %mul3A_279 : i32
        %mul3A_281 = arith.constant 512 : i32
        %mul3A_282 = arith.muli %while3A_273, %mul3A_281 : i32
        %sub3A = arith.subi %squeeze3A_72, %mul3A_282 : i32
        %min3A = arith.constant 512 : i32
        %min3A_283 = arith.minsi %min3A, %sub3A : i32
        %and3A = arith.constant -8 : i32
        %and3A_284 = arith.andi %add3A_280, %and3A : i32
        %sub3A_285 = arith.subi %add3A_280, %and3A_284 : i32
        %multiple_of3A_286 = tpu.assume_multiple %and3A_284, 8 : i32
        "tpu.region"() ({
          %run_scoped3A = tpu.sem_alloc : memref<!tpu.dma_semaphore, #tpu.memory_space<semaphore_mem>>
          %dma_start3A_383 = tpu.memref_slice %arg23[%multiple_of3A_286] : memref<131776xi32, #tpu.memory_space<vmem_shared>> -> memref<640xi32, #tpu.memory_space<vmem_shared>>
          %dma_start3A_384 = tpu.memref_slice %arg23[%multiple_of3A_286] : memref<131776xi32, #tpu.memory_space<vmem_shared>> -> memref<640xi32, #tpu.memory_space<vmem_shared>>
          tpu.enqueue_dma source(%dma_start3A_384 : memref<640xi32, #tpu.memory_space<vmem_shared>>) target(%arg18 : memref<640xi32, #tpu.memory_space<vmem>>) target_semaphore(%run_scoped3A : memref<!tpu.dma_semaphore, #tpu.memory_space<semaphore_mem>>)
          %dma_wait3A_385 = tpu.memref_slice %arg23[%multiple_of3A_286] : memref<131776xi32, #tpu.memory_space<vmem_shared>> -> memref<640xi32, #tpu.memory_space<vmem_shared>>
          %dma_wait3A_386 = tpu.memref_slice %arg23[%multiple_of3A_286] : memref<131776xi32, #tpu.memory_space<vmem_shared>> -> memref<640xi32, #tpu.memory_space<vmem_shared>>
          tpu.wait_dma2 semaphore(%run_scoped3A : memref<!tpu.dma_semaphore, #tpu.memory_space<semaphore_mem>>) src(%dma_wait3A_386 : memref<640xi32, #tpu.memory_space<vmem_shared>>) dst(%arg18 : memref<640xi32, #tpu.memory_space<vmem>>)
          tpu.yield
        }) : () -> ()
        %scan3A_287 = arith.constant 0 : i32
        %scan3A_288 = arith.constant 0 : i32
        %scan3A_289 = arith.constant 40 : i32
        %scan3A_290 = arith.addi %scan3A_288, %scan3A_289 : i32
        %scan3A_291 = arith.constant 1 : i32
        %scan3A_292 = scf.for %scan3A_383 = %scan3A_288 to %scan3A_290 step %scan3A_291 iter_args(%scan3A_384 = %scan3A_287) -> (i32)  : i32 {
          %mul3A_385 = arith.constant 16 : i32
          %mul3A_386 = arith.muli %scan3A_383, %mul3A_385 : i32
          %get3A_387 = arith.index_cast %mul3A_386 : i32 to index
          %get3A_388 = tpu.vector_load %arg18[%get3A_387] {strides = array<i32>} : memref<640xi32, #tpu.memory_space<vmem>>, vector<16xi32>,
          %shift_right_logical3A_389 = arith.shrui %get3A_388, %broadcast_in_dim3A_0 : vector<16xi32>
          %mul3A_390 = arith.constant 16 : i32
          %mul3A_391 = arith.muli %scan3A_383, %mul3A_390 : i32
          %swap3A_392 = arith.index_cast %mul3A_391 : i32 to index
          %swap3A_393 = tpu.vector_load %arg19[%swap3A_392] {strides = array<i32>} : memref<640xi32, #tpu.memory_space<vmem>>, vector<16xi32>,
          tpu.vector_store %arg19[%swap3A_392], %shift_right_logical3A_389 {strides = array<i32>} : memref<640xi32, #tpu.memory_space<vmem>>, vector<16xi32>,
          %scan3A_394 = arith.constant 0 : i32
          scf.yield %scan3A_394 : i32
        }
        %scan3A_293 = arith.constant 40 : i32
        %dma_start3A = arith.constant 0 : i32
        %dma_start3A_294 = arith.constant 0 : i32
        %dma_start3A_295 = tpu.memref_slice %arg20[%dma_start3A, %dma_start3A_294] : memref<640x32xf32, #tpu.memory_space<vmem>> -> memref<128x32xf32, #tpu.memory_space<vmem>>
        %dma_start3A_296 = arith.constant 0 : i32
        %dma_start3A_297 = tpu.memref_slice %arg19[%dma_start3A_296] : memref<640xi32, #tpu.memory_space<vmem>> -> memref<128xi32, #tpu.memory_space<vmem>>
        %dma_start3A_298 = arith.constant 0 : i32
        %dma_start3A_299 = arith.constant 0 : i32
        %dma_start3A_300 = tpu.memref_slice %arg3[%dma_start3A_298, %dma_start3A_299] : memref<131072x32xf32, #tpu.memory_space<hbm>> -> memref<131072x32xf32, #tpu.memory_space<hbm>>
        tpu.enqueue_indirect_dma source(%dma_start3A_300 : memref<131072x32xf32, #tpu.memory_space<hbm>>) target(%dma_start3A_295 : memref<128x32xf32, #tpu.memory_space<vmem>>) offsets(%dma_start3A_297 : memref<128xi32, #tpu.memory_space<vmem>>) semaphore(%arg24 : memref<!tpu.dma_semaphore, #tpu.memory_space<semaphore_mem>>)
        %dma_start3A_301 = arith.constant 128 : i32
        %dma_start3A_302 = arith.constant 0 : i32
        %dma_start3A_303 = tpu.memref_slice %arg20[%dma_start3A_301, %dma_start3A_302] : memref<640x32xf32, #tpu.memory_space<vmem>> -> memref<128x32xf32, #tpu.memory_space<vmem>>
        %dma_start3A_304 = arith.constant 128 : i32
        %dma_start3A_305 = tpu.memref_slice %arg19[%dma_start3A_304] : memref<640xi32, #tpu.memory_space<vmem>> -> memref<128xi32, #tpu.memory_space<vmem>>
        %dma_start3A_306 = arith.constant 0 : i32
        %dma_start3A_307 = arith.constant 0 : i32
        %dma_start3A_308 = tpu.memref_slice %arg3[%dma_start3A_306, %dma_start3A_307] : memref<131072x32xf32, #tpu.memory_space<hbm>> -> memref<131072x32xf32, #tpu.memory_space<hbm>>
        tpu.enqueue_indirect_dma source(%dma_start3A_308 : memref<131072x32xf32, #tpu.memory_space<hbm>>) target(%dma_start3A_303 : memref<128x32xf32, #tpu.memory_space<vmem>>) offsets(%dma_start3A_305 : memref<128xi32, #tpu.memory_space<vmem>>) semaphore(%arg24 : memref<!tpu.dma_semaphore, #tpu.memory_space<semaphore_mem>>)
        %dma_start3A_309 = arith.constant 256 : i32
        %dma_start3A_310 = arith.constant 0 : i32
        %dma_start3A_311 = tpu.memref_slice %arg20[%dma_start3A_309, %dma_start3A_310] : memref<640x32xf32, #tpu.memory_space<vmem>> -> memref<128x32xf32, #tpu.memory_space<vmem>>
        %dma_start3A_312 = arith.constant 256 : i32
        %dma_start3A_313 = tpu.memref_slice %arg19[%dma_start3A_312] : memref<640xi32, #tpu.memory_space<vmem>> -> memref<128xi32, #tpu.memory_space<vmem>>
        %dma_start3A_314 = arith.constant 0 : i32
        %dma_start3A_315 = arith.constant 0 : i32
        %dma_start3A_316 = tpu.memref_slice %arg3[%dma_start3A_314, %dma_start3A_315] : memref<131072x32xf32, #tpu.memory_space<hbm>> -> memref<131072x32xf32, #tpu.memory_space<hbm>>
        tpu.enqueue_indirect_dma source(%dma_start3A_316 : memref<131072x32xf32, #tpu.memory_space<hbm>>) target(%dma_start3A_311 : memref<128x32xf32, #tpu.memory_space<vmem>>) offsets(%dma_start3A_313 : memref<128xi32, #tpu.memory_space<vmem>>) semaphore(%arg24 : memref<!tpu.dma_semaphore, #tpu.memory_space<semaphore_mem>>)
        %dma_start3A_317 = arith.constant 384 : i32
        %dma_start3A_318 = arith.constant 0 : i32
        %dma_start3A_319 = tpu.memref_slice %arg20[%dma_start3A_317, %dma_start3A_318] : memref<640x32xf32, #tpu.memory_space<vmem>> -> memref<128x32xf32, #tpu.memory_space<vmem>>
        %dma_start3A_320 = arith.constant 384 : i32
        %dma_start3A_321 = tpu.memref_slice %arg19[%dma_start3A_320] : memref<640xi32, #tpu.memory_space<vmem>> -> memref<128xi32, #tpu.memory_space<vmem>>
        %dma_start3A_322 = arith.constant 0 : i32
        %dma_start3A_323 = arith.constant 0 : i32
        %dma_start3A_324 = tpu.memref_slice %arg3[%dma_start3A_322, %dma_start3A_323] : memref<131072x32xf32, #tpu.memory_space<hbm>> -> memref<131072x32xf32, #tpu.memory_space<hbm>>
        tpu.enqueue_indirect_dma source(%dma_start3A_324 : memref<131072x32xf32, #tpu.memory_space<hbm>>) target(%dma_start3A_319 : memref<128x32xf32, #tpu.memory_space<vmem>>) offsets(%dma_start3A_321 : memref<128xi32, #tpu.memory_space<vmem>>) semaphore(%arg24 : memref<!tpu.dma_semaphore, #tpu.memory_space<semaphore_mem>>)
        %dma_start3A_325 = arith.constant 512 : i32
        %dma_start3A_326 = arith.constant 0 : i32
        %dma_start3A_327 = tpu.memref_slice %arg20[%dma_start3A_325, %dma_start3A_326] : memref<640x32xf32, #tpu.memory_space<vmem>> -> memref<128x32xf32, #tpu.memory_space<vmem>>
        %dma_start3A_328 = arith.constant 512 : i32
        %dma_start3A_329 = tpu.memref_slice %arg19[%dma_start3A_328] : memref<640xi32, #tpu.memory_space<vmem>> -> memref<128xi32, #tpu.memory_space<vmem>>
        %dma_start3A_330 = arith.constant 0 : i32
        %dma_start3A_331 = arith.constant 0 : i32
        %dma_start3A_332 = tpu.memref_slice %arg3[%dma_start3A_330, %dma_start3A_331] : memref<131072x32xf32, #tpu.memory_space<hbm>> -> memref<131072x32xf32, #tpu.memory_space<hbm>>
        tpu.enqueue_indirect_dma source(%dma_start3A_332 : memref<131072x32xf32, #tpu.memory_space<hbm>>) target(%dma_start3A_327 : memref<128x32xf32, #tpu.memory_space<vmem>>) offsets(%dma_start3A_329 : memref<128xi32, #tpu.memory_space<vmem>>) semaphore(%arg24 : memref<!tpu.dma_semaphore, #tpu.memory_space<semaphore_mem>>)
        %dma_wait3A = arith.constant 0 : i32
        %dma_wait3A_333 = arith.constant 0 : i32
        %dma_wait3A_334 = tpu.memref_slice %arg20[%dma_wait3A, %dma_wait3A_333] : memref<640x32xf32, #tpu.memory_space<vmem>> -> memref<128x32xf32, #tpu.memory_space<vmem>>
        %dma_wait3A_335 = arith.constant 0 : i32
        %dma_wait3A_336 = tpu.memref_slice %arg19[%dma_wait3A_335] : memref<640xi32, #tpu.memory_space<vmem>> -> memref<128xi32, #tpu.memory_space<vmem>>
        %dma_wait3A_337 = arith.constant 0 : i32
        %dma_wait3A_338 = arith.constant 0 : i32
        %dma_wait3A_339 = tpu.memref_slice %arg3[%dma_wait3A_337, %dma_wait3A_338] : memref<131072x32xf32, #tpu.memory_space<hbm>> -> memref<131072x32xf32, #tpu.memory_space<hbm>>
        tpu.wait_indirect_dma semaphore(%arg24 : memref<!tpu.dma_semaphore, #tpu.memory_space<semaphore_mem>>) src(%dma_wait3A_339 : memref<131072x32xf32, #tpu.memory_space<hbm>>) dst(%dma_wait3A_334 : memref<128x32xf32, #tpu.memory_space<vmem>>)
        %dma_wait3A_340 = arith.constant 128 : i32
        %dma_wait3A_341 = arith.constant 0 : i32
        %dma_wait3A_342 = tpu.memref_slice %arg20[%dma_wait3A_340, %dma_wait3A_341] : memref<640x32xf32, #tpu.memory_space<vmem>> -> memref<128x32xf32, #tpu.memory_space<vmem>>
        %dma_wait3A_343 = arith.constant 128 : i32
        %dma_wait3A_344 = tpu.memref_slice %arg19[%dma_wait3A_343] : memref<640xi32, #tpu.memory_space<vmem>> -> memref<128xi32, #tpu.memory_space<vmem>>
        %dma_wait3A_345 = arith.constant 0 : i32
        %dma_wait3A_346 = arith.constant 0 : i32
        %dma_wait3A_347 = tpu.memref_slice %arg3[%dma_wait3A_345, %dma_wait3A_346] : memref<131072x32xf32, #tpu.memory_space<hbm>> -> memref<131072x32xf32, #tpu.memory_space<hbm>>
        tpu.wait_indirect_dma semaphore(%arg24 : memref<!tpu.dma_semaphore, #tpu.memory_space<semaphore_mem>>) src(%dma_wait3A_347 : memref<131072x32xf32, #tpu.memory_space<hbm>>) dst(%dma_wait3A_342 : memref<128x32xf32, #tpu.memory_space<vmem>>)
        %dma_wait3A_348 = arith.constant 256 : i32
        %dma_wait3A_349 = arith.constant 0 : i32
        %dma_wait3A_350 = tpu.memref_slice %arg20[%dma_wait3A_348, %dma_wait3A_349] : memref<640x32xf32, #tpu.memory_space<vmem>> -> memref<128x32xf32, #tpu.memory_space<vmem>>
        %dma_wait3A_351 = arith.constant 256 : i32
        %dma_wait3A_352 = tpu.memref_slice %arg19[%dma_wait3A_351] : memref<640xi32, #tpu.memory_space<vmem>> -> memref<128xi32, #tpu.memory_space<vmem>>
        %dma_wait3A_353 = arith.constant 0 : i32
        %dma_wait3A_354 = arith.constant 0 : i32
        %dma_wait3A_355 = tpu.memref_slice %arg3[%dma_wait3A_353, %dma_wait3A_354] : memref<131072x32xf32, #tpu.memory_space<hbm>> -> memref<131072x32xf32, #tpu.memory_space<hbm>>
        tpu.wait_indirect_dma semaphore(%arg24 : memref<!tpu.dma_semaphore, #tpu.memory_space<semaphore_mem>>) src(%dma_wait3A_355 : memref<131072x32xf32, #tpu.memory_space<hbm>>) dst(%dma_wait3A_350 : memref<128x32xf32, #tpu.memory_space<vmem>>)
        %dma_wait3A_356 = arith.constant 384 : i32
        %dma_wait3A_357 = arith.constant 0 : i32
        %dma_wait3A_358 = tpu.memref_slice %arg20[%dma_wait3A_356, %dma_wait3A_357] : memref<640x32xf32, #tpu.memory_space<vmem>> -> memref<128x32xf32, #tpu.memory_space<vmem>>
        %dma_wait3A_359 = arith.constant 384 : i32
        %dma_wait3A_360 = tpu.memref_slice %arg19[%dma_wait3A_359] : memref<640xi32, #tpu.memory_space<vmem>> -> memref<128xi32, #tpu.memory_space<vmem>>
        %dma_wait3A_361 = arith.constant 0 : i32
        %dma_wait3A_362 = arith.constant 0 : i32
        %dma_wait3A_363 = tpu.memref_slice %arg3[%dma_wait3A_361, %dma_wait3A_362] : memref<131072x32xf32, #tpu.memory_space<hbm>> -> memref<131072x32xf32, #tpu.memory_space<hbm>>
        tpu.wait_indirect_dma semaphore(%arg24 : memref<!tpu.dma_semaphore, #tpu.memory_space<semaphore_mem>>) src(%dma_wait3A_363 : memref<131072x32xf32, #tpu.memory_space<hbm>>) dst(%dma_wait3A_358 : memref<128x32xf32, #tpu.memory_space<vmem>>)
        %dma_wait3A_364 = arith.constant 512 : i32
        %dma_wait3A_365 = arith.constant 0 : i32
        %dma_wait3A_366 = tpu.memref_slice %arg20[%dma_wait3A_364, %dma_wait3A_365] : memref<640x32xf32, #tpu.memory_space<vmem>> -> memref<128x32xf32, #tpu.memory_space<vmem>>
        %dma_wait3A_367 = arith.constant 512 : i32
        %dma_wait3A_368 = tpu.memref_slice %arg19[%dma_wait3A_367] : memref<640xi32, #tpu.memory_space<vmem>> -> memref<128xi32, #tpu.memory_space<vmem>>
        %dma_wait3A_369 = arith.constant 0 : i32
        %dma_wait3A_370 = arith.constant 0 : i32
        %dma_wait3A_371 = tpu.memref_slice %arg3[%dma_wait3A_369, %dma_wait3A_370] : memref<131072x32xf32, #tpu.memory_space<hbm>> -> memref<131072x32xf32, #tpu.memory_space<hbm>>
        tpu.wait_indirect_dma semaphore(%arg24 : memref<!tpu.dma_semaphore, #tpu.memory_space<semaphore_mem>>) src(%dma_wait3A_371 : memref<131072x32xf32, #tpu.memory_space<hbm>>) dst(%dma_wait3A_366 : memref<128x32xf32, #tpu.memory_space<vmem>>)
        %while3A_372 = arith.constant 0 : i32
        %while3A_373 = arith.subi %min3A_283, %while3A_372 : i32
        %while3A_374 = arith.addi %while3A_372, %while3A_373 : i32
        %while3A_375 = arith.constant 1 : i32
        %while3A_376 = arith.divsi %while3A_373, %while3A_375 : i32
        %while3A_377 = arith.muli %while3A_376, %while3A_375 : i32
        %while3A_378 = arith.addi %while3A_372, %while3A_377 : i32
        %while3A_379 = arith.constant 1 : i32
        %while3A_380:4 = scf.for %while3A_383 = %while3A_372 to %while3A_378 step %while3A_379 iter_args(%while3A_384 = %while3A_274, %while3A_385 = %while3A_275, %while3A_386 = %while3A_276, %while3A_387 = %while3A_277) -> (vector<16xf32>, vector<16xf32>, vector<16xf32>, vector<16xf32>)  : i32 {
          %add3A_388 = arith.addi %sub3A_285, %while3A_383 : i32
          %get3A_389 = arith.index_cast %add3A_388 : i32 to index
          %get3A_390 = tpu.vector_load %arg18[%get3A_389] {strides = array<i32>} : memref<640xi32, #tpu.memory_space<vmem>>, vector<16xi32>,
          %slice3A_391 = vector.extract_strided_slice %get3A_390 {offsets = [0], sizes = [1], strides = [1]} : vector<16xi32> to vector<1xi32>
          %squeeze3A_392 = vector.extract %slice3A_391[0] : i32 from vector<1xi32>
          %and3A_393 = arith.constant 255 : i32
          %and3A_394 = arith.andi %squeeze3A_392, %and3A_393 : i32
          %get3A_395 = arith.index_cast %and3A_394 : i32 to index
          %get3A_396 = tpu.vector_load %arg17[%get3A_395] {strides = array<i32>} : memref<272xi32, #tpu.memory_space<vmem>>, vector<16xi32>,
          %slice3A_397 = vector.extract_strided_slice %get3A_396 {offsets = [0], sizes = [1], strides = [1]} : vector<16xi32> to vector<1xi32>
          %squeeze3A_398 = vector.extract %slice3A_397[0] : i32 from vector<1xi32>
          %broadcast_in_dim3A_399 = vector.broadcast %and3A_394 : i32 to vector<16xi32>
          %add3A_400 = arith.constant 1 : i32
          %add3A_401 = vector.broadcast %add3A_400 : i32 to vector<16xi32>
          %add3A_402 = arith.addi %get3A_396, %add3A_401 : vector<16xi32>
          %eq3A_403 = arith.constant 0 : i32
          %eq3A_404 = vector.broadcast %eq3A_403 : i32 to vector<16xi32>
          %eq3A_405 = arith.cmpi eq, %iota3A, %eq3A_404 : vector<16xi32>
          tpu.vector_store_idx %arg17[%broadcast_in_dim3A_399], %add3A_402 masked %eq3A_405 : memref<272xi32, #tpu.memory_space<vmem>>[vector<16xi32>], vector<16xi32>, vector<16xi1>
          %add3A_406 = arith.addi %sub3A_285, %while3A_383 : i32
          %broadcast_in_dim3A_407 = vector.broadcast %add3A_406 : i32 to vector<16xi32>
          %gather3A = tpu.vector_load_idx %arg20[%broadcast_in_dim3A_407, %iota3A] : memref<640x32xf32, #tpu.memory_space<vmem>>[vector<16xi32>, vector<16xi32>], vector<16xf32>,
          %add3A_408 = arith.constant 16 : i32
          %add3A_409 = vector.broadcast %add3A_408 : i32 to vector<16xi32>
          %add3A_410 = arith.addi %iota3A, %add3A_409 : vector<16xi32>
          %gather3A_411 = tpu.vector_load_idx %arg20[%broadcast_in_dim3A_407, %add3A_410] : memref<640x32xf32, #tpu.memory_space<vmem>>[vector<16xi32>, vector<16xi32>], vector<16xf32>,
          %lt3A = arith.constant 16 : i32
          %lt3A_412 = arith.cmpi slt, %squeeze3A_398, %lt3A : i32
          %jit3A = arith.constant 1.000000e+00 : f32
          %jit3A_413 = arith.constant 0.000000e+00 : f32
          %select_n3A_414 = arith.select %lt3A_412, %jit3A, %jit3A_413 : f32
          %mul3A_415 = vector.broadcast %select_n3A_414 : f32 to vector<16xf32>
          %mul3A_416 = arith.mulf %gather3A, %mul3A_415 : vector<16xf32>
          %add3A_417 = arith.addf %while3A_384, %mul3A_416 : vector<16xf32>
          %mul3A_418 = vector.broadcast %select_n3A_414 : f32 to vector<16xf32>
          %mul3A_419 = arith.mulf %gather3A_411, %mul3A_418 : vector<16xf32>
          %add3A_420 = arith.addf %while3A_385, %mul3A_419 : vector<16xf32>
          %mul3A_421 = arith.mulf %gather3A, %gather3A : vector<16xf32>
          %mul3A_422 = vector.broadcast %select_n3A_414 : f32 to vector<16xf32>
          %mul3A_423 = arith.mulf %mul3A_421, %mul3A_422 : vector<16xf32>
          %add3A_424 = arith.addf %while3A_386, %mul3A_423 : vector<16xf32>
          %mul3A_425 = arith.mulf %gather3A_411, %gather3A_411 : vector<16xf32>
          %mul3A_426 = vector.broadcast %select_n3A_414 : f32 to vector<16xf32>
          %mul3A_427 = arith.mulf %mul3A_425, %mul3A_426 : vector<16xf32>
          %add3A_428 = arith.addf %while3A_387, %mul3A_427 : vector<16xf32>
          %broadcast_in_dim3A_429 = vector.broadcast %squeeze3A_398 : i32 to vector<16xi32>
          %lt3A_430 = arith.constant 16 : i32
          %lt3A_431 = vector.broadcast %lt3A_430 : i32 to vector<16xi32>
          %lt3A_432 = arith.cmpi slt, %broadcast_in_dim3A_429, %lt3A_431 : vector<16xi32>
          %eq3A_433 = arith.constant 0 : i32
          %eq3A_434 = vector.broadcast %eq3A_433 : i32 to vector<16xi32>
          %eq3A_435 = arith.cmpi eq, %broadcast_in_dim3A_429, %eq3A_434 : vector<16xi32>
          %get3A_436 = arith.index_cast %and3A_394 : i32 to index
          %get3A_437 = arith.constant 0 : index
          %get3A_438 = tpu.vector_load %arg15[%get3A_436, %get3A_437] {strides = array<i32>} : memref<256x32xf32, #tpu.memory_space<vmem>>, vector<16xf32>,
          %get3A_439 = arith.index_cast %and3A_394 : i32 to index
          %get3A_440 = arith.constant 16 : index
          %get3A_441 = tpu.vector_load %arg15[%get3A_439, %get3A_440] {strides = array<i32>} : memref<256x32xf32, #tpu.memory_space<vmem>>, vector<16xf32>,
          %get3A_442 = arith.index_cast %and3A_394 : i32 to index
          %get3A_443 = arith.constant 0 : index
          %get3A_444 = tpu.vector_load %arg16[%get3A_442, %get3A_443] {strides = array<i32>} : memref<256x32xf32, #tpu.memory_space<vmem>>, vector<16xf32>,
          %get3A_445 = arith.index_cast %and3A_394 : i32 to index
          %get3A_446 = arith.constant 16 : index
          %get3A_447 = tpu.vector_load %arg16[%get3A_445, %get3A_446] {strides = array<i32>} : memref<256x32xf32, #tpu.memory_space<vmem>>, vector<16xf32>,
          %max3A = arith.maximumf %get3A_438, %gather3A : vector<16xf32>
          %select_n3A_448 = arith.select %eq3A_435, %gather3A, %max3A : vector<16xi1>, vector<16xf32>
          %select_n3A_449 = arith.select %lt3A_432, %select_n3A_448, %get3A_438 : vector<16xi1>, vector<16xf32>
          %swap3A_450 = arith.index_cast %and3A_394 : i32 to index
          %swap3A_451 = arith.constant 0 : index
          %swap3A_452 = tpu.vector_load %arg15[%swap3A_450, %swap3A_451] {strides = array<i32>} : memref<256x32xf32, #tpu.memory_space<vmem>>, vector<16xf32>,
          tpu.vector_store %arg15[%swap3A_450, %swap3A_451], %select_n3A_449 {strides = array<i32>} : memref<256x32xf32, #tpu.memory_space<vmem>>, vector<16xf32>,
          %max3A_453 = arith.maximumf %get3A_441, %gather3A_411 : vector<16xf32>
          %select_n3A_454 = arith.select %eq3A_435, %gather3A_411, %max3A_453 : vector<16xi1>, vector<16xf32>
          %select_n3A_455 = arith.select %lt3A_432, %select_n3A_454, %get3A_441 : vector<16xi1>, vector<16xf32>
          %swap3A_456 = arith.index_cast %and3A_394 : i32 to index
          %swap3A_457 = arith.constant 16 : index
          %swap3A_458 = tpu.vector_load %arg15[%swap3A_456, %swap3A_457] {strides = array<i32>} : memref<256x32xf32, #tpu.memory_space<vmem>>, vector<16xf32>,
          tpu.vector_store %arg15[%swap3A_456, %swap3A_457], %select_n3A_455 {strides = array<i32>} : memref<256x32xf32, #tpu.memory_space<vmem>>, vector<16xf32>,
          %min3A_459 = arith.minimumf %get3A_444, %gather3A : vector<16xf32>
          %select_n3A_460 = arith.select %eq3A_435, %gather3A, %min3A_459 : vector<16xi1>, vector<16xf32>
          %select_n3A_461 = arith.select %lt3A_432, %select_n3A_460, %get3A_444 : vector<16xi1>, vector<16xf32>
          %swap3A_462 = arith.index_cast %and3A_394 : i32 to index
          %swap3A_463 = arith.constant 0 : index
          %swap3A_464 = tpu.vector_load %arg16[%swap3A_462, %swap3A_463] {strides = array<i32>} : memref<256x32xf32, #tpu.memory_space<vmem>>, vector<16xf32>,
          tpu.vector_store %arg16[%swap3A_462, %swap3A_463], %select_n3A_461 {strides = array<i32>} : memref<256x32xf32, #tpu.memory_space<vmem>>, vector<16xf32>,
          %min3A_465 = arith.minimumf %get3A_447, %gather3A_411 : vector<16xf32>
          %select_n3A_466 = arith.select %eq3A_435, %gather3A_411, %min3A_465 : vector<16xi1>, vector<16xf32>
          %select_n3A_467 = arith.select %lt3A_432, %select_n3A_466, %get3A_447 : vector<16xi1>, vector<16xf32>
          %swap3A_468 = arith.index_cast %and3A_394 : i32 to index
          %swap3A_469 = arith.constant 16 : index
          %swap3A_470 = tpu.vector_load %arg16[%swap3A_468, %swap3A_469] {strides = array<i32>} : memref<256x32xf32, #tpu.memory_space<vmem>>, vector<16xf32>,
          tpu.vector_store %arg16[%swap3A_468, %swap3A_469], %select_n3A_467 {strides = array<i32>} : memref<256x32xf32, #tpu.memory_space<vmem>>, vector<16xf32>,
          scf.yield %add3A_417, %add3A_420, %add3A_424, %add3A_428 : vector<16xf32>, vector<16xf32>, vector<16xf32>, vector<16xf32>
        }
        %while3A_381 = arith.constant 1 : i32
        %while3A_382:4 = scf.for %while3A_383 = %while3A_378 to %while3A_374 step %while3A_381 iter_args(%while3A_384 = %while3A_380#0, %while3A_385 = %while3A_380#1, %while3A_386 = %while3A_380#2, %while3A_387 = %while3A_380#3) -> (vector<16xf32>, vector<16xf32>, vector<16xf32>, vector<16xf32>)  : i32 {
          %add3A_388 = arith.addi %sub3A_285, %while3A_383 : i32
          %get3A_389 = arith.index_cast %add3A_388 : i32 to index
          %get3A_390 = tpu.vector_load %arg18[%get3A_389] {strides = array<i32>} : memref<640xi32, #tpu.memory_space<vmem>>, vector<16xi32>,
          %slice3A_391 = vector.extract_strided_slice %get3A_390 {offsets = [0], sizes = [1], strides = [1]} : vector<16xi32> to vector<1xi32>
          %squeeze3A_392 = vector.extract %slice3A_391[0] : i32 from vector<1xi32>
          %and3A_393 = arith.constant 255 : i32
          %and3A_394 = arith.andi %squeeze3A_392, %and3A_393 : i32
          %get3A_395 = arith.index_cast %and3A_394 : i32 to index
          %get3A_396 = tpu.vector_load %arg17[%get3A_395] {strides = array<i32>} : memref<272xi32, #tpu.memory_space<vmem>>, vector<16xi32>,
          %slice3A_397 = vector.extract_strided_slice %get3A_396 {offsets = [0], sizes = [1], strides = [1]} : vector<16xi32> to vector<1xi32>
          %squeeze3A_398 = vector.extract %slice3A_397[0] : i32 from vector<1xi32>
          %broadcast_in_dim3A_399 = vector.broadcast %and3A_394 : i32 to vector<16xi32>
          %add3A_400 = arith.constant 1 : i32
          %add3A_401 = vector.broadcast %add3A_400 : i32 to vector<16xi32>
          %add3A_402 = arith.addi %get3A_396, %add3A_401 : vector<16xi32>
          %eq3A_403 = arith.constant 0 : i32
          %eq3A_404 = vector.broadcast %eq3A_403 : i32 to vector<16xi32>
          %eq3A_405 = arith.cmpi eq, %iota3A, %eq3A_404 : vector<16xi32>
          tpu.vector_store_idx %arg17[%broadcast_in_dim3A_399], %add3A_402 masked %eq3A_405 : memref<272xi32, #tpu.memory_space<vmem>>[vector<16xi32>], vector<16xi32>, vector<16xi1>
          %add3A_406 = arith.addi %sub3A_285, %while3A_383 : i32
          %broadcast_in_dim3A_407 = vector.broadcast %add3A_406 : i32 to vector<16xi32>
          %gather3A = tpu.vector_load_idx %arg20[%broadcast_in_dim3A_407, %iota3A] : memref<640x32xf32, #tpu.memory_space<vmem>>[vector<16xi32>, vector<16xi32>], vector<16xf32>,
          %add3A_408 = arith.constant 16 : i32
          %add3A_409 = vector.broadcast %add3A_408 : i32 to vector<16xi32>
          %add3A_410 = arith.addi %iota3A, %add3A_409 : vector<16xi32>
          %gather3A_411 = tpu.vector_load_idx %arg20[%broadcast_in_dim3A_407, %add3A_410] : memref<640x32xf32, #tpu.memory_space<vmem>>[vector<16xi32>, vector<16xi32>], vector<16xf32>,
          %lt3A = arith.constant 16 : i32
          %lt3A_412 = arith.cmpi slt, %squeeze3A_398, %lt3A : i32
          %jit3A = arith.constant 1.000000e+00 : f32
          %jit3A_413 = arith.constant 0.000000e+00 : f32
          %select_n3A_414 = arith.select %lt3A_412, %jit3A, %jit3A_413 : f32
          %mul3A_415 = vector.broadcast %select_n3A_414 : f32 to vector<16xf32>
          %mul3A_416 = arith.mulf %gather3A, %mul3A_415 : vector<16xf32>
          %add3A_417 = arith.addf %while3A_384, %mul3A_416 : vector<16xf32>
          %mul3A_418 = vector.broadcast %select_n3A_414 : f32 to vector<16xf32>
          %mul3A_419 = arith.mulf %gather3A_411, %mul3A_418 : vector<16xf32>
          %add3A_420 = arith.addf %while3A_385, %mul3A_419 : vector<16xf32>
          %mul3A_421 = arith.mulf %gather3A, %gather3A : vector<16xf32>
          %mul3A_422 = vector.broadcast %select_n3A_414 : f32 to vector<16xf32>
          %mul3A_423 = arith.mulf %mul3A_421, %mul3A_422 : vector<16xf32>
          %add3A_424 = arith.addf %while3A_386, %mul3A_423 : vector<16xf32>
          %mul3A_425 = arith.mulf %gather3A_411, %gather3A_411 : vector<16xf32>
          %mul3A_426 = vector.broadcast %select_n3A_414 : f32 to vector<16xf32>
          %mul3A_427 = arith.mulf %mul3A_425, %mul3A_426 : vector<16xf32>
          %add3A_428 = arith.addf %while3A_387, %mul3A_427 : vector<16xf32>
          %broadcast_in_dim3A_429 = vector.broadcast %squeeze3A_398 : i32 to vector<16xi32>
          %lt3A_430 = arith.constant 16 : i32
          %lt3A_431 = vector.broadcast %lt3A_430 : i32 to vector<16xi32>
          %lt3A_432 = arith.cmpi slt, %broadcast_in_dim3A_429, %lt3A_431 : vector<16xi32>
          %eq3A_433 = arith.constant 0 : i32
          %eq3A_434 = vector.broadcast %eq3A_433 : i32 to vector<16xi32>
          %eq3A_435 = arith.cmpi eq, %broadcast_in_dim3A_429, %eq3A_434 : vector<16xi32>
          %get3A_436 = arith.index_cast %and3A_394 : i32 to index
          %get3A_437 = arith.constant 0 : index
          %get3A_438 = tpu.vector_load %arg15[%get3A_436, %get3A_437] {strides = array<i32>} : memref<256x32xf32, #tpu.memory_space<vmem>>, vector<16xf32>,
          %get3A_439 = arith.index_cast %and3A_394 : i32 to index
          %get3A_440 = arith.constant 16 : index
          %get3A_441 = tpu.vector_load %arg15[%get3A_439, %get3A_440] {strides = array<i32>} : memref<256x32xf32, #tpu.memory_space<vmem>>, vector<16xf32>,
          %get3A_442 = arith.index_cast %and3A_394 : i32 to index
          %get3A_443 = arith.constant 0 : index
          %get3A_444 = tpu.vector_load %arg16[%get3A_442, %get3A_443] {strides = array<i32>} : memref<256x32xf32, #tpu.memory_space<vmem>>, vector<16xf32>,
          %get3A_445 = arith.index_cast %and3A_394 : i32 to index
          %get3A_446 = arith.constant 16 : index
          %get3A_447 = tpu.vector_load %arg16[%get3A_445, %get3A_446] {strides = array<i32>} : memref<256x32xf32, #tpu.memory_space<vmem>>, vector<16xf32>,
          %max3A = arith.maximumf %get3A_438, %gather3A : vector<16xf32>
          %select_n3A_448 = arith.select %eq3A_435, %gather3A, %max3A : vector<16xi1>, vector<16xf32>
          %select_n3A_449 = arith.select %lt3A_432, %select_n3A_448, %get3A_438 : vector<16xi1>, vector<16xf32>
          %swap3A_450 = arith.index_cast %and3A_394 : i32 to index
          %swap3A_451 = arith.constant 0 : index
          %swap3A_452 = tpu.vector_load %arg15[%swap3A_450, %swap3A_451] {strides = array<i32>} : memref<256x32xf32, #tpu.memory_space<vmem>>, vector<16xf32>,
          tpu.vector_store %arg15[%swap3A_450, %swap3A_451], %select_n3A_449 {strides = array<i32>} : memref<256x32xf32, #tpu.memory_space<vmem>>, vector<16xf32>,
          %max3A_453 = arith.maximumf %get3A_441, %gather3A_411 : vector<16xf32>
          %select_n3A_454 = arith.select %eq3A_435, %gather3A_411, %max3A_453 : vector<16xi1>, vector<16xf32>
          %select_n3A_455 = arith.select %lt3A_432, %select_n3A_454, %get3A_441 : vector<16xi1>, vector<16xf32>
          %swap3A_456 = arith.index_cast %and3A_394 : i32 to index
          %swap3A_457 = arith.constant 16 : index
          %swap3A_458 = tpu.vector_load %arg15[%swap3A_456, %swap3A_457] {strides = array<i32>} : memref<256x32xf32, #tpu.memory_space<vmem>>, vector<16xf32>,
          tpu.vector_store %arg15[%swap3A_456, %swap3A_457], %select_n3A_455 {strides = array<i32>} : memref<256x32xf32, #tpu.memory_space<vmem>>, vector<16xf32>,
          %min3A_459 = arith.minimumf %get3A_444, %gather3A : vector<16xf32>
          %select_n3A_460 = arith.select %eq3A_435, %gather3A, %min3A_459 : vector<16xi1>, vector<16xf32>
          %select_n3A_461 = arith.select %lt3A_432, %select_n3A_460, %get3A_444 : vector<16xi1>, vector<16xf32>
          %swap3A_462 = arith.index_cast %and3A_394 : i32 to index
          %swap3A_463 = arith.constant 0 : index
          %swap3A_464 = tpu.vector_load %arg16[%swap3A_462, %swap3A_463] {strides = array<i32>} : memref<256x32xf32, #tpu.memory_space<vmem>>, vector<16xf32>,
          tpu.vector_store %arg16[%swap3A_462, %swap3A_463], %select_n3A_461 {strides = array<i32>} : memref<256x32xf32, #tpu.memory_space<vmem>>, vector<16xf32>,
          %min3A_465 = arith.minimumf %get3A_447, %gather3A_411 : vector<16xf32>
          %select_n3A_466 = arith.select %eq3A_435, %gather3A_411, %min3A_465 : vector<16xi1>, vector<16xf32>
          %select_n3A_467 = arith.select %lt3A_432, %select_n3A_466, %get3A_447 : vector<16xi1>, vector<16xf32>
          %swap3A_468 = arith.index_cast %and3A_394 : i32 to index
          %swap3A_469 = arith.constant 16 : index
          %swap3A_470 = tpu.vector_load %arg16[%swap3A_468, %swap3A_469] {strides = array<i32>} : memref<256x32xf32, #tpu.memory_space<vmem>>, vector<16xf32>,
          tpu.vector_store %arg16[%swap3A_468, %swap3A_469], %select_n3A_467 {strides = array<i32>} : memref<256x32xf32, #tpu.memory_space<vmem>>, vector<16xf32>,
          scf.yield %add3A_417, %add3A_420, %add3A_424, %add3A_428 : vector<16xf32>, vector<16xf32>, vector<16xf32>, vector<16xf32>
        }
        scf.yield %while3A_382#0, %while3A_382#1, %while3A_382#2, %while3A_382#3 : vector<16xf32>, vector<16xf32>, vector<16xf32>, vector<16xf32>
      }
      %get3A_154 = arith.constant 0 : index
      %get3A_155 = tpu.vector_load %arg17[%get3A_154] {strides = array<i32>} : memref<272xi32, #tpu.memory_space<vmem>>, vector<16xi32>,
      %gt3A = arith.constant 0 : i32
      %gt3A_156 = vector.broadcast %gt3A : i32 to vector<16xi32>
      %gt3A_157 = arith.cmpi sgt, %get3A_155, %gt3A_156 : vector<16xi32>
      %select_n3A = arith.select %gt3A_157, %broadcast_in_dim3A_35, %broadcast_in_dim3A_33 : vector<16xi1>, vector<16xf32>
      %add3A_158 = arith.addf %scan3A_61, %select_n3A : vector<16xf32>
      %get3A_159 = arith.constant 16 : index
      %get3A_160 = tpu.vector_load %arg17[%get3A_159] {strides = array<i32>} : memref<272xi32, #tpu.memory_space<vmem>>, vector<16xi32>,
      %gt3A_161 = arith.constant 0 : i32
      %gt3A_162 = vector.broadcast %gt3A_161 : i32 to vector<16xi32>
      %gt3A_163 = arith.cmpi sgt, %get3A_160, %gt3A_162 : vector<16xi32>
      %select_n3A_164 = arith.select %gt3A_163, %broadcast_in_dim3A_35, %broadcast_in_dim3A_33 : vector<16xi1>, vector<16xf32>
      %add3A_165 = arith.addf %add3A_158, %select_n3A_164 : vector<16xf32>
      %get3A_166 = arith.constant 32 : index
      %get3A_167 = tpu.vector_load %arg17[%get3A_166] {strides = array<i32>} : memref<272xi32, #tpu.memory_space<vmem>>, vector<16xi32>,
      %gt3A_168 = arith.constant 0 : i32
      %gt3A_169 = vector.broadcast %gt3A_168 : i32 to vector<16xi32>
      %gt3A_170 = arith.cmpi sgt, %get3A_167, %gt3A_169 : vector<16xi32>
      %select_n3A_171 = arith.select %gt3A_170, %broadcast_in_dim3A_35, %broadcast_in_dim3A_33 : vector<16xi1>, vector<16xf32>
      %add3A_172 = arith.addf %add3A_165, %select_n3A_171 : vector<16xf32>
      %get3A_173 = arith.constant 48 : index
      %get3A_174 = tpu.vector_load %arg17[%get3A_173] {strides = array<i32>} : memref<272xi32, #tpu.memory_space<vmem>>, vector<16xi32>,
      %gt3A_175 = arith.constant 0 : i32
      %gt3A_176 = vector.broadcast %gt3A_175 : i32 to vector<16xi32>
      %gt3A_177 = arith.cmpi sgt, %get3A_174, %gt3A_176 : vector<16xi32>
      %select_n3A_178 = arith.select %gt3A_177, %broadcast_in_dim3A_35, %broadcast_in_dim3A_33 : vector<16xi1>, vector<16xf32>
      %add3A_179 = arith.addf %add3A_172, %select_n3A_178 : vector<16xf32>
      %get3A_180 = arith.constant 64 : index
      %get3A_181 = tpu.vector_load %arg17[%get3A_180] {strides = array<i32>} : memref<272xi32, #tpu.memory_space<vmem>>, vector<16xi32>,
      %gt3A_182 = arith.constant 0 : i32
      %gt3A_183 = vector.broadcast %gt3A_182 : i32 to vector<16xi32>
      %gt3A_184 = arith.cmpi sgt, %get3A_181, %gt3A_183 : vector<16xi32>
      %select_n3A_185 = arith.select %gt3A_184, %broadcast_in_dim3A_35, %broadcast_in_dim3A_33 : vector<16xi1>, vector<16xf32>
      %add3A_186 = arith.addf %add3A_179, %select_n3A_185 : vector<16xf32>
      %get3A_187 = arith.constant 80 : index
      %get3A_188 = tpu.vector_load %arg17[%get3A_187] {strides = array<i32>} : memref<272xi32, #tpu.memory_space<vmem>>, vector<16xi32>,
      %gt3A_189 = arith.constant 0 : i32
      %gt3A_190 = vector.broadcast %gt3A_189 : i32 to vector<16xi32>
      %gt3A_191 = arith.cmpi sgt, %get3A_188, %gt3A_190 : vector<16xi32>
      %select_n3A_192 = arith.select %gt3A_191, %broadcast_in_dim3A_35, %broadcast_in_dim3A_33 : vector<16xi1>, vector<16xf32>
      %add3A_193 = arith.addf %add3A_186, %select_n3A_192 : vector<16xf32>
      %get3A_194 = arith.constant 96 : index
      %get3A_195 = tpu.vector_load %arg17[%get3A_194] {strides = array<i32>} : memref<272xi32, #tpu.memory_space<vmem>>, vector<16xi32>,
      %gt3A_196 = arith.constant 0 : i32
      %gt3A_197 = vector.broadcast %gt3A_196 : i32 to vector<16xi32>
      %gt3A_198 = arith.cmpi sgt, %get3A_195, %gt3A_197 : vector<16xi32>
      %select_n3A_199 = arith.select %gt3A_198, %broadcast_in_dim3A_35, %broadcast_in_dim3A_33 : vector<16xi1>, vector<16xf32>
      %add3A_200 = arith.addf %add3A_193, %select_n3A_199 : vector<16xf32>
      %get3A_201 = arith.constant 112 : index
      %get3A_202 = tpu.vector_load %arg17[%get3A_201] {strides = array<i32>} : memref<272xi32, #tpu.memory_space<vmem>>, vector<16xi32>,
      %gt3A_203 = arith.constant 0 : i32
      %gt3A_204 = vector.broadcast %gt3A_203 : i32 to vector<16xi32>
      %gt3A_205 = arith.cmpi sgt, %get3A_202, %gt3A_204 : vector<16xi32>
      %select_n3A_206 = arith.select %gt3A_205, %broadcast_in_dim3A_35, %broadcast_in_dim3A_33 : vector<16xi1>, vector<16xf32>
      %add3A_207 = arith.addf %add3A_200, %select_n3A_206 : vector<16xf32>
      %get3A_208 = arith.constant 128 : index
      %get3A_209 = tpu.vector_load %arg17[%get3A_208] {strides = array<i32>} : memref<272xi32, #tpu.memory_space<vmem>>, vector<16xi32>,
      %gt3A_210 = arith.constant 0 : i32
      %gt3A_211 = vector.broadcast %gt3A_210 : i32 to vector<16xi32>
      %gt3A_212 = arith.cmpi sgt, %get3A_209, %gt3A_211 : vector<16xi32>
      %select_n3A_213 = arith.select %gt3A_212, %broadcast_in_dim3A_35, %broadcast_in_dim3A_33 : vector<16xi1>, vector<16xf32>
      %add3A_214 = arith.addf %add3A_207, %select_n3A_213 : vector<16xf32>
      %get3A_215 = arith.constant 144 : index
      %get3A_216 = tpu.vector_load %arg17[%get3A_215] {strides = array<i32>} : memref<272xi32, #tpu.memory_space<vmem>>, vector<16xi32>,
      %gt3A_217 = arith.constant 0 : i32
      %gt3A_218 = vector.broadcast %gt3A_217 : i32 to vector<16xi32>
      %gt3A_219 = arith.cmpi sgt, %get3A_216, %gt3A_218 : vector<16xi32>
      %select_n3A_220 = arith.select %gt3A_219, %broadcast_in_dim3A_35, %broadcast_in_dim3A_33 : vector<16xi1>, vector<16xf32>
      %add3A_221 = arith.addf %add3A_214, %select_n3A_220 : vector<16xf32>
      %get3A_222 = arith.constant 160 : index
      %get3A_223 = tpu.vector_load %arg17[%get3A_222] {strides = array<i32>} : memref<272xi32, #tpu.memory_space<vmem>>, vector<16xi32>,
      %gt3A_224 = arith.constant 0 : i32
      %gt3A_225 = vector.broadcast %gt3A_224 : i32 to vector<16xi32>
      %gt3A_226 = arith.cmpi sgt, %get3A_223, %gt3A_225 : vector<16xi32>
      %select_n3A_227 = arith.select %gt3A_226, %broadcast_in_dim3A_35, %broadcast_in_dim3A_33 : vector<16xi1>, vector<16xf32>
      %add3A_228 = arith.addf %add3A_221, %select_n3A_227 : vector<16xf32>
      %get3A_229 = arith.constant 176 : index
      %get3A_230 = tpu.vector_load %arg17[%get3A_229] {strides = array<i32>} : memref<272xi32, #tpu.memory_space<vmem>>, vector<16xi32>,
      %gt3A_231 = arith.constant 0 : i32
      %gt3A_232 = vector.broadcast %gt3A_231 : i32 to vector<16xi32>
      %gt3A_233 = arith.cmpi sgt, %get3A_230, %gt3A_232 : vector<16xi32>
      %select_n3A_234 = arith.select %gt3A_233, %broadcast_in_dim3A_35, %broadcast_in_dim3A_33 : vector<16xi1>, vector<16xf32>
      %add3A_235 = arith.addf %add3A_228, %select_n3A_234 : vector<16xf32>
      %get3A_236 = arith.constant 192 : index
      %get3A_237 = tpu.vector_load %arg17[%get3A_236] {strides = array<i32>} : memref<272xi32, #tpu.memory_space<vmem>>, vector<16xi32>,
      %gt3A_238 = arith.constant 0 : i32
      %gt3A_239 = vector.broadcast %gt3A_238 : i32 to vector<16xi32>
      %gt3A_240 = arith.cmpi sgt, %get3A_237, %gt3A_239 : vector<16xi32>
      %select_n3A_241 = arith.select %gt3A_240, %broadcast_in_dim3A_35, %broadcast_in_dim3A_33 : vector<16xi1>, vector<16xf32>
      %add3A_242 = arith.addf %add3A_235, %select_n3A_241 : vector<16xf32>
      %get3A_243 = arith.constant 208 : index
      %get3A_244 = tpu.vector_load %arg17[%get3A_243] {strides = array<i32>} : memref<272xi32, #tpu.memory_space<vmem>>, vector<16xi32>,
      %gt3A_245 = arith.constant 0 : i32
      %gt3A_246 = vector.broadcast %gt3A_245 : i32 to vector<16xi32>
      %gt3A_247 = arith.cmpi sgt, %get3A_244, %gt3A_246 : vector<16xi32>
      %select_n3A_248 = arith.select %gt3A_247, %broadcast_in_dim3A_35, %broadcast_in_dim3A_33 : vector<16xi1>, vector<16xf32>
      %add3A_249 = arith.addf %add3A_242, %select_n3A_248 : vector<16xf32>
      %get3A_250 = arith.constant 224 : index
      %get3A_251 = tpu.vector_load %arg17[%get3A_250] {strides = array<i32>} : memref<272xi32, #tpu.memory_space<vmem>>, vector<16xi32>,
      %gt3A_252 = arith.constant 0 : i32
      %gt3A_253 = vector.broadcast %gt3A_252 : i32 to vector<16xi32>
      %gt3A_254 = arith.cmpi sgt, %get3A_251, %gt3A_253 : vector<16xi32>
      %select_n3A_255 = arith.select %gt3A_254, %broadcast_in_dim3A_35, %broadcast_in_dim3A_33 : vector<16xi1>, vector<16xf32>
      %add3A_256 = arith.addf %add3A_249, %select_n3A_255 : vector<16xf32>
      %get3A_257 = arith.constant 240 : index
      %get3A_258 = tpu.vector_load %arg17[%get3A_257] {strides = array<i32>} : memref<272xi32, #tpu.memory_space<vmem>>, vector<16xi32>,
      %gt3A_259 = arith.constant 0 : i32
      %gt3A_260 = vector.broadcast %gt3A_259 : i32 to vector<16xi32>
      %gt3A_261 = arith.cmpi sgt, %get3A_258, %gt3A_260 : vector<16xi32>
      %select_n3A_262 = arith.select %gt3A_261, %broadcast_in_dim3A_35, %broadcast_in_dim3A_33 : vector<16xi1>, vector<16xf32>
      %add3A_263 = arith.addf %add3A_256, %select_n3A_262 : vector<16xf32>
      %mul3A_264 = arith.constant 256 : i32
      %mul3A_265 = arith.muli %add3A_67, %mul3A_264 : i32
      %multiple_of3A_266 = tpu.assume_multiple %mul3A_265, 8 : i32
      "tpu.region"() ({
        %run_scoped3A = tpu.sem_alloc : memref<!tpu.dma_semaphore, #tpu.memory_space<semaphore_mem>>
        %dma_start3A = arith.constant 0 : i32
        %dma_start3A_273 = tpu.memref_slice %arg17[%dma_start3A] : memref<272xi32, #tpu.memory_space<vmem>> -> memref<256xi32, #tpu.memory_space<vmem>>
        %dma_start3A_274 = tpu.memref_slice %arg6[%multiple_of3A_266] : memref<262144xi32, #tpu.memory_space<hbm>> -> memref<256xi32, #tpu.memory_space<hbm>>
        %dma_start3A_275 = tpu.memref_slice %arg6[%multiple_of3A_266] : memref<262144xi32, #tpu.memory_space<hbm>> -> memref<256xi32, #tpu.memory_space<hbm>>
        %dma_start3A_276 = arith.constant 0 : i32
        %dma_start3A_277 = tpu.memref_slice %arg17[%dma_start3A_276] : memref<272xi32, #tpu.memory_space<vmem>> -> memref<256xi32, #tpu.memory_space<vmem>>
        tpu.enqueue_dma source(%dma_start3A_277 : memref<256xi32, #tpu.memory_space<vmem>>) target(%dma_start3A_275 : memref<256xi32, #tpu.memory_space<hbm>>) target_semaphore(%run_scoped3A : memref<!tpu.dma_semaphore, #tpu.memory_space<semaphore_mem>>)
        %dma_wait3A = arith.constant 0 : i32
        %dma_wait3A_278 = tpu.memref_slice %arg17[%dma_wait3A] : memref<272xi32, #tpu.memory_space<vmem>> -> memref<256xi32, #tpu.memory_space<vmem>>
        %dma_wait3A_279 = tpu.memref_slice %arg6[%multiple_of3A_266] : memref<262144xi32, #tpu.memory_space<hbm>> -> memref<256xi32, #tpu.memory_space<hbm>>
        %dma_wait3A_280 = tpu.memref_slice %arg6[%multiple_of3A_266] : memref<262144xi32, #tpu.memory_space<hbm>> -> memref<256xi32, #tpu.memory_space<hbm>>
        %dma_wait3A_281 = arith.constant 0 : i32
        %dma_wait3A_282 = tpu.memref_slice %arg17[%dma_wait3A_281] : memref<272xi32, #tpu.memory_space<vmem>> -> memref<256xi32, #tpu.memory_space<vmem>>
        tpu.wait_dma2 semaphore(%run_scoped3A : memref<!tpu.dma_semaphore, #tpu.memory_space<semaphore_mem>>) src(%dma_wait3A_282 : memref<256xi32, #tpu.memory_space<vmem>>) dst(%dma_wait3A_280 : memref<256xi32, #tpu.memory_space<hbm>>)
        tpu.yield
      }) : () -> ()
      %mul3A_267 = arith.constant 256 : i32
      %mul3A_268 = arith.muli %add3A_67, %mul3A_267 : i32
      %multiple_of3A_269 = tpu.assume_multiple %mul3A_268, 8 : i32
      "tpu.region"() ({
        %run_scoped3A = tpu.sem_alloc : memref<!tpu.dma_semaphore, #tpu.memory_space<semaphore_mem>>
        %dma_start3A = arith.constant 0 : i32
        %dma_start3A_273 = tpu.memref_slice %arg4[%multiple_of3A_269, %dma_start3A] : memref<262144x32xf32, #tpu.memory_space<hbm>> -> memref<256x32xf32, #tpu.memory_space<hbm>>
        %dma_start3A_274 = arith.constant 0 : i32
        %dma_start3A_275 = tpu.memref_slice %arg4[%multiple_of3A_269, %dma_start3A_274] : memref<262144x32xf32, #tpu.memory_space<hbm>> -> memref<256x32xf32, #tpu.memory_space<hbm>>
        tpu.enqueue_dma source(%arg15 : memref<256x32xf32, #tpu.memory_space<vmem>>) target(%dma_start3A_275 : memref<256x32xf32, #tpu.memory_space<hbm>>) target_semaphore(%run_scoped3A : memref<!tpu.dma_semaphore, #tpu.memory_space<semaphore_mem>>)
        %dma_wait3A = arith.constant 0 : i32
        %dma_wait3A_276 = tpu.memref_slice %arg4[%multiple_of3A_269, %dma_wait3A] : memref<262144x32xf32, #tpu.memory_space<hbm>> -> memref<256x32xf32, #tpu.memory_space<hbm>>
        %dma_wait3A_277 = arith.constant 0 : i32
        %dma_wait3A_278 = tpu.memref_slice %arg4[%multiple_of3A_269, %dma_wait3A_277] : memref<262144x32xf32, #tpu.memory_space<hbm>> -> memref<256x32xf32, #tpu.memory_space<hbm>>
        tpu.wait_dma2 semaphore(%run_scoped3A : memref<!tpu.dma_semaphore, #tpu.memory_space<semaphore_mem>>) src(%arg15 : memref<256x32xf32, #tpu.memory_space<vmem>>) dst(%dma_wait3A_278 : memref<256x32xf32, #tpu.memory_space<hbm>>)
        tpu.yield
      }) : () -> ()
      %mul3A_270 = arith.constant 256 : i32
      %mul3A_271 = arith.muli %add3A_67, %mul3A_270 : i32
      %multiple_of3A_272 = tpu.assume_multiple %mul3A_271, 8 : i32
      "tpu.region"() ({
        %run_scoped3A = tpu.sem_alloc : memref<!tpu.dma_semaphore, #tpu.memory_space<semaphore_mem>>
        %dma_start3A = arith.constant 0 : i32
        %dma_start3A_273 = tpu.memref_slice %arg5[%multiple_of3A_272, %dma_start3A] : memref<262144x32xf32, #tpu.memory_space<hbm>> -> memref<256x32xf32, #tpu.memory_space<hbm>>
        %dma_start3A_274 = arith.constant 0 : i32
        %dma_start3A_275 = tpu.memref_slice %arg5[%multiple_of3A_272, %dma_start3A_274] : memref<262144x32xf32, #tpu.memory_space<hbm>> -> memref<256x32xf32, #tpu.memory_space<hbm>>
        tpu.enqueue_dma source(%arg16 : memref<256x32xf32, #tpu.memory_space<vmem>>) target(%dma_start3A_275 : memref<256x32xf32, #tpu.memory_space<hbm>>) target_semaphore(%run_scoped3A : memref<!tpu.dma_semaphore, #tpu.memory_space<semaphore_mem>>)
        %dma_wait3A = arith.constant 0 : i32
        %dma_wait3A_276 = tpu.memref_slice %arg5[%multiple_of3A_272, %dma_wait3A] : memref<262144x32xf32, #tpu.memory_space<hbm>> -> memref<256x32xf32, #tpu.memory_space<hbm>>
        %dma_wait3A_277 = arith.constant 0 : i32
        %dma_wait3A_278 = tpu.memref_slice %arg5[%multiple_of3A_272, %dma_wait3A_277] : memref<262144x32xf32, #tpu.memory_space<hbm>> -> memref<256x32xf32, #tpu.memory_space<hbm>>
        tpu.wait_dma2 semaphore(%run_scoped3A : memref<!tpu.dma_semaphore, #tpu.memory_space<semaphore_mem>>) src(%arg16 : memref<256x32xf32, #tpu.memory_space<vmem>>) dst(%dma_wait3A_278 : memref<256x32xf32, #tpu.memory_space<hbm>>)
        tpu.yield
      }) : () -> ()
      scf.yield %while3A_153#0, %while3A_153#1, %while3A_153#2, %while3A_153#3, %add3A_263 : vector<16xf32>, vector<16xf32>, vector<16xf32>, vector<16xf32>, vector<16xf32>
    }
    %scan3A_41 = arith.constant 32 : i32
    %swap3A = arith.constant 0 : index
    %swap3A_42 = tpu.vector_load %arg21[%swap3A] {strides = array<i32>} : memref<80xf32, #tpu.memory_space<vmem>>, vector<16xf32>,
    tpu.vector_store %arg21[%swap3A], %scan3A_40#0 {strides = array<i32>} : memref<80xf32, #tpu.memory_space<vmem>>, vector<16xf32>,
    %swap3A_43 = arith.constant 16 : index
    %swap3A_44 = tpu.vector_load %arg21[%swap3A_43] {strides = array<i32>} : memref<80xf32, #tpu.memory_space<vmem>>, vector<16xf32>,
    tpu.vector_store %arg21[%swap3A_43], %scan3A_40#1 {strides = array<i32>} : memref<80xf32, #tpu.memory_space<vmem>>, vector<16xf32>,
    %swap3A_45 = arith.constant 32 : index
    %swap3A_46 = tpu.vector_load %arg21[%swap3A_45] {strides = array<i32>} : memref<80xf32, #tpu.memory_space<vmem>>, vector<16xf32>,
    tpu.vector_store %arg21[%swap3A_45], %scan3A_40#2 {strides = array<i32>} : memref<80xf32, #tpu.memory_space<vmem>>, vector<16xf32>,
    %swap3A_47 = arith.constant 48 : index
    %swap3A_48 = tpu.vector_load %arg21[%swap3A_47] {strides = array<i32>} : memref<80xf32, #tpu.memory_space<vmem>>, vector<16xf32>,
    tpu.vector_store %arg21[%swap3A_47], %scan3A_40#3 {strides = array<i32>} : memref<80xf32, #tpu.memory_space<vmem>>, vector<16xf32>,
    %swap3A_49 = arith.constant 64 : index
    %swap3A_50 = tpu.vector_load %arg21[%swap3A_49] {strides = array<i32>} : memref<80xf32, #tpu.memory_space<vmem>>, vector<16xf32>,
    tpu.vector_store %arg21[%swap3A_49], %scan3A_40#4 {strides = array<i32>} : memref<80xf32, #tpu.memory_space<vmem>>, vector<16xf32>,
    %mul3A_51 = arith.constant 16 : i32
    %mul3A_52 = arith.muli %arg0, %mul3A_51 : i32
    %add3A = arith.addi %mul3A_52, %arg1 : i32
    %mul3A_53 = arith.constant 80 : i32
    %mul3A_54 = arith.muli %add3A, %mul3A_53 : i32
    %multiple_of3A_55 = tpu.assume_multiple %mul3A_54, 8 : i32
    "tpu.region"() ({
      %run_scoped3A = tpu.sem_alloc : memref<!tpu.dma_semaphore, #tpu.memory_space<semaphore_mem>>
      %dma_start3A = tpu.memref_slice %arg7[%multiple_of3A_55] : memref<2560xf32, #tpu.memory_space<hbm>> -> memref<80xf32, #tpu.memory_space<hbm>>
      %dma_start3A_56 = tpu.memref_slice %arg7[%multiple_of3A_55] : memref<2560xf32, #tpu.memory_space<hbm>> -> memref<80xf32, #tpu.memory_space<hbm>>
      tpu.enqueue_dma source(%arg21 : memref<80xf32, #tpu.memory_space<vmem>>) target(%dma_start3A_56 : memref<80xf32, #tpu.memory_space<hbm>>) target_semaphore(%run_scoped3A : memref<!tpu.dma_semaphore, #tpu.memory_space<semaphore_mem>>)
      %dma_wait3A = tpu.memref_slice %arg7[%multiple_of3A_55] : memref<2560xf32, #tpu.memory_space<hbm>> -> memref<80xf32, #tpu.memory_space<hbm>>
      %dma_wait3A_57 = tpu.memref_slice %arg7[%multiple_of3A_55] : memref<2560xf32, #tpu.memory_space<hbm>> -> memref<80xf32, #tpu.memory_space<hbm>>
      tpu.wait_dma2 semaphore(%run_scoped3A : memref<!tpu.dma_semaphore, #tpu.memory_space<semaphore_mem>>) src(%arg21 : memref<80xf32, #tpu.memory_space<vmem>>) dst(%dma_wait3A_57 : memref<80xf32, #tpu.memory_space<hbm>>)
      tpu.yield
    }) : () -> ()
    return
  }
}

module attributes {stable_mosaic.version = 14 : i64} {
  func.func @_k2_body(%arg0: i32, %arg1: memref<6x8192xf32, #tpu.memory_space<vmem>>, %arg2: memref<32x10xf32, #tpu.memory_space<vmem>>, %arg3: memref<1x1xf32, #tpu.memory_space<vmem>>, %arg4: memref<8192xi32, #tpu.memory_space<vmem>>, %arg5: memref<8192x32xf32, #tpu.memory_space<vmem>>) attributes {dimension_semantics = [#tpu.dimension_semantics<arbitrary>], iteration_bounds = array<i64: 16>, scalar_prefetch = 0 : i64, scratch_operands = 0 : i64, tpu.core_type = #tpu.core_type<tc>, window_params = [{transform_indices = @transform_0, window_bounds = array<i64: 6, 8192>}, {pipeline_mode = #tpu.pipeline_mode<synchronous>, transform_indices = @transform_1, window_bounds = array<i64: 32, 10>}, {pipeline_mode = #tpu.pipeline_mode<synchronous>, transform_indices = @transform_2, window_bounds = array<i64: 1, 1>}, {transform_indices = @transform_3, window_bounds = array<i64: 8192>}, {transform_indices = @transform_4, window_bounds = array<i64: 8192, 32>}]} {
    %get3A = arith.constant 3 : index
    %get3A_0 = arith.constant 0 : index
    %get3A_1 = vector.load %arg1[%get3A, %get3A_0] : memref<6x8192xf32, #tpu.memory_space<vmem>>, vector<1x8192xf32>
    %get3A_2 = arith.constant 4 : index
    %get3A_3 = arith.constant 0 : index
    %get3A_4 = vector.load %arg1[%get3A_2, %get3A_3] : memref<6x8192xf32, #tpu.memory_space<vmem>>, vector<1x8192xf32>
    %get3A_5 = arith.constant 5 : index
    %get3A_6 = arith.constant 0 : index
    %get3A_7 = vector.load %arg1[%get3A_5, %get3A_6] : memref<6x8192xf32, #tpu.memory_space<vmem>>, vector<1x8192xf32>
    %mul3A = arith.constant 2.560000e+02 : f32
    %mul3A_8 = vector.broadcast %mul3A : f32 to vector<1x8192xf32>
    %mul3A_9 = arith.mulf %get3A_1, %mul3A_8 : vector<1x8192xf32>
    %convert_element_type3A = arith.fptosi %mul3A_9 : vector<1x8192xf32> to vector<1x8192xi32>
    %mul3A_10 = arith.constant 2.560000e+02 : f32
    %mul3A_11 = vector.broadcast %mul3A_10 : f32 to vector<1x8192xf32>
    %mul3A_12 = arith.mulf %get3A_4, %mul3A_11 : vector<1x8192xf32>
    %convert_element_type3A_13 = arith.fptosi %mul3A_12 : vector<1x8192xf32> to vector<1x8192xi32>
    %ge3A = arith.constant 0 : i32
    %ge3A_14 = vector.broadcast %ge3A : i32 to vector<1x8192xi32>
    %ge3A_15 = arith.cmpi sge, %convert_element_type3A, %ge3A_14 : vector<1x8192xi32>
    %lt3A = arith.constant 256 : i32
    %lt3A_16 = vector.broadcast %lt3A : i32 to vector<1x8192xi32>
    %lt3A_17 = arith.cmpi slt, %convert_element_type3A, %lt3A_16 : vector<1x8192xi32>
    %and3A = arith.andi %ge3A_15, %lt3A_17 : vector<1x8192xi1>
    %ge3A_18 = arith.constant 0 : i32
    %ge3A_19 = vector.broadcast %ge3A_18 : i32 to vector<1x8192xi32>
    %ge3A_20 = arith.cmpi sge, %convert_element_type3A_13, %ge3A_19 : vector<1x8192xi32>
    %and3A_21 = arith.andi %and3A, %ge3A_20 : vector<1x8192xi1>
    %lt3A_22 = arith.constant 256 : i32
    %lt3A_23 = vector.broadcast %lt3A_22 : i32 to vector<1x8192xi32>
    %lt3A_24 = arith.cmpi slt, %convert_element_type3A_13, %lt3A_23 : vector<1x8192xi32>
    %and3A_25 = arith.andi %and3A_21, %lt3A_24 : vector<1x8192xi1>
    %ge3A_26 = arith.constant 0.000000e+00 : f32
    %ge3A_27 = vector.broadcast %ge3A_26 : f32 to vector<1x8192xf32>
    %ge3A_28 = arith.cmpf oge, %get3A_7, %ge3A_27 : vector<1x8192xf32>
    %and3A_29 = arith.andi %and3A_25, %ge3A_28 : vector<1x8192xi1>
    %lt3A_30 = arith.constant 1.000000e+00 : f32
    %lt3A_31 = vector.broadcast %lt3A_30 : f32 to vector<1x8192xf32>
    %lt3A_32 = arith.cmpf olt, %get3A_7, %lt3A_31 : vector<1x8192xf32>
    %and3A_33 = arith.andi %and3A_29, %lt3A_32 : vector<1x8192xi1>
    %mul3A_34 = arith.constant 8192 : i32
    %mul3A_35 = arith.muli %arg0, %mul3A_34 : i32
    %iota3A = tpu.iota {dimensions = array<i32: 1>} : vector<1x8192xi32>
    %add3A = vector.broadcast %mul3A_35 : i32 to vector<1x8192xi32>
    %add3A_36 = arith.addi %add3A, %iota3A : vector<1x8192xi32>
    %shift_right_logical3A = arith.constant 15 : i32
    %shift_right_logical3A_37 = vector.broadcast %shift_right_logical3A : i32 to vector<1x8192xi32>
    %shift_right_logical3A_38 = arith.shrui %add3A_36, %shift_right_logical3A_37 : vector<1x8192xi32>
    %mul3A_39 = arith.constant 65536 : i32
    %mul3A_40 = vector.broadcast %mul3A_39 : i32 to vector<1x8192xi32>
    %mul3A_41 = arith.muli %shift_right_logical3A_38, %mul3A_40 : vector<1x8192xi32>
    %mul3A_42 = arith.constant 256 : i32
    %mul3A_43 = vector.broadcast %mul3A_42 : i32 to vector<1x8192xi32>
    %mul3A_44 = arith.muli %convert_element_type3A_13, %mul3A_43 : vector<1x8192xi32>
    %add3A_45 = arith.addi %mul3A_41, %mul3A_44 : vector<1x8192xi32>
    %add3A_46 = arith.addi %add3A_45, %convert_element_type3A : vector<1x8192xi32>
    %jit3A = arith.constant 262144 : i32
    %broadcast_in_dim3A = vector.broadcast %jit3A : i32 to vector<1x8192xi32>
    %select_n3A = arith.select %and3A_33, %add3A_46, %broadcast_in_dim3A : vector<1x8192xi1>, vector<1x8192xi32>
    %reshape3A = vector.shape_cast %select_n3A : vector<1x8192xi32> to vector<8192xi32>
    %swap3A = arith.constant 0 : index
    %swap3A_47 = vector.load %arg4[%swap3A] : memref<8192xi32, #tpu.memory_space<vmem>>, vector<8192xi32>
    tpu.vector_store %arg4[%swap3A], %reshape3A {strides = array<i32>} : memref<8192xi32, #tpu.memory_space<vmem>>, vector<8192xi32>,
    %get3A_48 = arith.constant 0 : index
    %get3A_49 = arith.constant 0 : index
    %get3A_50 = vector.load %arg3[%get3A_48, %get3A_49] : memref<1x1xf32, #tpu.memory_space<vmem>>, vector<1x1xf32>
    %get3A_51 = vector.extract %get3A_50[0, 0] : f32 from vector<1x1xf32>
    %gt3A = arith.constant 1.100000e+00 : f32
    %gt3A_52 = arith.cmpf ogt, %get3A_51, %gt3A : f32
    %jit3A_53 = arith.constant 0.00392156886 : f32
    %jit3A_54 = arith.constant 1.000000e+00 : f32
    %select_n3A_55 = arith.select %gt3A_52, %jit3A_53, %jit3A_54 : f32
    %convert_element_type3A_56 = arith.sitofp %convert_element_type3A : vector<1x8192xi32> to vector<1x8192xf32>
    %add3A_57 = arith.constant 5.000000e-01 : f32
    %add3A_58 = vector.broadcast %add3A_57 : f32 to vector<1x8192xf32>
    %add3A_59 = arith.addf %convert_element_type3A_56, %add3A_58 : vector<1x8192xf32>
    %mul3A_60 = arith.constant 3.906250e-03 : f32
    %mul3A_61 = vector.broadcast %mul3A_60 : f32 to vector<1x8192xf32>
    %mul3A_62 = arith.mulf %add3A_59, %mul3A_61 : vector<1x8192xf32>
    %convert_element_type3A_63 = arith.sitofp %convert_element_type3A_13 : vector<1x8192xi32> to vector<1x8192xf32>
    %add3A_64 = arith.constant 5.000000e-01 : f32
    %add3A_65 = vector.broadcast %add3A_64 : f32 to vector<1x8192xf32>
    %add3A_66 = arith.addf %convert_element_type3A_63, %add3A_65 : vector<1x8192xf32>
    %mul3A_67 = arith.constant 3.906250e-03 : f32
    %mul3A_68 = vector.broadcast %mul3A_67 : f32 to vector<1x8192xf32>
    %mul3A_69 = arith.mulf %add3A_66, %mul3A_68 : vector<1x8192xf32>
    %get3A_70 = arith.constant 0 : index
    %get3A_71 = arith.constant 0 : index
    %get3A_72 = vector.load %arg1[%get3A_70, %get3A_71] : memref<6x8192xf32, #tpu.memory_space<vmem>>, vector<1x8192xf32>
    %mul3A_73 = vector.broadcast %select_n3A_55 : f32 to vector<1x8192xf32>
    %mul3A_74 = arith.mulf %get3A_72, %mul3A_73 : vector<1x8192xf32>
    %get3A_75 = arith.constant 1 : index
    %get3A_76 = arith.constant 0 : index
    %get3A_77 = vector.load %arg1[%get3A_75, %get3A_76] : memref<6x8192xf32, #tpu.memory_space<vmem>>, vector<1x8192xf32>
    %mul3A_78 = vector.broadcast %select_n3A_55 : f32 to vector<1x8192xf32>
    %mul3A_79 = arith.mulf %get3A_77, %mul3A_78 : vector<1x8192xf32>
    %get3A_80 = arith.constant 2 : index
    %get3A_81 = arith.constant 0 : index
    %get3A_82 = vector.load %arg1[%get3A_80, %get3A_81] : memref<6x8192xf32, #tpu.memory_space<vmem>>, vector<1x8192xf32>
    %mul3A_83 = vector.broadcast %select_n3A_55 : f32 to vector<1x8192xf32>
    %mul3A_84 = arith.mulf %get3A_82, %mul3A_83 : vector<1x8192xf32>
    %broadcast_in_dim3A_85 = arith.constant 1.000000e+00 : f32
    %broadcast_in_dim3A_86 = vector.broadcast %broadcast_in_dim3A_85 : f32 to vector<1x8192xf32>
    %sub3A = arith.subf %get3A_1, %mul3A_62 : vector<1x8192xf32>
    %sub3A_87 = arith.subf %get3A_4, %mul3A_69 : vector<1x8192xf32>
    %sub3A_88 = arith.constant 5.000000e-01 : f32
    %sub3A_89 = vector.broadcast %sub3A_88 : f32 to vector<1x8192xf32>
    %sub3A_90 = arith.subf %get3A_7, %sub3A_89 : vector<1x8192xf32>
    %concatenate3A = tpu.concatenate %get3A_1, %get3A_4, %get3A_7, %mul3A_74, %mul3A_79, %mul3A_84, %sub3A, %sub3A_87, %sub3A_90, %broadcast_in_dim3A_86 in 0 : vector<1x8192xf32>, vector<1x8192xf32>, vector<1x8192xf32>, vector<1x8192xf32>, vector<1x8192xf32>, vector<1x8192xf32>, vector<1x8192xf32>, vector<1x8192xf32>, vector<1x8192xf32>, vector<1x8192xf32> -> vector<10x8192xf32>
    %transpose3A = tpu.transpose %concatenate3A, [1, 0] : vector<10x8192xf32> -> vector<8192x10xf32>
    %get3A_91 = arith.constant 0 : index
    %get3A_92 = arith.constant 0 : index
    %get3A_93 = vector.load %arg2[%get3A_91, %get3A_92] : memref<32x10xf32, #tpu.memory_space<vmem>>, vector<32x10xf32>
    %dot_general3A = arith.constant dense<0.000000e+00> : vector<8192x32xf32>
    %dot_general3A_94 = tpu.matmul %transpose3A, %get3A_93, %dot_general3A {dimension_numbers = #tpu.dot_dimension_numbers<[1], [1], [0], [0], [0, 0, 1, 0], [], []>, transpose_lhs_hint = false} : vector<8192x10xf32>, vector<32x10xf32>, vector<8192x32xf32> -> vector<8192x32xf32>
    %swap3A_95 = arith.constant 0 : index
    %swap3A_96 = arith.constant 0 : index
    %swap3A_97 = vector.load %arg5[%swap3A_95, %swap3A_96] : memref<8192x32xf32, #tpu.memory_space<vmem>>, vector<8192x32xf32>
    tpu.vector_store %arg5[%swap3A_95, %swap3A_96], %dot_general3A_94 {strides = array<i32>} : memref<8192x32xf32, #tpu.memory_space<vmem>>, vector<8192x32xf32>,
    return
  }
  func.func @transform_0(%arg0: i32) -> (i32, i32) {
    %c0_i32 = arith.constant 0 : i32
    %c0_i32_0 = arith.constant 0 : i32
    return %c0_i32, %arg0 : i32, i32
  }
  func.func @transform_1(%arg0: i32) -> (i32, i32) {
    %c0_i32 = arith.constant 0 : i32
    %c0_i32_0 = arith.constant 0 : i32
    %c0_i32_1 = arith.constant 0 : i32
    return %c0_i32, %c0_i32_0 : i32, i32
  }
  func.func @transform_2(%arg0: i32) -> (i32, i32) {
    %c0_i32 = arith.constant 0 : i32
    %c0_i32_0 = arith.constant 0 : i32
    %c0_i32_1 = arith.constant 0 : i32
    return %c0_i32, %c0_i32_0 : i32, i32
  }
  func.func @transform_3(%arg0: i32) -> i32 {
    %c0_i32 = arith.constant 0 : i32
    return %arg0 : i32
  }
  func.func @transform_4(%arg0: i32) -> (i32, i32) {
    %c0_i32 = arith.constant 0 : i32
    %c0_i32_0 = arith.constant 0 : i32
    return %arg0, %c0_i32 : i32, i32
  }
}

module attributes {stable_mosaic.version = 14 : i64} {
  func.func @_k1_body(%arg0: memref<6x131072xf32, #tpu.memory_space<vmem>>, %arg1: memref<1x1xf32, #tpu.memory_space<vmem>>) attributes {dimension_semantics = [], scalar_prefetch = 0 : i64, scratch_operands = 0 : i64, tpu.core_type = #tpu.core_type<tc>} {
    %get3A = arith.constant 3 : index
    %get3A_0 = arith.constant 0 : index
    %get3A_1 = vector.load %arg0[%get3A, %get3A_0] : memref<6x131072xf32, #tpu.memory_space<vmem>>, vector<1x131072xf32>
    %get3A_2 = arith.constant 4 : index
    %get3A_3 = arith.constant 0 : index
    %get3A_4 = vector.load %arg0[%get3A_2, %get3A_3] : memref<6x131072xf32, #tpu.memory_space<vmem>>, vector<1x131072xf32>
    %get3A_5 = arith.constant 5 : index
    %get3A_6 = arith.constant 0 : index
    %get3A_7 = vector.load %arg0[%get3A_5, %get3A_6] : memref<6x131072xf32, #tpu.memory_space<vmem>>, vector<1x131072xf32>
    %mul3A = arith.constant 2.560000e+02 : f32
    %mul3A_8 = vector.broadcast %mul3A : f32 to vector<1x131072xf32>
    %mul3A_9 = arith.mulf %get3A_1, %mul3A_8 : vector<1x131072xf32>
    %convert_element_type3A = arith.fptosi %mul3A_9 : vector<1x131072xf32> to vector<1x131072xi32>
    %mul3A_10 = arith.constant 2.560000e+02 : f32
    %mul3A_11 = vector.broadcast %mul3A_10 : f32 to vector<1x131072xf32>
    %mul3A_12 = arith.mulf %get3A_4, %mul3A_11 : vector<1x131072xf32>
    %convert_element_type3A_13 = arith.fptosi %mul3A_12 : vector<1x131072xf32> to vector<1x131072xi32>
    %ge3A = arith.constant 0 : i32
    %ge3A_14 = vector.broadcast %ge3A : i32 to vector<1x131072xi32>
    %ge3A_15 = arith.cmpi sge, %convert_element_type3A, %ge3A_14 : vector<1x131072xi32>
    %lt3A = arith.constant 256 : i32
    %lt3A_16 = vector.broadcast %lt3A : i32 to vector<1x131072xi32>
    %lt3A_17 = arith.cmpi slt, %convert_element_type3A, %lt3A_16 : vector<1x131072xi32>
    %and3A = arith.andi %ge3A_15, %lt3A_17 : vector<1x131072xi1>
    %ge3A_18 = arith.constant 0 : i32
    %ge3A_19 = vector.broadcast %ge3A_18 : i32 to vector<1x131072xi32>
    %ge3A_20 = arith.cmpi sge, %convert_element_type3A_13, %ge3A_19 : vector<1x131072xi32>
    %and3A_21 = arith.andi %and3A, %ge3A_20 : vector<1x131072xi1>
    %lt3A_22 = arith.constant 256 : i32
    %lt3A_23 = vector.broadcast %lt3A_22 : i32 to vector<1x131072xi32>
    %lt3A_24 = arith.cmpi slt, %convert_element_type3A_13, %lt3A_23 : vector<1x131072xi32>
    %and3A_25 = arith.andi %and3A_21, %lt3A_24 : vector<1x131072xi1>
    %ge3A_26 = arith.constant 0.000000e+00 : f32
    %ge3A_27 = vector.broadcast %ge3A_26 : f32 to vector<1x131072xf32>
    %ge3A_28 = arith.cmpf oge, %get3A_7, %ge3A_27 : vector<1x131072xf32>
    %and3A_29 = arith.andi %and3A_25, %ge3A_28 : vector<1x131072xi1>
    %lt3A_30 = arith.constant 1.000000e+00 : f32
    %lt3A_31 = vector.broadcast %lt3A_30 : f32 to vector<1x131072xf32>
    %lt3A_32 = arith.cmpf olt, %get3A_7, %lt3A_31 : vector<1x131072xf32>
    %and3A_33 = arith.andi %and3A_29, %lt3A_32 : vector<1x131072xi1>
    %get3A_34 = arith.constant 0 : index
    %get3A_35 = arith.constant 0 : index
    %get3A_36 = vector.load %arg0[%get3A_34, %get3A_35] : memref<6x131072xf32, #tpu.memory_space<vmem>>, vector<3x131072xf32>
    %jit3A = arith.constant 0xFF800000 : f32
    %broadcast_in_dim3A = vector.shape_cast %and3A_33 : vector<1x131072xi1> to vector<1x131072xi1>
    %broadcast_in_dim3A_37 = vector.broadcast %broadcast_in_dim3A : vector<1x131072xi1> to vector<3x131072xi1>
    %broadcast_in_dim3A_38 = vector.broadcast %jit3A : f32 to vector<3x131072xf32>
    %select_n3A = arith.select %broadcast_in_dim3A_37, %get3A_36, %broadcast_in_dim3A_38 : vector<3x131072xi1>, vector<3x131072xf32>
    %reduce_max3A = vector.shape_cast %select_n3A : vector<3x131072xf32> to vector<1x3x131072xf32>
    %reduce_max3A_39 = arith.constant dense<0xFF800000> : vector<1xf32>
    %reduce_max3A_40 = vector.multi_reduction <maximumf>, %reduce_max3A, %reduce_max3A_39 [1, 2] : vector<1x3x131072xf32> to vector<1xf32>
    %reduce_max3A_41 = vector.shape_cast %reduce_max3A_40 : vector<1xf32> to vector<1x1x1xf32>
    %reduce_max3A_42 = vector.extract %reduce_max3A_41[0, 0, 0] : f32 from vector<1x1x1xf32>
    %reshape3A = vector.broadcast %reduce_max3A_42 : f32 to vector<1x1xf32>
    %swap3A = arith.constant 0 : index
    %swap3A_43 = arith.constant 0 : index
    %swap3A_44 = vector.load %arg1[%swap3A, %swap3A_43] : memref<1x1xf32, #tpu.memory_space<vmem>>, vector<1x1xf32>
    tpu.vector_store %arg1[%swap3A, %swap3A_43], %reshape3A {strides = array<i32>} : memref<1x1xf32, #tpu.memory_space<vmem>>, vector<1x1xf32>,
    return
  }
}

module attributes {stable_mosaic.version = 14 : i64} {
  func.func @_k5b_body(%arg0: memref<32x80xf32, #tpu.memory_space<vmem>>, %arg1: memref<1x32xf32, #tpu.memory_space<vmem>>, %arg2: memref<1x32xf32, #tpu.memory_space<vmem>>, %arg3: memref<32x8xf32, #tpu.memory_space<vmem>>) attributes {dimension_semantics = [], scalar_prefetch = 0 : i64, scratch_operands = 0 : i64, tpu.core_type = #tpu.core_type<tc>} {
    %get3A = arith.constant 0 : index
    %get3A_0 = arith.constant 0 : index
    %get3A_1 = vector.load %arg0[%get3A, %get3A_0] : memref<32x80xf32, #tpu.memory_space<vmem>>, vector<32x80xf32>
    %slice3A = vector.extract_strided_slice %get3A_1 {offsets = [0, 0], sizes = [32, 32], strides = [1, 1]} : vector<32x80xf32> to vector<32x32xf32>
    %reduce_sum3A = arith.constant dense<0.000000e+00> : vector<32xf32>
    %reduce_sum3A_2 = vector.multi_reduction <add>, %slice3A, %reduce_sum3A [0] : vector<32x32xf32> to vector<32xf32>
    %broadcast_in_dim3A = vector.shape_cast %reduce_sum3A_2 : vector<32xf32> to vector<1x32xf32>
    %slice3A_3 = vector.extract_strided_slice %get3A_1 {offsets = [0, 32], sizes = [32, 32], strides = [1, 1]} : vector<32x80xf32> to vector<32x32xf32>
    %reduce_sum3A_4 = arith.constant dense<0.000000e+00> : vector<32xf32>
    %reduce_sum3A_5 = vector.multi_reduction <add>, %slice3A_3, %reduce_sum3A_4 [0] : vector<32x32xf32> to vector<32xf32>
    %broadcast_in_dim3A_6 = vector.shape_cast %reduce_sum3A_5 : vector<32xf32> to vector<1x32xf32>
    %slice3A_7 = vector.extract_strided_slice %get3A_1 {offsets = [0, 64], sizes = [32, 16], strides = [1, 1]} : vector<32x80xf32> to vector<32x16xf32>
    %reduce_sum3A_8 = vector.shape_cast %slice3A_7 : vector<32x16xf32> to vector<1x32x16xf32>
    %reduce_sum3A_9 = arith.constant dense<0.000000e+00> : vector<1xf32>
    %reduce_sum3A_10 = vector.multi_reduction <add>, %reduce_sum3A_8, %reduce_sum3A_9 [1, 2] : vector<1x32x16xf32> to vector<1xf32>
    %reduce_sum3A_11 = vector.shape_cast %reduce_sum3A_10 : vector<1xf32> to vector<1x1x1xf32>
    %reduce_sum3A_12 = vector.extract %reduce_sum3A_11[0, 0, 0] : f32 from vector<1x1x1xf32>
    %mul3A = arith.constant 1.600000e+01 : f32
    %mul3A_13 = arith.mulf %reduce_sum3A_12, %mul3A : f32
    %div3A = vector.broadcast %mul3A_13 : f32 to vector<1x32xf32>
    %div3A_14 = arith.divf %broadcast_in_dim3A, %div3A : vector<1x32xf32>
    %div3A_15 = vector.broadcast %mul3A_13 : f32 to vector<1x32xf32>
    %div3A_16 = arith.divf %broadcast_in_dim3A_6, %div3A_15 : vector<1x32xf32>
    %mul3A_17 = arith.mulf %div3A_14, %div3A_14 : vector<1x32xf32>
    %sub3A = arith.subf %div3A_16, %mul3A_17 : vector<1x32xf32>
    %get3A_18 = arith.constant 0 : index
    %get3A_19 = arith.constant 0 : index
    %get3A_20 = vector.load %arg1[%get3A_18, %get3A_19] : memref<1x32xf32, #tpu.memory_space<vmem>>, vector<1x32xf32>
    %add3A = arith.constant 9.99999974E-6 : f32
    %add3A_21 = vector.broadcast %add3A : f32 to vector<1x32xf32>
    %add3A_22 = arith.addf %sub3A, %add3A_21 : vector<1x32xf32>
    %sqrt3A = math.sqrt %add3A_22 : vector<1x32xf32>
    %div3A_23 = arith.divf %get3A_20, %sqrt3A : vector<1x32xf32>
    %get3A_24 = arith.constant 0 : index
    %get3A_25 = arith.constant 0 : index
    %get3A_26 = vector.load %arg2[%get3A_24, %get3A_25] : memref<1x32xf32, #tpu.memory_space<vmem>>, vector<1x32xf32>
    %mul3A_27 = arith.mulf %div3A_14, %div3A_23 : vector<1x32xf32>
    %sub3A_28 = arith.subf %get3A_26, %mul3A_27 : vector<1x32xf32>
    %broadcast_in_dim3A_29 = arith.constant 0.000000e+00 : f32
    %broadcast_in_dim3A_30 = vector.broadcast %broadcast_in_dim3A_29 : f32 to vector<6x32xf32>
    %concatenate3A = tpu.concatenate %div3A_23, %sub3A_28, %broadcast_in_dim3A_30 in 0 : vector<1x32xf32>, vector<1x32xf32>, vector<6x32xf32> -> vector<8x32xf32>
    %transpose3A = tpu.transpose %concatenate3A, [1, 0] : vector<8x32xf32> -> vector<32x8xf32>
    %swap3A = arith.constant 0 : index
    %swap3A_31 = arith.constant 0 : index
    %swap3A_32 = vector.load %arg3[%swap3A, %swap3A_31] : memref<32x8xf32, #tpu.memory_space<vmem>>, vector<32x8xf32>
    tpu.vector_store %arg3[%swap3A, %swap3A_31], %transpose3A {strides = array<i32>} : memref<32x8xf32, #tpu.memory_space<vmem>>, vector<32x8xf32>,
    return
  }
}

module attributes {stable_mosaic.version = 14 : i64} {
  func.func @_k6_body(%arg0: i32, %arg1: i32, %arg2: memref<2048x32xf32, #tpu.memory_space<vmem>>, %arg3: memref<2048x32xf32, #tpu.memory_space<vmem>>, %arg4: memref<1x1x2048xi32, #tpu.memory_space<vmem>>, %arg5: memref<32x8xf32, #tpu.memory_space<vmem>>, %arg6: memref<1x32x8x256xf32, #tpu.memory_space<vmem>>) attributes {dimension_semantics = [#tpu.dimension_semantics<arbitrary>, #tpu.dimension_semantics<arbitrary>], iteration_bounds = array<i64: 4, 32>, scalar_prefetch = 0 : i64, scratch_operands = 0 : i64, tpu.core_type = #tpu.core_type<tc>, window_params = [{transform_indices = @transform_0, window_bounds = array<i64: 2048, 32>}, {transform_indices = @transform_1, window_bounds = array<i64: 2048, 32>}, {transform_indices = @transform_2, window_bounds = array<i64: 1, 1, 2048>}, {pipeline_mode = #tpu.pipeline_mode<synchronous>, transform_indices = @transform_3, window_bounds = array<i64: 32, 8>}, {transform_indices = @transform_4, window_bounds = array<i64: 1, 32, 8, 256>}]} {
    %get3A = arith.constant 0 : index
    %get3A_0 = arith.constant 0 : index
    %get3A_1 = vector.load %arg2[%get3A, %get3A_0] : memref<2048x32xf32, #tpu.memory_space<vmem>>, vector<2048x32xf32>
    %transpose3A = tpu.transpose %get3A_1, [1, 0] : vector<2048x32xf32> -> vector<32x2048xf32>
    %get3A_2 = arith.constant 0 : index
    %get3A_3 = arith.constant 0 : index
    %get3A_4 = vector.load %arg3[%get3A_2, %get3A_3] : memref<2048x32xf32, #tpu.memory_space<vmem>>, vector<2048x32xf32>
    %transpose3A_5 = tpu.transpose %get3A_4, [1, 0] : vector<2048x32xf32> -> vector<32x2048xf32>
    %get3A_6 = arith.constant 0 : index
    %get3A_7 = arith.constant 0 : index
    %get3A_8 = arith.constant 0 : index
    %get3A_9 = vector.load %arg4[%get3A_6, %get3A_7, %get3A_8] : memref<1x1x2048xi32, #tpu.memory_space<vmem>>, vector<1x1x2048xi32>
    %get3A_10 = vector.shape_cast %get3A_9 : vector<1x1x2048xi32> to vector<1x2048xi32>
    %lt3A = arith.constant 16 : i32
    %lt3A_11 = vector.broadcast %lt3A : i32 to vector<1x2048xi32>
    %lt3A_12 = arith.cmpi slt, %get3A_10, %lt3A_11 : vector<1x2048xi32>
    %gt3A = arith.constant 0 : i32
    %gt3A_13 = vector.broadcast %gt3A : i32 to vector<1x2048xi32>
    %gt3A_14 = arith.cmpi sgt, %get3A_10, %gt3A_13 : vector<1x2048xi32>
    %get3A_15 = arith.constant 0 : index
    %get3A_16 = arith.constant 0 : index
    %get3A_17 = vector.load %arg5[%get3A_15, %get3A_16] : memref<32x8xf32, #tpu.memory_space<vmem>>, vector<32x1xf32>
    %get3A_18 = arith.constant 0 : index
    %get3A_19 = arith.constant 1 : index
    %get3A_20 = vector.load %arg5[%get3A_18, %get3A_19] : memref<32x8xf32, #tpu.memory_space<vmem>>, vector<32x1xf32>
    %max3A = arith.constant 0.000000e+00 : f32
    %max3A_21 = vector.broadcast %max3A : f32 to vector<32x2048xf32>
    %max3A_22 = arith.maximumf %transpose3A, %max3A_21 : vector<32x2048xf32>
    %broadcast_in_dim3A = vector.shape_cast %lt3A_12 : vector<1x2048xi1> to vector<1x2048xi1>
    %broadcast_in_dim3A_23 = vector.broadcast %broadcast_in_dim3A : vector<1x2048xi1> to vector<32x2048xi1>
    %select_n3A = arith.select %broadcast_in_dim3A_23, %max3A_22, %transpose3A : vector<32x2048xi1>, vector<32x2048xf32>
    %min3A = arith.constant 0.000000e+00 : f32
    %min3A_24 = vector.broadcast %min3A : f32 to vector<32x2048xf32>
    %min3A_25 = arith.minimumf %transpose3A_5, %min3A_24 : vector<32x2048xf32>
    %broadcast_in_dim3A_26 = vector.shape_cast %lt3A_12 : vector<1x2048xi1> to vector<1x2048xi1>
    %broadcast_in_dim3A_27 = vector.broadcast %broadcast_in_dim3A_26 : vector<1x2048xi1> to vector<32x2048xi1>
    %select_n3A_28 = arith.select %broadcast_in_dim3A_27, %min3A_25, %transpose3A_5 : vector<32x2048xi1>, vector<32x2048xf32>
    %ge3A = arith.constant 0.000000e+00 : f32
    %ge3A_29 = vector.broadcast %ge3A : f32 to vector<32x1xf32>
    %ge3A_30 = arith.cmpf oge, %get3A_17, %ge3A_29 : vector<32x1xf32>
    %mul3A = vector.broadcast %get3A_17 : vector<32x1xf32> to vector<32x2048xf32>
    %mul3A_31 = arith.mulf %mul3A, %select_n3A : vector<32x2048xf32>
    %add3A = vector.broadcast %get3A_20 : vector<32x1xf32> to vector<32x2048xf32>
    %add3A_32 = arith.addf %mul3A_31, %add3A : vector<32x2048xf32>
    %mul3A_33 = vector.broadcast %get3A_17 : vector<32x1xf32> to vector<32x2048xf32>
    %mul3A_34 = arith.mulf %mul3A_33, %select_n3A_28 : vector<32x2048xf32>
    %add3A_35 = vector.broadcast %get3A_20 : vector<32x1xf32> to vector<32x2048xf32>
    %add3A_36 = arith.addf %mul3A_34, %add3A_35 : vector<32x2048xf32>
    %broadcast_in_dim3A_37 = vector.shape_cast %ge3A_30 : vector<32x1xi1> to vector<32x1xi1>
    %broadcast_in_dim3A_38 = vector.broadcast %broadcast_in_dim3A_37 : vector<32x1xi1> to vector<32x2048xi1>
    %select_n3A_39 = arith.select %broadcast_in_dim3A_38, %add3A_32, %add3A_36 : vector<32x2048xi1>, vector<32x2048xf32>
    %max3A_40 = arith.constant 0.000000e+00 : f32
    %max3A_41 = vector.broadcast %max3A_40 : f32 to vector<32x2048xf32>
    %max3A_42 = arith.maximumf %select_n3A_39, %max3A_41 : vector<32x2048xf32>
    %jit3A = arith.constant 0.000000e+00 : f32
    %broadcast_in_dim3A_43 = vector.shape_cast %gt3A_14 : vector<1x2048xi1> to vector<1x2048xi1>
    %broadcast_in_dim3A_44 = vector.broadcast %broadcast_in_dim3A_43 : vector<1x2048xi1> to vector<32x2048xi1>
    %broadcast_in_dim3A_45 = vector.broadcast %jit3A : f32 to vector<32x2048xf32>
    %select_n3A_46 = arith.select %broadcast_in_dim3A_44, %max3A_42, %broadcast_in_dim3A_45 : vector<32x2048xi1>, vector<32x2048xf32>
    %reshape3A = vector.shape_cast %select_n3A_46 : vector<32x2048xf32> to vector<1x32x8x256xf32>
    %swap3A = arith.constant 0 : index
    %swap3A_47 = arith.constant 0 : index
    %swap3A_48 = arith.constant 0 : index
    %swap3A_49 = arith.constant 0 : index
    %swap3A_50 = vector.load %arg6[%swap3A, %swap3A_47, %swap3A_48, %swap3A_49] : memref<1x32x8x256xf32, #tpu.memory_space<vmem>>, vector<1x32x8x256xf32>
    tpu.vector_store %arg6[%swap3A, %swap3A_47, %swap3A_48, %swap3A_49], %reshape3A {strides = array<i32>} : memref<1x32x8x256xf32, #tpu.memory_space<vmem>>, vector<1x32x8x256xf32>,
    return
  }
  func.func @transform_0(%arg0: i32, %arg1: i32) -> (i32, i32) {
    %mul3A = arith.constant 32 : i32
    %mul3A_0 = arith.muli %arg0, %mul3A : i32
    %add3A = arith.addi %mul3A_0, %arg1 : i32
    %c0_i32 = arith.constant 0 : i32
    %c0_i32_1 = arith.constant 0 : i32
    return %add3A, %c0_i32 : i32, i32
  }
  func.func @transform_1(%arg0: i32, %arg1: i32) -> (i32, i32) {
    %mul3A = arith.constant 32 : i32
    %mul3A_0 = arith.muli %arg0, %mul3A : i32
    %add3A = arith.addi %mul3A_0, %arg1 : i32
    %c0_i32 = arith.constant 0 : i32
    %c0_i32_1 = arith.constant 0 : i32
    return %add3A, %c0_i32 : i32, i32
  }
  func.func @transform_2(%arg0: i32, %arg1: i32) -> (i32, i32, i32) {
    %mul3A = arith.constant 32 : i32
    %mul3A_0 = arith.muli %arg0, %mul3A : i32
    %add3A = arith.addi %mul3A_0, %arg1 : i32
    %c0_i32 = arith.constant 0 : i32
    %c0_i32_1 = arith.constant 0 : i32
    %c0_i32_2 = arith.constant 0 : i32
    return %add3A, %c0_i32, %c0_i32_1 : i32, i32, i32
  }
  func.func @transform_3(%arg0: i32, %arg1: i32) -> (i32, i32) {
    %c0_i32 = arith.constant 0 : i32
    %c0_i32_0 = arith.constant 0 : i32
    %c0_i32_1 = arith.constant 0 : i32
    return %c0_i32, %c0_i32_0 : i32, i32
  }
  func.func @transform_4(%arg0: i32, %arg1: i32) -> (i32, i32, i32, i32) {
    %c0_i32 = arith.constant 0 : i32
    %c0_i32_0 = arith.constant 0 : i32
    %c0_i32_1 = arith.constant 0 : i32
    return %arg0, %c0_i32, %arg1, %c0_i32_0 : i32, i32, i32, i32
  }
}

</mosaic_0001>

<sc_bundles>
// kernel: kernel.7.cloned.1.call-start
scs
__scs_entry_jumppad:
0x0: {  	(pc) =	sbr.rel $0x88, $3  }
0x1: {  	(tag) =	ssettag $0x0;
	lr =	simm.s32 $0x1  }
0x2: {  	[smem:$0x3F9D] =	sst lr;
	_ =	strace $0xD0000000  }
0x3: {  	_ = 	snop  }
0x4: {  	_ = 	snop  }
0x5: {  	_ = 	snop  }
0x6: {  	_ = 	snop  }
0x7: {  	_ = 	snop  }
__scs_overlays_trampoline_lowered:
0x8: {  	[smem:$0x3FAC] =	sst s0  }
0x9: {  	[smem:$0x3FAD] =	sst s1  }
0xa: {  	[smem:$0x3FAE] =	sst s2  }
0xb: {  	[smem:$0x3FAF] =	sst s3  }
0xc: {  	[smem:$0x3FB0] =	sst s4  }
0xd: {  	[smem:$0x3FB1] =	sst s5  }
0xe: {  	[smem:$0x3FB2] =	sst s6  }
0xf: {  	[smem:$0x3FB3] =	sst s7  }
0x10: {  	[smem:$0x3FB4] =	sst s8  }
0x11: {  	[smem:$0x3FB5] =	sst s9;
	s0 =	simm.s32 @!p0 $0x0  }
0x12: {  	s1 =	sld [smem:$0x3F9B];
	s0 =	simm.s32 @p0 $0x1  }
0x13: {  	[smem:$0x3FB6] =	sst s0;
	s0 =	simm.s32 @!p1 $0x0  }
0x14: {  	s2 =	sld [smem:$0x3F9A];
	s0 =	simm.s32 @p1 $0x1  }
0x15: {  	[smem:$0x3FB7] =	sst s0;
	s0 =	simm.s32 @!p2 $0x0  }
0x16: {  	s3 =	sld [smem:$0x3FDB];
	s0 =	simm.s32 @p2 $0x1  }
0x17: {  	s4 =	simm.s32 $0x1BF5;
	[smem:$0x3FB9] =	sst s0  }
0x18: {  	s0 =	sld [smem:$0x3F9C];
	_ =	swait.ge [sflag:s4], $0x0  }
0x19: {  	s7 =	sld [smem:$0x3F9D]  }
0x1a: {  	s8 =	sadd.s32 $0xFFFFE003, lr  }
0x1b: {  	s9 =	sadd.s32 $0xFFFFFEF7, lr;
	s5 =	simm.s32 $0xFFFFFFFF;
	p2 =	slt.u32 s8, $0xFFFFF086  }
0x1c: {  	p1 =	slt.u32 s9, $0xF7A;
	s5 =	simm.s32 @!p2 $0x0  }
0x1d: {  	s5 =	simm.s32 @p1 $0x1;
	p0 =	seq.s32 s7, s2  }
0x1e: {  	s7 =	smul.u32 @!p0 $0xF7A, s2;
	p2 =	seq.s32 @!p0 s5, $0x0  }
0x1f: {  	s9 =	smul.u32 $0xF7A, s1;
	s8 =	simm.s32 @!p0 $0x1BF5;
	p2 =	por !p2, p0  }
0x20: {  	[sflag:s8] =	ssyncset.s32 @!p0 $0xFFFFF086;
	s6 =	sadd.s32 @!p0 s3, s7;
	s7 =	simm.s32 @!p0 $0x108  }
0x21: {  	s3 =	sadd.s32 s3, s9;
	s6 =	sadd.s32 @!p0 $0x88, s6;
	s7 =	simm.s32 @p2 $0x1082  }
0x22: {  	[simem:s7], [sflag:s8] =	dma.local @!p0 [hbm:s6], $0xF7A  }
0x23: {  	s9 =	sor.u32 $0xD0000000, s2;
	s6 =	simm.s32 $0x108;
	_ =	swait.ge @!p0 [sflag:s8], $0x0  }
0x24: {  	s3 =	sadd.s32 $0x88, s3;
	s6 =	simm.s32 @!p1 $0x1082;
	[sflag:s4] =	ssyncset.s32 $0xFFFFF086  }
0x25: {  	[simem:s6], [sflag:s4] =	dma.local [hbm:s3], $0xF7A  }
0x26: {  	[smem:$0x3F9D] =	sst s1;
	(tag) =	ssettag s2;
	_ =	strace s9  }
0x27: {  	s1 =	sld [smem:$0x3FAD]  }
0x28: {  	s2 =	sld [smem:$0x3FAE]  }
0x29: {  	s4 =	sld [smem:$0x3FB0]  }
0x2a: {  	p0 =	seq.s32 s5, $0x0;
	s5 =	sld [smem:$0x3FB1]  }
0x2b: {  	s6 =	sld [smem:$0x3FB2]  }
0x2c: {  	s7 =	sld [smem:$0x3FB3]  }
0x2d: {  	s3 =	simm.s32 $0x108;
	s8 =	sld [smem:$0x3FB4]  }
0x2e: {  	s3 =	simm.s32 @!p0 $0x1082;
	s9 =	sld [smem:$0x3FB5]  }
0x2f: {  	lr =	sadd.s32 s0, s3;
	s0 =	sld [smem:$0x3FAC]  }
0x30: {  	s3 =	sld [smem:$0x3FAF]  }
0x31: {  	[smem:$0x3FB8] =	sst s10  }
0x32: {  	s10 =	sld [smem:$0x3FB6];
	_ =	sdelay $0x3  }
0x33: {  	p0 =	seq.s32 s10, $0x1;
	s10 =	sld [smem:$0x3FB8];
	_ =	sdelay $0x3  }
0x34: {  	[smem:$0x3FB8] =	sst s10  }
0x35: {  	s10 =	sld [smem:$0x3FB7];
	_ =	sdelay $0x3  }
0x36: {  	p1 =	seq.s32 s10, $0x1;
	s10 =	sld [smem:$0x3FB8];
	_ =	sdelay $0x3  }
0x37: {  	[smem:$0x3FB8] =	sst s10  }
0x38: {  	s10 =	sld [smem:$0x3FB9]  }
0x39: {  	_ = 	snop;
	(pc) =	sbr.ind lr, $3  }
0x3a: {  	_ = 	snop  }
0x3b: {  	_ = 	snop  }
0x3c: {  	p2 =	seq.s32 s10, $0x1;
	s10 =	sld [smem:$0x3FB8]  }
0x3d: {  	_ =	shalt  }
0x3e: {  	_ =	shalt  }
0x3f: {  	_ =	shalt  }
0x40: {  	_ =	shalt  }
0x41: {  	_ =	shalt  }
0x42: {  	_ =	shalt  }
0x43: {  	_ =	shalt  }
0x44: {  	_ =	shalt  }
0x45: {  	_ =	shalt  }
0x46: {  	_ =	shalt  }
0x47: {  	_ =	shalt  }
0x48: {  	_ =	shalt  }
0x49: {  	_ =	shalt  }
0x4a: {  	_ =	shalt  }
0x4b: {  	_ =	shalt  }
0x4c: {  	_ =	shalt  }
0x4d: {  	_ =	shalt  }
0x4e: {  	_ =	shalt  }
0x4f: {  	_ =	shalt  }
0x50: {  	_ =	shalt  }
0x51: {  	_ =	shalt  }
0x52: {  	_ =	shalt  }
0x53: {  	_ =	shalt  }
0x54: {  	_ =	shalt  }
0x55: {  	_ =	shalt  }
0x56: {  	_ =	shalt  }
0x57: {  	_ =	shalt  }
0x58: {  	_ =	shalt  }
0x59: {  	_ =	shalt  }
0x5a: {  	_ =	shalt  }
0x5b: {  	_ =	shalt  }
0x5c: {  	_ =	shalt  }
0x5d: {  	_ =	shalt  }
0x5e: {  	_ =	shalt  }
0x5f: {  	_ =	shalt  }
0x60: {  	_ =	shalt  }
0x61: {  	_ =	shalt  }
0x62: {  	_ =	shalt  }
0x63: {  	_ =	shalt  }
0x64: {  	_ =	shalt  }
0x65: {  	_ =	shalt  }
0x66: {  	_ =	shalt  }
0x67: {  	_ =	shalt  }
0x68: {  	_ =	shalt  }
0x69: {  	_ =	shalt  }
0x6a: {  	_ =	shalt  }
0x6b: {  	_ =	shalt  }
0x6c: {  	_ =	shalt  }
0x6d: {  	_ =	shalt  }
0x6e: {  	_ =	shalt  }
0x6f: {  	_ =	shalt  }
0x70: {  	_ =	shalt  }
0x71: {  	_ =	shalt  }
0x72: {  	_ =	shalt  }
0x73: {  	_ =	shalt  }
0x74: {  	_ =	shalt  }
0x75: {  	_ =	shalt  }
0x76: {  	_ =	shalt  }
0x77: {  	_ =	shalt  }
0x78: {  	_ =	shalt  }
0x79: {  	_ =	shalt  }
0x7a: {  	_ =	shalt  }
0x7b: {  	_ =	shalt  }
0x7c: {  	_ =	shalt  }
0x7d: {  	_ =	shalt  }
0x7e: {  	_ =	shalt  }
0x7f: {  	_ =	shalt  }
0x80: {  	_ =	shalt  }
0x81: {  	_ =	shalt  }
0x82: {  	_ =	shalt  }
0x83: {  	_ =	shalt  }
0x84: {  	_ =	shalt  }
0x85: {  	_ =	shalt  }
0x86: {  	_ =	shalt  }
0x87: {  	_ =	shalt  }
.Lfunc_end0:
.L_simem_size_0:
called_computation_lowered:
.L_overlay_start_0:
0x88: {  	s2 =	sld [smem:$0x3FD9]  }
0x89: {  	s3 =	sld [smem:$0x3FFE];
	_ =	sdelay $0x1  }
0x8a: {  	s1 =	srdreg.scid  }
0x8b: {  	s0 =	sand.u32 $0x1, s1  }
0x8c: {  	s17 =	sshll.u32 s0, $0xA;
	s2 =	sadd.s32 s3, s2  }
0x8d: {  	s2 =	sadd.s32 s2, s17  }
0x8e: {  	[smem:$0x3FC4] =	sst s2  }
0x8f: {  	_ = 	snop  }
0x90: {  	s2 =	sld [smem:$0x3FD0];
	(tm) =	ssettm $0x1  }
0x91: {  	s18 =	sld [smem:$0x3FFB];
	_ =	sdelay $0x3  }
0x92: {  	_ =	strace s18  }
0x93: {  	s3 =	sld [smem:$0x3FFC];
	_ =	sdelay $0x3  }
0x94: {  	_ =	strace s3  }
0x95: {  	s3 =	sld [smem:$0x3FFD];
	_ =	sdelay $0x3  }
0x96: {  	_ =	strace s3  }
0x97: {  	_ =	strace $0x8FFFFFFF  }
0x98: {  	s19 =	sld [smem:$0x3FDB];
	_ =	sdelay $0x1  }
0x99: {  	s4 =	simm.s32 $_scs_section_size  }
0x9a: {  	s5 =	simm.s32 $_size__tile_overlayer_lowered;
	s6 =	simm.s32 $_tile_overlayer_lowered  }
0x9b: {  	s22 =	simm.s32 $0x1BFF;
	s21 =	sshll.u32 s6, $0x1;
	s3 =	sadd.s32 s4, s19  }
0x9c: {  	s7 =	simm.s32 $0x0;
	s20 =	sshll.u32 s5, $0x1;
	s5 =	sadd.s32 s21, s3  }
0x9d: {  	[timem:s7], [sflag:s22] =	dma.local [hbm:s5], s20  }
0x9e: {  	_ =	swait.ge [sflag:s22], s20  }
0x9f: {  	s4 =	ssub.s32 $0x0, s20;
	[sflag:s22] =	ssyncset.done $0x0  }
0xa0: {  	[sflag:s22] =	ssyncadd.s32 s4;
	_ =	sdelay $0x1  }
0xa1: {  	s23 =	simm.s32 $0x1B8B  }
0xa2: {  	_ =	swait.ge [sflag:s23], $0x1  }
0xa3: {  	[sflag:s23] =	ssyncset.done $0x0  }
0xa4: {  	s25 =	simm.s32 $0x1B8E;
	s24 =	sld [smem:$0x3FFE];
	[sflag:s23] =	ssyncadd.s32 $0xFFFFFFFF  }
0xa5: {  	s26 =	simm.s32 $execute0_lowered;
	[smem:$0x3FD2] =	sst s25  }
0xa6: {  	s5 =	sshll.u32 s26, $0x1;
	_ =	strace $0x80000046;
	[dreg:$0x1] =	wrdreg $0xFFFFFFFF  }
0xa7: {  	s28 =	simm.s32 $_size_execute0_lowered;
	s3 =	sadd.s32 s3, s5;
	[dreg:$0x0] =	wrdreg $0x0  }
0xa8: {  	s5 =	sshll.u32 s28, $0x1;
	[dreg:$0x2] =	wrdreg s3  }
0xa9: {  	[dreg:$0x3] =	wrdreg s5  }
0xaa: {  	[dreg:$0x4] =	wrdreg $0xC0  }
0xab: {  	_ =	task [dreg:s7], $0x5FFFF  }
0xac: {  	[dreg:$0x1] =	wrdreg $0xFFFFFFFF  }
0xad: {  	[dreg:$0x0] =	wrdreg $0x60  }
0xae: {  	[dreg:$0x2] =	wrdreg s24  }
0xaf: {  	[dreg:$0x3] =	wrdreg s2  }
0xb0: {  	[dreg:$0x4] =	wrdreg $0x10B900  }
0xb1: {  	[dreg:$0x5] =	wrdreg $0x10FA00  }
0xb2: {  	[dreg:$0x6] =	wrdreg $0x9  }
0xb3: {  	_ =	task.clear_ibuf [dreg:s7], $0x7FFFF;
	_ =	strace $0x90000046  }
0xb4: {  	s29 =	simm.s32 $0x9;
	_ =	strace $0x80000048  }
0xb5: {  	_ =	swait.ge [sflag:s29], $0x1  }
0xb6: {  	[sflag:s29] =	ssyncadd.s32 $0xFFFFFFFF  }
0xb7: {  	_ =	strace $0x90000048  }
0xb8: {  	_ =	sfence  }
0xb9: {  	s30 =	sld [smem:$0x0];
	_ =	sdelay $0x2  }
0xba: {  	s31 =	sshll.u32 s1, $0xD;
	s1 =	sshrl.u32 s1, $0x2  }
0xbb: {  	s3 =	sand.u32 $0x4000, s31;
	s1 =	sadd.s32 s1, s30  }
0xbc: {  	s0 =	sor.u32 s3, s0;
	s1 =	sshll.u32 s1, $0x11  }
0xbd: {  	s0 =	sor.u32 s1, s0  }
0xbe: {  	s0 =	sadd.s32 $0x8F2B, s0  }
0xbf: {  	[sflag:s0] =	ssyncadd.remote.s32 $0x1  }
0xc0: {  	_ =	sfence.sel $0xFFFF  }
0xc1: {  	[dreg:$0x0] =	wrdreg $0xFFFFFFFF;
	(pc) =	sbr.abs _section_cstart, $3  }
0xc2: {  	[dreg:$0x1] =	wrdreg $0xFFFFFFFF  }
0xc3: {  	_ =	task.clear_ibuf [dreg:s7], $0x2FFFF;
	_ =	strace $0x9FFFFFFF  }
0xc4: {  	(tm) =	ssettm $0x7FFFFFFF  }
0xc5: {  	_ =	shalt  }
tec
execute0_lowered:
.L_overlay_start_1:
0x0: {  	(tag) =	ssettag $0x1  }
0x1: {  	s0 =	rddreg [dreg:$0x0]  }
0x2: {  	s16 =	rddreg [dreg:$0x2]  }
0x3: {  	s3 =	rddreg [dreg:$0x3];
	s1 =	srdreg.scid  }
0x4: {  	s2 =	simm.s32 $0x0;
	s17 =	stileid.u32;
	s10 =	simm.s32 $0x1  }
0x5: {  	s11 =	simm.s32 $0x1;
	s12 =	simm.s32 $0x1;
	s13 =	simm.s32 $0x1  }
0x6: {  	s15 =	simm.s32 $0x1;
	s20 =	simm.s32 $0x1;
	s21 =	simm.s32 $0x1  }
0x7: {  	s22 =	simm.s32 $0x1;
	s23 =	simm.s32 $0x1;
	s29 =	simm.s32 $0xFB40  }
0x8: {  	s1 =	sand.u32 $0x1, s1;
	[smem:$0x7FF] =	sst s2;
	s5 =	sshll.u32 s17, $0xA  }
0x9: {  	s8 =	sadd.s32 $0x1400, s0;
	s9 =	sadd.s32 $0x101400, s0;
	s24 =	smul.u32 $0x1040, s17  }
0xa: {  	p0 =	sgt.u32 s17, $0x1;
	s14 =	sshll.u32 s17, $0x5;
	p1 =	sgt.u32 s17, $0xD  }
0xb: {  	s2 =	sshll.u32 s17, $0xD;
	s31 =	sadd.s32 $0x20000, s3;
	s4 =	sshll.u32 s1, $0x4  }
0xc: {  	_ =	strace $0x80000047;
	s6 =	sadd.s32 s5, s0;
	[dreg:$0x5] =	wrdreg s8  }
0xd: {  	s7 =	ssub.s32 $0x2, s1;
	s5 =	sadd.s32 $0x205200, s0;
	[dreg:$0x6] =	wrdreg s9  }
0xe: {  	s8 =	simm.s32 $0x1;
	s9 =	simm.s32 $0x1;
	s1 =	sshll.u32 s1, $0x9  }
0xf: {  	s23 =	simm.s32 @!p1 $0x0;
	p1 =	seq.s32 s17, $0xF;
	[dreg:$0x8] =	wrdreg s2  }
0x10: {  	[dreg:$0xd] =	wrdreg s31;
	s4 =	sor.u32 s17, s4;
	s18 =	sshrl.u32 s7, $0x1  }
0x11: {  	s8 =	simm.s32 @!p0 $0x0;
	p0 =	sgt.u32 s17, $0x2;
	s28 =	sor.u32 s14, s1  }
0x12: {  	s1 =	simm.s32 $0x1;
	s25 =	sadd.s32 $0x201200, s6;
	s26 =	sshrl.u32 s24, $0x2  }
0x13: {  	s6 =	simm.s32 $0x1;
	s14 =	simm.s32 $0x1;
	v13 =	vmov s23;
	s23 =	simm.s32 $0xB9C0  }
0x14: {  	s24 =	simm.s32 $0xDB40;
	s4 =	smul.u32 $0xA, s4;
	s19 =	ssub.s32 s7, s18  }
0x15: {  	s9 =	simm.s32 @!p0 $0x0;
	p0 =	sgt.u32 s17, $0x3;
	s18 =	simm.s32 $0x1  }
0x16: {  	[dreg:$0x9] =	wrdreg s25;
	s2 =	sadd.s32 s26, s16;
	s6 =	simm.s32 @!p1 $0x0  }
0x17: {  	v1 =	vmov s8;
	s16 =	simm.s32 $0x2;
	s8 =	simm.s32 $0x6D30;
	s25 =	simm.s32 $0xBA40  }
0x18: {  	s26 =	simm.s32 $0xEB40;
	[dreg:$0x7] =	wrdreg s28;
	v20 =	vmov s28;
	s28 =	simm.s32 $0xBAC0  }
0x19: {  	s10 =	simm.s32 @!p0 $0x0;
	p0 =	sgt.u32 s17, $0x4;
	[dreg:$0xa] =	wrdreg s2  }
0x1a: {  	s2 =	simm.s32 $0x1;
	s30 =	smax.u32 s19, $0x1;
	s19 =	simm.s32 $0x80  }
0x1b: {  	v2 =	vmov s9;
	s9 =	simm.s32 $0x7130;
	s11 =	simm.s32 @!p0 $0x0;
	p0 =	sgt.u32 s17, $0x5  }
0x1c: {  	s0 =	sadd.s32 s4, s0;
	s12 =	simm.s32 @!p0 $0x0;
	p0 =	sgt.u32 s17, $0x6  }
0x1d: {  	[dreg:$0xc] =	wrdreg s30;
	s13 =	simm.s32 @!p0 $0x0;
	p0 =	sgt.u32 s17, $0x7  }
0x1e: {  	v15 =	vimm.s32 $0x0;
	vm6 =	vcmask $0x3F04;
	vm7 =	vcmask $0x3F08;
	s4 =	simm.s32 $0x0;
	s15 =	simm.s32 @!p0 $0x0;
	p0 =	sgt.u32 s17, $0x8  }
0x1f: {  	vm8 =	vcmask $0x3F0C;
	vm9 =	vcmask $0x3F10;
	vm10 =	vcmask $0x3F14;
	s0 =	sadd.s32 $0x1200, s0;
	s18 =	simm.s32 @!p0 $0x0;
	p0 =	sgt.u32 s17, $0x9  }
0x20: {  	vm15 =	vcmask $0x3F18;
	vm12 =	vcmask $0x3F1C;
	v16 =	vlaneseq.u32;
	[dreg:$0xb] =	wrdreg s0;
	s20 =	simm.s32 @!p0 $0x0;
	p0 =	sgt.u32 s17, $0xA  }
.Ltmp0:
0x21: {  	v18 =	vimm.f32 $0.0e+00;
	v17 =	vmul.u32 $0x100, v16;
	v19 =	vor.u32 $0x10, v16;
	s21 =	simm.s32 @!p0 $0x0;
	p0 =	sgt.u32 s17, $0xB;
	(pc) =	sbr.rel .LBB2_1-.Ltmp0, $4  }
0x22: {  	v14 =	vmov s6;
	v3 =	vmov s10;
	v5 =	vmov s12;
	s12 =	simm.s32 $0xB530;
	s22 =	simm.s32 @!p0 $0x0;
	p0 =	sgt.u32 s17, $0xC  }
0x23: {  	v4 =	vmov s11;
	v6 =	vmov s13;
	v9 =	vmov s20;
	s20 =	simm.s32 $0xBB40;
	s1 =	simm.s32 @!p0 $0x0;
	p0 =	sne.s32 s17, $0x0  }
0x24: {  	v7 =	vmov s15;
	v8 =	vmov s18;
	v10 =	vmov s21;
	s21 =	simm.s32 $0xB940;
	s17 =	simm.s32 $0x6100;
	s2 =	simm.s32 @!p0 $0x0  }
0x25: {  	v11 =	vmov s22;
	s22 =	simm.s32 $0xCB40;
	v12 =	vmov s1;
	s1 =	simm.s32 $0xB8C0;
	v0 =	vmov s2;
	s2 =	simm.s32 $0x0  }
.LBB2_26:
0x26: {  	[tilespmem:$0x10B40] =	vst v24  }
0x27: {  	[tilespmem:$0x10B50] =	vst v23  }
0x28: {  	[tilespmem:$0x10B60] =	vst v22  }
0x29: {  	[tilespmem:$0x10B70] =	vst v21  }
0x2a: {  	[tilespmem:$0x10B80] =	vst v25;
	s0 =	rddreg [dreg:$0xb];
	s2 =	simm.s32 $0x10B40  }
0x2b: {  	[hbm4b:s0+s4] =	stream.linear.scatter [tilespmem:s2], [sflag:$0x2], $0x50, $0x38;
	[tilespmem:$0x12FD0] =	vst v63  }
0x2c: {  	_ =	swait.ge [sflag:s16], $0x50  }
0x2d: {  	s30 =	rddreg [dreg:$0xe]  }
0x2e: {  	s31 =	rddreg [dreg:$0xc];
	s2 =	sadd.s32 $0x1, s30  }
0x2f: {  	p1 =	sne.s32 s2, s31  }
.Ltmp1:
0x30: {  	_ = 	snop;
	(pc) =	sbr.rel @!p1 .LBB2_27-.Ltmp1, $3  }
0x31: {  	_ =	sdelay $0x1  }
0x32: {  	[sflag:s16] =	ssyncset.done $0x0  }
0x33: {  	s8 =	simm.s32 $0x6D30;
	s9 =	simm.s32 $0x7130;
	[sflag:s16] =	ssyncadd.s32 $0xFFFFFFB0  }
.LBB2_1:
0x34: {  	[dreg:$0xe] =	wrdreg s2  }
0x35: {  	s0 =	rddreg [dreg:$0x9]  }
0x36: {  	[tilespmem:s4], [sflag:$0x2] =	stream.linear.gather [hbm4b:s0+s4], $0x2000, $0x38;
	[tilespmem:$0x12FD0] =	vst v63  }
0x37: {  	_ =	swait.ge [sflag:s16], $0x2000  }
0x38: {  	[sflag:s16] =	ssyncset.done $0x0  }
0x39: {  	s0 =	simm.s32 $0x0;
	[sflag:s16] =	ssyncadd.s32 $0xFFFFE000  }
.LBB2_2:
0x3a: {  	p1 =	sne.s32 s0, $0x1000  }
.Ltmp2:
0x3b: {  	_ = 	snop;
	(pc) =	sbr.rel @p1 .LBB2_2-.Ltmp2, $3  }
0x3c: {  	_ =	sdelay $0x1  }
0x3d: {  	s2 =	sshra.s32 s0, $0x2  }
0x3e: {  	s0 =	sadd.s32 $0x40, s0;
	[tilespmem:s2+$0x6100] =	vst v15  }
0x3f: {  	s0 =	simm.s32 $0x0  }
0x40: {  	v21 =	vld [tilespmem:s0+$0x0];
	_ =	sdelay $0x4  }
0x41: {  	v21 =	vshrl.u32 v21, $0x8  }
0x42: {  	v22 =	vbroadcast v21, $0x4;
	v23 =	vbroadcast v21, $0xA  }
0x43: {  	v24 =	vbroadcast v21, $0x1;
	v29 =	vbroadcast v21, $0xB  }
0x44: {  	v32 =	vbroadcast v21, $0x2;
	v33 =	vbroadcast v21, $0xC  }
0x45: {  	v25 =	vbroadcast v21, $0x7;
	v26 =	vbroadcast v21, $0x3  }
0x46: {  	v27 =	vbroadcast v21, $0x5;
	v31 =	vbroadcast v21, $0x0  }
0x47: {  	v34 =	vbroadcast v21, $0x9;
	vm11 =	veq.s32 v21, v23;
	vm2 =	vne.s32 v21, v24  }
0x48: {  	v23 =	vbroadcast v21, $0x6;
	vm13 =	veq.s32 v21, v22;
	vm0 =	veq.s32 v21, v25  }
0x49: {  	vm3 =	veq.s32 v21, v24;
	v22 =	vimm.s32 $0x0;
	vm4 =	veq.s32 v21, v27  }
0x4a: {  	v22 =	vsel vm3, $0xFFFFFFFF, v22;
	vm3 =	veq.s32 v21, v26;
	vm15 =	vmand vm4, vm15  }
0x4b: {  	v26 =	vbroadcast v21, $0x8;
	v25 =	vsel vm4, $0x1, v15;
	vm4 =	veq.s32 v21, v34  }
0x4c: {  	vm1 =	veq.s32 v21, v23;
	[tilespmem:$0x1FFE0] =	vst v22;
	v22 =	vsel vm0, $0x1, v15;
	vm5 =	vmand vm3, vm9  }
0x4d: {  	vm14 =	vmmov vm1;
	v23 =	vsel vm1, $0x1, v15;
	vm1 =	vcmask $0x3F20  }
0x4e: {  	v30 =	vsel vm3, $0x1, v15;
	vm3 =	veq.s32 v21, v31;
	vm0 =	vmand vm0, vm1  }
0x4f: {  	v31 =	vimm.s32 $0x0;
	v24 =	vsel vm0, $0x1, v15;
	vm0 =	vmand vm13, vm10  }
0x50: {  	v27 =	vsel vm15, $0x1, v15;
	vm1 =	veq.s32 v21, v26;
	v31 =	vsel vm0, $0xFFFFFFFF, v31  }
0x51: {  	s0 =	simm.s32 $0x40;
	v28 =	vsel vm5, $0x1, v15;
	v26 =	vsel vm1, $0x1, v15;
	[tilespmem:$0x1FFF0] =	vst v31;
	v31 =	vsel vm13, $0x1, v15  }
.LBB2_4:
0x52: {  	vm0 =	vcmask $0x3F28;
	v34 =	vimm.s32 $0x0;
	v56 =	vsel vm4, $0x1, v15  }
0x53: {  	v57 =	vsel vm3, $0x1, v15;
	v58 =	vbroadcast v21, $0xE;
	vm3 =	vmand vm3, vm6  }
0x54: {  	vm0 =	vmand vm4, vm0;
	vm13 =	veq.s32 v21, v29;
	v29 =	vsel vm2, $0xFFFFFFFF, v15  }
0x55: {  	vm2 =	veq.s32 v21, v32;
	vm15 =	veq.s32 v21, v33;
	v59 =	vsel vm3, $0x1, v15  }
0x56: {  	v41 =	vld [tilespmem:$0x1FFE0];
	v34 =	vsel vm0, $0xFFFFFFFF, v34;
	vm0 =	vcmask $0x3F30;
	vm5 =	vmand vm2, vm8  }
0x57: {  	v36 =	vsel vm2, $0x1, v15;
	v38 =	vsel vm15, $0x1, v15;
	v29 =	vadd.s32 v57, v29  }
0x58: {  	vm4 =	vmand vm13, vm0;
	vm0 =	vcmask $0x3F34;
	v39 =	vsel vm5, $0x1, v15  }
0x59: {  	v44 =	vld [tilespmem:$0x1FFF0];
	v29 =	vadd.s32 v36, v29;
	vm0 =	vmand vm15, vm0;
	v62 =	vsel vm4, $0x1, v15  }
0x5a: {  	[tilespmem:$0x1FFD0] =	vst v34;
	v29 =	vadd.s32 v30, v29;
	v30 =	vsel vm13, $0x1, v15;
	v37 =	vsel vm0, $0x1, v15  }
0x5b: {  	v40 =	vld [tilespmem:$0x1FFD0];
	vm0 =	vcmask $0x3F24;
	vm3 =	vnez.u8 v41;
	v29 =	vadd.s32 v31, v29  }
0x5c: {  	vm0 =	vmand vm1, vm0;
	vm1 =	veq.s32 v21, v58;
	vm3 =	vmand vm3, vm7  }
0x5d: {  	v25 =	vadd.s32 v25, v29;
	v60 =	vsel vm0, $0x1, v15;
	v42 =	vsel vm1, $0x1, v15  }
0x5e: {  	v43 =	vsel vm3, $0x1, v15;
	vm0 =	vnez.u8 v44;
	v23 =	vadd.s32 v23, v25  }
0x5f: {  	v44 =	vsel vm0, $0x1, v15;
	v33 =	vadd.s32 v43, v59;
	vm0 =	vmand vm14, vm12  }
0x60: {  	v22 =	vadd.s32 v22, v23;
	vm2 =	vnez.u8 v40;
	v33 =	vadd.s32 v39, v33  }
0x61: {  	v25 =	vsel vm0, $0x1, v15;
	v22 =	vadd.s32 v26, v22;
	v40 =	vsel vm2, $0x1, v15  }
0x62: {  	vm2 =	vcmask $0x3F3C;
	v28 =	vadd.s32 v28, v33;
	v22 =	vadd.s32 v56, v22  }
0x63: {  	vm2 =	vmand vm1, vm2;
	v28 =	vadd.s32 v44, v28;
	vm1 =	vcmask $0x3F2C  }
0x64: {  	v61 =	vsel vm2, $0x1, v15;
	v27 =	vadd.s32 v27, v28;
	vm1 =	vmand vm11, vm1  }
0x65: {  	v28 =	vsel vm11, $0x1, v15;
	v23 =	vadd.s32 v25, v27;
	v25 =	vbroadcast v21, $0xD  }
0x66: {  	v26 =	vsel vm1, $0x1, v15;
	v22 =	vadd.s32 v28, v22;
	v23 =	vadd.s32 v24, v23  }
0x67: {  	vm1 =	vcmask $0x3F38;
	v24 =	vbroadcast v21, $0xF;
	v23 =	vadd.s32 v60, v23  }
0x68: {  	v22 =	vadd.s32 v30, v22;
	vm0 =	veq.s32 v21, v25;
	v23 =	vadd.s32 v40, v23  }
0x69: {  	v22 =	vadd.s32 v38, v22;
	vm1 =	vmand vm0, vm1;
	v23 =	vadd.s32 v26, v23  }
0x6a: {  	v25 =	vsel vm0, $0x1, v15;
	vm0 =	veq.s32 v21, v24;
	v23 =	vadd.s32 v62, v23  }
0x6b: {  	v24 =	vsel vm1, $0x1, v15;
	v22 =	vadd.s32 v25, v22;
	v23 =	vadd.s32 v37, v23  }
0x6c: {  	v22 =	vadd.s32 v42, v22;
	v23 =	vadd.s32 v24, v23;
	v24 =	vsel vm0, $0x1, v15  }
0x6d: {  	v35 =	vld.idx.msk [tilespmem:v21+s17+$0x0], $0xffff;
	v23 =	vadd.s32 v61, v23;
	v22 =	vadd.s32 v24, v22  }
0x6e: {  	vm0 =	veq.s32 v23, v22;
	_ =	sdelay $0x3  }
0x6f: {  	v22 =	vadd.s32 v23, v35  }
0x70: {  	s2 =	smov.u32 s0;
	v22 =	vadd.s32 $0x1, v22  }
0x71: {  	s2 =	sshra.s32 s2, $0x2;
	[tilespmem:v21+s17+$0x0] =	vst.idx.msk vm0, v22  }
0x72: {  	v21 =	vld [tilespmem:s2+$0x0];
	_ =	sdelay $0x4  }
0x73: {  	v21 =	vshrl.u32 v21, $0x8  }
0x74: {  	v22 =	vbroadcast v21, $0x4;
	v23 =	vbroadcast v21, $0xA  }
0x75: {  	v24 =	vbroadcast v21, $0x1;
	v29 =	vbroadcast v21, $0xB  }
0x76: {  	v32 =	vbroadcast v21, $0x2;
	v33 =	vbroadcast v21, $0xC  }
0x77: {  	v25 =	vbroadcast v21, $0x7;
	v26 =	vbroadcast v21, $0x3  }
0x78: {  	vm15 =	vcmask $0x3F18;
	v27 =	vbroadcast v21, $0x5;
	v31 =	vbroadcast v21, $0x0  }
0x79: {  	v63 =	vbroadcast v21, $0x9;
	vm11 =	veq.s32 v21, v23;
	vm2 =	vne.s32 v21, v24  }
0x7a: {  	v23 =	vbroadcast v21, $0x6;
	vm0 =	veq.s32 v21, v22;
	vm1 =	veq.s32 v21, v25  }
0x7b: {  	vm3 =	veq.s32 v21, v24;
	v22 =	vimm.s32 $0x0;
	vm4 =	veq.s32 v21, v27  }
0x7c: {  	v22 =	vsel vm3, $0xFFFFFFFF, v22;
	vm3 =	veq.s32 v21, v26;
	vm15 =	vmand vm4, vm15  }
0x7d: {  	v26 =	vbroadcast v21, $0x8;
	v25 =	vsel vm4, $0x1, v15;
	vm4 =	vcmask $0x3F20  }
0x7e: {  	p1 =	sne.s32 s0, $0x7FC0;
	vm5 =	veq.s32 v21, v23;
	[tilespmem:$0x1FFE0] =	vst v22;
	v22 =	vsel vm1, $0x1, v15;
	vm1 =	vmand vm1, vm4  }
.Ltmp3:
0x7f: {  	v30 =	vsel vm3, $0x1, v15;
	v27 =	vsel vm15, $0x1, v15;
	vm14 =	vmmov vm5;
	(pc) =	sbr.rel @p1 .LBB2_4-.Ltmp3, $4  }
0x80: {  	v23 =	vsel vm5, $0x1, v15;
	vm5 =	vmand vm3, vm9;
	v24 =	vsel vm1, $0x1, v15  }
0x81: {  	vm3 =	veq.s32 v21, v31;
	vm1 =	vmand vm0, vm10;
	v31 =	vimm.s32 $0x0  }
0x82: {  	vm4 =	veq.s32 v21, v63;
	v31 =	vsel vm1, $0xFFFFFFFF, v31;
	vm1 =	veq.s32 v21, v26  }
0x83: {  	s0 =	sadd.s32 $0x40, s0;
	v28 =	vsel vm5, $0x1, v15;
	[tilespmem:$0x1FFF0] =	vst v31;
	v31 =	vsel vm0, $0x1, v15;
	v26 =	vsel vm1, $0x1, v15  }
0x84: {  	vm0 =	veq.s32 v21, v33;
	v52 =	vsel vm2, $0xFFFFFFFF, v15;
	vm2 =	vcmask $0x3F34  }
0x85: {  	v53 =	vsel vm3, $0x1, v15;
	vm3 =	vmand vm3, vm6;
	v39 =	vsel vm4, $0x1, v15;
	v42 =	vld [tilespmem:$0x1FFE0]  }
0x86: {  	v40 =	vbroadcast v21, $0xE;
	vm2 =	vmand vm0, vm2;
	v36 =	vsel vm0, $0x1, v15  }
0x87: {  	vm0 =	vcmask $0x3F28;
	v34 =	vsel vm2, $0x1, v15;
	vm2 =	veq.s32 v21, v32  }
0x88: {  	v44 =	vld [tilespmem:$0x1FFF0];
	v38 =	vsel vm3, $0x1, v15;
	vm0 =	vmand vm4, vm0;
	v35 =	vsel vm2, $0x1, v15  }
0x89: {  	vm2 =	vmand vm2, vm8;
	v41 =	vsel vm0, $0x1, v15;
	vm0 =	vcmask $0x3F24  }
0x8a: {  	v37 =	vsel vm2, $0x1, v15;
	vm0 =	vmand vm1, vm0;
	vm1 =	vnez.u8 v42  }
0x8b: {  	v54 =	vsel vm0, $0x1, v15;
	vm0 =	veq.s32 v21, v40;
	vm1 =	vmand vm1, vm7  }
0x8c: {  	v40 =	vsel vm0, $0x1, v15;
	v43 =	vsel vm1, $0x1, v15;
	vm1 =	vcmask $0x3F3C  }
0x8d: {  	vm0 =	vmand vm0, vm1;
	vm1 =	vnez.u8 v44;
	v56 =	vadd.s32 v43, v38  }
0x8e: {  	v44 =	vsel vm1, $0x1, v15;
	vm1 =	veq.s32 v21, v29;
	v29 =	vadd.s32 v53, v52  }
0x8f: {  	v55 =	vsel vm0, $0x1, v15;
	vm0 =	vcmask $0x3F30;
	v33 =	vadd.s32 v37, v56  }
0x90: {  	vm0 =	vmand vm1, vm0;
	v29 =	vadd.s32 v35, v29;
	v28 =	vadd.s32 v28, v33  }
0x91: {  	v57 =	vsel vm0, $0x1, v15;
	v29 =	vadd.s32 v30, v29;
	v30 =	vsel vm1, $0x1, v15  }
0x92: {  	v28 =	vadd.s32 v44, v28;
	vm0 =	vmand vm14, vm12;
	v29 =	vadd.s32 v31, v29  }
0x93: {  	vm1 =	vcmask $0x3F38;
	v27 =	vadd.s32 v27, v28;
	v25 =	vadd.s32 v25, v29  }
0x94: {  	v29 =	vsel vm0, $0x1, v15;
	vm0 =	vcmask $0x3F2C;
	v23 =	vadd.s32 v23, v25  }
0x95: {  	v25 =	vsel vm11, $0x1, v15;
	vm0 =	vmand vm11, vm0;
	v22 =	vadd.s32 v22, v23  }
0x96: {  	v23 =	vadd.s32 v29, v27;
	v27 =	vbroadcast v21, $0xD;
	v22 =	vadd.s32 v26, v22  }
0x97: {  	v23 =	vadd.s32 v24, v23;
	v24 =	vbroadcast v21, $0xF;
	v26 =	vsel vm0, $0x1, v15  }
0x98: {  	v22 =	vadd.s32 v39, v22;
	v23 =	vadd.s32 v54, v23;
	vm0 =	veq.s32 v21, v27  }
0x99: {  	v22 =	vadd.s32 v25, v22;
	v23 =	vadd.s32 v41, v23;
	v25 =	vsel vm0, $0x1, v15  }
0x9a: {  	vm0 =	vmand vm0, vm1;
	v22 =	vadd.s32 v30, v22;
	v23 =	vadd.s32 v26, v23  }
0x9b: {  	v26 =	vsel vm0, $0x1, v15;
	v22 =	vadd.s32 v36, v22;
	v23 =	vadd.s32 v57, v23  }
0x9c: {  	vm0 =	veq.s32 v21, v24;
	v23 =	vadd.s32 v34, v23;
	v22 =	vadd.s32 v25, v22  }
0x9d: {  	v24 =	vsel vm0, $0x1, v15;
	v23 =	vadd.s32 v26, v23;
	v22 =	vadd.s32 v40, v22  }
0x9e: {  	v25 =	vld.idx.msk [tilespmem:v21+s17+$0x0], $0xffff;
	v23 =	vadd.s32 v55, v23;
	v22 =	vadd.s32 v24, v22  }
0x9f: {  	vm0 =	veq.s32 v23, v22;
	_ =	sdelay $0x3  }
0xa0: {  	v22 =	vadd.s32 v23, v25  }
0xa1: {  	v22 =	vadd.s32 $0x1, v22  }
0xa2: {  	s0 =	rddreg [dreg:$0xa];
	[tilespmem:v21+s17+$0x0] =	vst.idx.msk vm0, v22  }
0xa3: {  	[spmem:s0] =	stream.linear.scatter [tilespmem:s17], [sflag:$0x2], $0x410, $0x38;
	[tilespmem:$0x12FD0] =	vst v63  }
0xa4: {  	_ =	swait.ge [sflag:s16], $0x410  }
0xa5: {  	[sflag:s16] =	ssyncset.done $0x0  }
0xa6: {  	[sflag:s16] =	ssyncadd.s32 $0xFFFFFBF0  }
0xa7: {  	[bflag:$0x0] =	sbarrier.arrive $0xFFFF  }
0xa8: {  	s2 =	simm.s32 $0x2000;
	s31 =	rddreg [dreg:$0x2]  }
0xa9: {  	[tilespmem:s2], [sflag:$0x2] =	stream.linear.gather [spmem:s31], $0x4100, $0x38;
	[tilespmem:$0x12FD0] =	vst v63  }
0xaa: {  	_ =	swait.ge [sflag:s16], $0x4100  }
0xab: {  	[sflag:s16] =	ssyncset.done $0x0  }
0xac: {  	s2 =	simm.s32 $0x0;
	[sflag:s16] =	ssyncadd.s32 $0xFFFFBF00  }
0xad: {  	v21 =	vld [tilespmem:s2+$0x2000]  }
0xae: {  	v22 =	vld [tilespmem:s2+$0x2410]  }
0xaf: {  	v23 =	vld [tilespmem:s2+$0x2820]  }
0xb0: {  	v24 =	vld [tilespmem:s2+$0x2C30]  }
0xb1: {  	v25 =	vld [tilespmem:s2+$0x3040]  }
0xb2: {  	v26 =	vld [tilespmem:s2+$0x3450]  }
0xb3: {  	v27 =	vld [tilespmem:s2+$0x3860]  }
0xb4: {  	v29 =	vld [tilespmem:s2+$0x3C70];
	v28 =	vadd.s32 v21, v22  }
0xb5: {  	v30 =	vld [tilespmem:s2+$0x4080];
	v21 =	vmul.u32 v0, v21;
	v22 =	vmul.u32 v1, v22;
	v28 =	vadd.s32 v23, v28  }
0xb6: {  	v31 =	vld [tilespmem:s2+$0x4490];
	v23 =	vmul.u32 v2, v23;
	v28 =	vadd.s32 v24, v28  }
0xb7: {  	v58 =	vld [tilespmem:s2+$0x48A0];
	v21 =	vadd.s32 v21, v22;
	v22 =	vmul.u32 v3, v24;
	v28 =	vadd.s32 v25, v28  }
0xb8: {  	v21 =	vadd.s32 v23, v21;
	v23 =	vmul.u32 v4, v25;
	v25 =	vld [tilespmem:s2+$0x50C0];
	v24 =	vadd.s32 v26, v28  }
0xb9: {  	v28 =	vld [tilespmem:s2+$0x4CB0];
	v21 =	vadd.s32 v22, v21;
	v22 =	vmul.u32 v5, v26;
	v24 =	vadd.s32 v27, v24  }
0xba: {  	v26 =	vld [tilespmem:s2+$0x54D0];
	v21 =	vadd.s32 v23, v21;
	v23 =	vmul.u32 v6, v27;
	v24 =	vadd.s32 v29, v24  }
0xbb: {  	v27 =	vld [tilespmem:s2+$0x58E0];
	v21 =	vadd.s32 v22, v21;
	v22 =	vmul.u32 v7, v29;
	v24 =	vadd.s32 v30, v24  }
0xbc: {  	s0 =	simm.s32 $0x10;
	v29 =	vld [tilespmem:s2+$0x5CF0];
	v21 =	vadd.s32 v23, v21;
	v23 =	vmul.u32 v8, v30;
	v24 =	vadd.s32 v31, v24  }
0xbd: {  	v30 =	vld [tilespmem:s0+$0x2000];
	v31 =	vmul.u32 v9, v31;
	v21 =	vadd.s32 v22, v21;
	v24 =	vadd.s32 v58, v24  }
0xbe: {  	v32 =	vmul.u32 v10, v58;
	v21 =	vadd.s32 v23, v21;
	v23 =	vld [tilespmem:s0+$0x2820];
	v22 =	vadd.s32 v28, v24  }
0xbf: {  	v24 =	vld [tilespmem:s0+$0x2410];
	v28 =	vmul.u32 v11, v28;
	v21 =	vadd.s32 v31, v21;
	v22 =	vadd.s32 v25, v22  }
0xc0: {  	v31 =	vld [tilespmem:s0+$0x2C30];
	v25 =	vmul.u32 v12, v25;
	v21 =	vadd.s32 v32, v21;
	v22 =	vadd.s32 v26, v22  }
0xc1: {  	v26 =	vmul.u32 v13, v26;
	v28 =	vadd.s32 v28, v21;
	v22 =	vadd.s32 v27, v22  }
0xc2: {  	v59 =	vld [tilespmem:s0+$0x3040];
	v25 =	vadd.s32 v25, v28;
	v21 =	vadd.s32 v29, v22;
	v22 =	vmul.u32 v14, v27  }
0xc3: {  	v29 =	vld [tilespmem:s0+$0x3450];
	v27 =	vmul.u32 v0, v30;
	v25 =	vadd.s32 v26, v25;
	(xrf0) =	vadd.scan.msk.s32 $0xffff, v21  }
0xc4: {  	v28 =	vld [tilespmem:s0+$0x3860];
	v26 =	vadd.s32 v30, v24;
	v24 =	vmul.u32 v1, v24;
	v22 =	vadd.s32 v22, v25  }
0xc5: {  	v30 =	vld [tilespmem:s0+$0x3C70];
	[tilespmem:s2+$0x6510] =	vst v21;
	v25 =	vadd.s32 v23, v26;
	v23 =	vmul.u32 v2, v23;
	v26 =	vmul.u32 v3, v31  }
0xc6: {  	vm15 =	vcmask $0x3F18;
	v24 =	vadd.s32 v27, v24;
	v25 =	vadd.s32 v31, v25;
	v27 =	vld [tilespmem:s0+$0x4080]  }
0xc7: {  	v31 =	vld [tilespmem:s0+$0x4490];
	v23 =	vadd.s32 v23, v24;
	v24 =	vadd.s32 v59, v25;
	v25 =	vmul.u32 v4, v59  }
0xc8: {  	v60 =	vld [tilespmem:s0+$0x48A0];
	v23 =	vadd.s32 v26, v23;
	v24 =	vadd.s32 v29, v24;
	v29 =	vmul.u32 v5, v29  }
0xc9: {  	v61 =	vld [tilespmem:s0+$0x4CB0];
	v23 =	vadd.s32 v25, v23;
	v24 =	vadd.s32 v28, v24;
	v28 =	vmul.u32 v6, v28;
	v26, _, _ =	vpop (xrf0)  }
0xca: {  	v25 =	vld [tilespmem:s0+$0x50C0];
	v23 =	vadd.s32 v29, v23;
	v24 =	vadd.s32 v30, v24;
	(v2sf) =	vpush v26, $0xF  }
0xcb: {  	v29 =	vmul.u32 v7, v30;
	v28 =	vadd.s32 v28, v23;
	v24 =	vadd.s32 v27, v24;
	v23 =	vld [tilespmem:s0+$0x54D0]  }
0xcc: {  	v62 =	vmul.u32 v8, v27;
	v30 =	vmul.u32 v9, v31;
	v27 =	vadd.s32 v31, v24;
	v24 =	vld [tilespmem:s0+$0x58E0]  }
0xcd: {  	s7 =	simm.s32 $0x20;
	v28 =	vadd.s32 v29, v28;
	v29 =	vmul.u32 v10, v60;
	v31 =	vld [tilespmem:s0+$0x5CF0];
	v63 =	vadd.s32 v60, v27  }
0xce: {  	s6 =	simm.s32 $0x0;
	s4 =	simm.s32 $0xC0;
	v27 =	vld [tilespmem:s7+$0x2000];
	v32 =	vadd.s32 v62, v28;
	v28 =	vmul.u32 v11, v61;
	v33 =	vadd.s32 v61, v63  }
.LBB2_6:
0xcf: {  	p1 =	sne.s32 s4, $0x1000;
	v34 =	vld [tilespmem:s7+$0x2410];
	v30 =	vadd.s32 v30, v32;
	v32 =	vadd.s32 v25, v33;
	v25 =	vmul.u32 v12, v25  }
0xd0: {  	v33 =	vld [tilespmem:s7+$0x2820];
	v29 =	vadd.s32 v29, v30;
	v30 =	vadd.s32 v23, v32;
	v23 =	vmul.u32 v13, v23  }
0xd1: {  	v32 =	vld [tilespmem:s7+$0x2C30];
	v28 =	vadd.s32 v28, v29;
	v29 =	vadd.s32 v24, v30;
	v24 =	vmul.u32 v14, v24  }
0xd2: {  	v26 =	vsub.s32 v26, v21;
	v30 =	vld [tilespmem:s7+$0x3040];
	v25 =	vadd.s32 v25, v28;
	v21 =	vadd.s32 v31, v29  }
0xd3: {  	v28 =	vmul.u32 v0, v27;
	v29 =	vld [tilespmem:s7+$0x3450];
	v23 =	vadd.s32 v23, v25;
	(xrf0) =	vadd.scan.msk.s32 $0xffff, v21;
	v25 =	vadd.s32 s6, v26  }
0xd4: {  	v26 =	vadd.s32 v27, v34;
	v27 =	vmul.u32 v1, v34;
	v31 =	vld [tilespmem:s7+$0x3860];
	v23 =	vadd.s32 v24, v23;
	[tilespmem:s2+$0x6920] =	vst v25  }
0xd5: {  	v34 =	vadd.s32 v25, v22;
	v24 =	vadd.s32 v33, v26;
	v26 =	vmul.u32 v2, v33;
	v33 =	vld [tilespmem:s7+$0x3C70];
	[tilespmem:s0+$0x6510] =	vst v21  }
0xd6: {  	v25 =	vadd.s32 v28, v27;
	v24 =	vadd.s32 v32, v24;
	v27 =	vmul.u32 v3, v32;
	v28 =	vld [tilespmem:s7+$0x4080];
	[tilespmem:s2+$0x6100] =	vst v34;
	s2 =	smov.u32 s0;
	s0 =	smov.u32 s7  }
0xd7: {  	v22 =	vmovc v23;
	v25 =	vadd.s32 v26, v25;
	v24 =	vadd.s32 v30, v24;
	v32 =	vmul.u32 v4, v30;
	v30 =	vld [tilespmem:s0+$0x4490]  }
0xd8: {  	v23 =	vadd.s32 v27, v25;
	v24 =	vadd.s32 v29, v24;
	v25 =	vmul.u32 v5, v29;
	v27 =	vld [tilespmem:s0+$0x48A0]  }
0xd9: {  	v23 =	vadd.s32 v32, v23;
	v24 =	vadd.s32 v31, v24;
	v29 =	vmul.u32 v6, v31;
	v34 =	vld [tilespmem:s0+$0x4CB0];
	v26, _, _ =	vpop (xrf0);
	s7 =	spop (v2sf)  }
.Ltmp4:
0xda: {  	v23 =	vadd.s32 v25, v23;
	v24 =	vadd.s32 v33, v24;
	v25 =	vld [tilespmem:s0+$0x50C0];
	(v2sf) =	vpush v26, $0xF;
	s6 =	sadd.s32 s6, s7;
	(pc) =	sbr.rel @p1 .LBB2_6-.Ltmp4, $4  }
0xdb: {  	v31 =	vmul.u32 v7, v33;
	v29 =	vadd.s32 v29, v23;
	v24 =	vadd.s32 v28, v24;
	v23 =	vld [tilespmem:s0+$0x54D0]  }
0xdc: {  	v28 =	vmul.u32 v8, v28;
	v32 =	vadd.s32 v30, v24;
	v30 =	vmul.u32 v9, v30;
	v24 =	vld [tilespmem:s0+$0x58E0]  }
0xdd: {  	s7 =	sshra.s32 s4, $0x2;
	v33 =	vadd.s32 v31, v29;
	v35 =	vadd.s32 v27, v32;
	v29 =	vmul.u32 v10, v27;
	v31 =	vld [tilespmem:s0+$0x5CF0]  }
0xde: {  	s4 =	sadd.s32 $0x40, s4;
	v32 =	vadd.s32 v28, v33;
	v27 =	vld [tilespmem:s7+$0x2000];
	v33 =	vadd.s32 v34, v35;
	v28 =	vmul.u32 v11, v34  }
0xdf: {  	v34 =	vld [tilespmem:s7+$0x2410];
	v33 =	vadd.s32 v25, v33  }
0xe0: {  	v35 =	vld [tilespmem:s7+$0x2820];
	v33 =	vadd.s32 v23, v33  }
0xe1: {  	v36 =	vld [tilespmem:s7+$0x2C30];
	v33 =	vadd.s32 v24, v33  }
0xe2: {  	v37 =	vld [tilespmem:s7+$0x3040];
	v21 =	vsub.s32 v26, v21;
	v31 =	vadd.s32 v31, v33  }
0xe3: {  	v60 =	vld [tilespmem:s7+$0x3450];
	v21 =	vadd.s32 s6, v21;
	(xrf0) =	vadd.scan.msk.s32 $0xffff, v31  }
0xe4: {  	v38 =	vld [tilespmem:s7+$0x3860];
	[tilespmem:s2+$0x6920] =	vst v21;
	v39 =	vadd.s32 v27, v34  }
0xe5: {  	v21 =	vadd.s32 v21, v22;
	v61 =	vld [tilespmem:s7+$0x3C70];
	[tilespmem:s0+$0x6510] =	vst v31;
	v39 =	vadd.s32 v35, v39  }
0xe6: {  	v22 =	vld [tilespmem:s7+$0x4080];
	[tilespmem:s2+$0x6100] =	vst v21;
	v39 =	vadd.s32 v36, v39  }
0xe7: {  	v62 =	vld [tilespmem:s7+$0x4490];
	v21 =	vadd.s32 v37, v39  }
0xe8: {  	v40 =	vld [tilespmem:s7+$0x48A0];
	v21 =	vadd.s32 v60, v21  }
0xe9: {  	v41 =	vld [tilespmem:s7+$0x4CB0];
	v21 =	vadd.s32 v38, v21;
	v42, _, _ =	vpop (xrf0)  }
0xea: {  	v30 =	vadd.s32 v30, v32;
	v63 =	vld [tilespmem:s7+$0x50C0];
	v21 =	vadd.s32 v61, v21;
	(v2sf) =	vpush v42, $0xF  }
0xeb: {  	v51 =	vmul.u32 v12, v25;
	v29 =	vadd.s32 v29, v30;
	v43 =	vld [tilespmem:s7+$0x54D0];
	v21 =	vadd.s32 v22, v21  }
0xec: {  	v45 =	vmul.u32 v0, v27;
	v34 =	vmul.u32 v1, v34;
	v47 =	vld [tilespmem:s7+$0x58E0];
	v21 =	vadd.s32 v62, v21  }
0xed: {  	v23 =	vmul.u32 v13, v23;
	v46 =	vmul.u32 v2, v35;
	v49 =	vld [tilespmem:s7+$0x5CF0];
	v21 =	vadd.s32 v40, v21  }
0xee: {  	v48 =	vmul.u32 v3, v36;
	v27 =	vadd.s32 v45, v34;
	v21 =	vadd.s32 v41, v21  }
0xef: {  	v50 =	vmul.u32 v4, v37;
	v27 =	vadd.s32 v46, v27;
	v21 =	vadd.s32 v63, v21  }
0xf0: {  	v26 =	vmul.u32 v5, v60;
	v27 =	vadd.s32 v48, v27;
	v21 =	vadd.s32 v43, v21  }
0xf1: {  	v52 =	vmul.u32 v6, v38;
	v27 =	vadd.s32 v50, v27;
	v21 =	vadd.s32 v47, v21  }
0xf2: {  	v53 =	vmul.u32 v7, v61;
	v26 =	vadd.s32 v26, v27;
	v21 =	vadd.s32 v49, v21  }
0xf3: {  	v28 =	vadd.s32 v28, v29;
	v26 =	vadd.s32 v52, v26;
	v22 =	vmul.u32 v8, v22;
	(xrf0) =	vadd.scan.msk.s32 $0xffff, v21  }
0xf4: {  	v55 =	vmul.u32 v14, v24;
	v54 =	vmul.u32 v9, v62;
	v26 =	vadd.s32 v53, v26  }
0xf5: {  	v25 =	vadd.s32 v51, v28;
	v56 =	vmul.u32 v10, v40;
	v22 =	vadd.s32 v22, v26  }
0xf6: {  	v23 =	vadd.s32 v23, v25;
	s18 =	spop (v2sf);
	v57 =	vmul.u32 v11, v41;
	v22 =	vadd.s32 v54, v22  }
0xf7: {  	s2 =	sadd.s32 s6, s18;
	v58 =	vmul.u32 v12, v63;
	v59 =	vsub.s32 v42, v31;
	v22 =	vadd.s32 v56, v22  }
0xf8: {  	v60 =	vmul.u32 v13, v43;
	v61 =	vadd.s32 s2, v59;
	v22 =	vadd.s32 v57, v22  }
0xf9: {  	v23 =	vadd.s32 v55, v23;
	v62 =	vmul.u32 v14, v47;
	[tilespmem:s0+$0x6920] =	vst v61;
	v22 =	vadd.s32 v58, v22;
	v63, _, _ =	vpop (xrf0);
	s4 =	spop (v2sf)  }
0xfa: {  	v23 =	vadd.s32 v61, v23;
	v22 =	vadd.s32 v60, v22;
	[tilespmem:s7+$0x6510] =	vst v21;
	s2 =	sadd.s32 s2, s4;
	v21 =	vsub.s32 v63, v21  }
0xfb: {  	v22 =	vadd.s32 v62, v22;
	[tilespmem:s0+$0x6100] =	vst v23;
	v21 =	vadd.s32 s2, v21  }
0xfc: {  	[tilespmem:s7+$0x6920] =	vst v21;
	v21 =	vadd.s32 v21, v22  }
0xfd: {  	[tilespmem:s7+$0x6100] =	vst v21;
	v21 =	vimm.s32 @!p0 $0x0  }
0xfe: {  	[tilespmem:$0x7130] =	vst @!p0 v21  }
0xff: {  	[tilespmem:$0x7140] =	vst @!p0 v21  }
0x100: {  	[tilespmem:$0x7150] =	vst @!p0 v21  }
0x101: {  	[tilespmem:$0x7160] =	vst @!p0 v21  }
0x102: {  	[tilespmem:$0x7170] =	vst @!p0 v21  }
0x103: {  	[tilespmem:$0x7180] =	vst @!p0 v21  }
0x104: {  	[tilespmem:$0x7190] =	vst @!p0 v21  }
0x105: {  	[tilespmem:$0x71A0] =	vst @!p0 v21  }
0x106: {  	[tilespmem:$0x71B0] =	vst @!p0 v21  }
0x107: {  	[tilespmem:$0x71C0] =	vst @!p0 v21  }
0x108: {  	[tilespmem:$0x71D0] =	vst @!p0 v21  }
0x109: {  	[tilespmem:$0x71E0] =	vst @!p0 v21  }
0x10a: {  	[tilespmem:$0x71F0] =	vst @!p0 v21  }
0x10b: {  	[tilespmem:$0x7200] =	vst @!p0 v21  }
0x10c: {  	[tilespmem:$0x7210] =	vst @!p0 v21  }
0x10d: {  	[tilespmem:$0x7220] =	vst @!p0 v21  }
0x10e: {  	[tilespmem:$0x7230] =	vst @!p0 v21  }
0x10f: {  	[tilespmem:$0x7240] =	vst @!p0 v21  }
0x110: {  	[tilespmem:$0x7250] =	vst @!p0 v21  }
0x111: {  	[tilespmem:$0x7260] =	vst @!p0 v21  }
0x112: {  	[tilespmem:$0x7270] =	vst @!p0 v21  }
0x113: {  	[tilespmem:$0x7280] =	vst @!p0 v21  }
0x114: {  	[tilespmem:$0x7290] =	vst @!p0 v21  }
0x115: {  	[tilespmem:$0x72A0] =	vst @!p0 v21  }
0x116: {  	[tilespmem:$0x72B0] =	vst @!p0 v21  }
0x117: {  	[tilespmem:$0x72C0] =	vst @!p0 v21  }
0x118: {  	[tilespmem:$0x72D0] =	vst @!p0 v21  }
0x119: {  	[tilespmem:$0x72E0] =	vst @!p0 v21  }
0x11a: {  	[tilespmem:$0x72F0] =	vst @!p0 v21  }
0x11b: {  	[tilespmem:$0x7300] =	vst @!p0 v21  }
0x11c: {  	(v2sf) =	vpush v63, $0xF;
	[tilespmem:$0x7310] =	vst @!p0 v21  }
0x11d: {  	[tilespmem:$0x7320] =	vst @!p0 v21  }
0x11e: {  	[tilespmem:$0x7330] =	vst @!p0 v21  }
0x11f: {  	[tilespmem:$0x7340] =	vst @!p0 v21  }
0x120: {  	[tilespmem:$0x7350] =	vst @!p0 v21  }
0x121: {  	[tilespmem:$0x7360] =	vst @!p0 v21  }
0x122: {  	[tilespmem:$0x7370] =	vst @!p0 v21  }
0x123: {  	[tilespmem:$0x7380] =	vst @!p0 v21  }
0x124: {  	[tilespmem:$0x7390] =	vst @!p0 v21  }
0x125: {  	[tilespmem:$0x73A0] =	vst @!p0 v21  }
0x126: {  	[tilespmem:$0x73B0] =	vst @!p0 v21  }
0x127: {  	[tilespmem:$0x73C0] =	vst @!p0 v21  }
0x128: {  	[tilespmem:$0x73D0] =	vst @!p0 v21  }
0x129: {  	s0 =	simm.s32 @!p0 $0x7130;
	s2 =	rddreg [dreg:$0xd];
	[tilespmem:$0x73E0] =	vst @!p0 v21  }
0x12a: {  	[spmem:s2] =	stream.linear.scatter @!p0 [tilespmem:s0], [sflag:$0x2], $0x2C0, $0x38;
	[tilespmem:$0x12FD0] =	vst v63  }
0x12b: {  	s0 =	simm.s32 @!p0 $0x2;
	s31 =	spop (v2sf)  }
0x12c: {  	_ =	swait.ge @!p0 [sflag:s0], $0x2C0  }
0x12d: {  	s30 =	simm.s32 $0x0;
	[sflag:s0] =	ssyncset.done @!p0 $0x0  }
0x12e: {  	s7 =	rddreg [dreg:$0x8];
	[sflag:s0] =	ssyncadd.s32 @!p0 $0xFFFFFD40;
	s0 =	simm.s32 $0x0  }
.LBB2_8:
0x12f: {  	s2 =	simm.s32 $0x7130;
	s18 =	simm.s32 $0x6D30  }
0x130: {  	s10 =	smov.u32 s30;
	s31 =	smov.u32 s7;
	s13 =	simm.s32 $0x0;
	vm13 =	vmmov vm15;
	vm14 =	vcmask $0x3F20;
	vm11 =	vcmask $0x3F24  }
.LBB2_9:
0x131: {  	v26 =	vmov s10;
	_ =	sdelay $0x3  }
0x132: {  	s15 =	simm.s32 $0x0  }
0x133: {  	v24 =	vld.idx.msk [tilespmem:v26+s15+$0x0 ss:$0x1], $0xffff;
	_ =	sdelay $0x4  }
0x134: {  	v25 =	vshrl.u32 v24, $0x8  }
0x135: {  	v22 =	vmov s18;
	v28 =	vbroadcast v25, $0x0  }
0x136: {  	v21 =	vmov s2;
	v27 =	vbroadcast v25, $0xF;
	v29 =	vbroadcast v25, $0x2  }
0x137: {  	v23 =	vmov s31;
	v30 =	vbroadcast v25, $0xE;
	v31 =	vbroadcast v25, $0x3  }
0x138: {  	v23 =	vshll.u32 v23, $0x8;
	v34 =	vbroadcast v25, $0x4;
	v37 =	vbroadcast v25, $0x1  }
0x139: {  	v24 =	vand.u32 $0xFF, v24;
	v40 =	vbroadcast v25, $0x9;
	v42 =	vbroadcast v25, $0x8  }
0x13a: {  	v43 =	vbroadcast v25, $0x7;
	v56 =	vbroadcast v25, $0x5;
	vm0 =	veq.s32 v25, v28  }
0x13b: {  	v28 =	vbroadcast v25, $0xD;
	vm15 =	veq.s32 v25, v30;
	v30 =	vbroadcast v25, $0x6  }
0x13c: {  	vm3 =	veq.s32 v25, v31;
	v31 =	vbroadcast v25, $0xC;
	vm4 =	vne.s32 v25, v37  }
0x13d: {  	vm5 =	veq.s32 v25, v34;
	vm1 =	vmand vm0, vm6;
	v32 =	vsel vm0, $0x1, v15  }
0x13e: {  	v38 =	vsel vm3, $0x1, v15;
	v39 =	vsel vm5, $0x1, v15;
	vm5 =	vmand vm5, vm10  }
0x13f: {  	v41 =	vsel vm4, $0xFFFFFFFF, v15;
	v33 =	vsel vm1, $0x1, v15;
	vm0 =	veq.s32 v25, v28  }
0x140: {  	vm1 =	veq.s32 v25, v29;
	v28 =	vsel vm15, $0x1, v15;
	v32 =	vadd.s32 v32, v41  }
0x141: {  	v55 =	vsel vm5, $0x1, v15;
	vm5 =	veq.s32 v25, v40;
	vm2 =	vmand vm1, vm8  }
0x142: {  	v36 =	vsel vm1, $0x1, v15;
	v29 =	vsel vm0, $0x1, v15;
	v35 =	vsel vm2, $0x1, v15  }
0x143: {  	vm2 =	vmand vm3, vm9;
	vm3 =	veq.s32 v25, v30;
	v30 =	vbroadcast v25, $0xB  }
0x144: {  	vm1 =	veq.s32 v25, v31;
	v32 =	vadd.s32 v36, v32;
	v53 =	vsel vm2, $0x1, v15  }
0x145: {  	vm4 =	vmand vm3, vm12;
	vm2 =	veq.s32 v25, v30;
	v30 =	vimm.s32 $0x0  }
0x146: {  	v54 =	vsel vm3, $0x1, v15;
	vm3 =	veq.s32 v25, v37;
	v30 =	vsel vm4, $0xFFFFFFFF, v30  }
0x147: {  	v31 =	vbroadcast v25, $0xA;
	v32 =	vadd.s32 v38, v32;
	vm3 =	vmand vm3, vm7;
	[tilespmem:$0x1FFC0] =	vst v30  }
0x148: {  	v38 =	vadd.s32 v39, v32;
	vm4 =	veq.s32 v25, v43;
	v57 =	vsel vm3, $0x1, v15;
	v59 =	vld [tilespmem:$0x1FFC0]  }
0x149: {  	vm3 =	veq.s32 v25, v56;
	v30 =	vsel vm2, $0x1, v15;
	v43 =	vsel vm4, $0x1, v15  }
0x14a: {  	vm4 =	vmand vm4, vm14;
	v37 =	vsel vm3, $0x1, v15;
	vm3 =	vmand vm3, vm13  }
0x14b: {  	vm13 =	vcmask $0x3F28;
	v32 =	vsel vm4, $0x1, v15;
	v58 =	vsel vm3, $0x1, v15  }
0x14c: {  	vm4 =	veq.s32 v25, v31;
	v31 =	vadd.s32 v57, v33;
	v61 =	vadd.s32 v37, v38  }
0x14d: {  	v35 =	vadd.s32 v35, v31;
	v31 =	vsel vm5, $0x1, v15;
	vm3 =	vnez.u8 v59  }
0x14e: {  	vm5 =	vmand vm5, vm13;
	v60 =	vsel vm3, $0x1, v15;
	vm3 =	vcmask $0x3F2C  }
0x14f: {  	v34 =	vadd.s32 v53, v35;
	v35 =	vadd.s32 v54, v61;
	vm3 =	vmand vm4, vm3  }
0x150: {  	v34 =	vadd.s32 v55, v34;
	v33 =	vsel vm3, $0x1, v15;
	vm3 =	veq.s32 v25, v42  }
0x151: {  	v63 =	vadd.s32 v43, v35;
	v34 =	vadd.s32 v58, v34;
	v62 =	vsel vm3, $0x1, v15  }
0x152: {  	s6 =	simm.s32 $0x40;
	s11 =	smov.u32 s31;
	v35 =	vadd.s32 v60, v34;
	vm3 =	vmand vm3, vm11;
	v34 =	vadd.s32 v62, v63  }
.LBB2_10:
0x153: {  	v36 =	vsel vm5, $0x1, v15  }
0x154: {  	p1 =	sne.s32 s6, $0x1C0;
	v37 =	vsel vm4, $0x1, v15;
	vm4 =	vcmask $0x3F30;
	v32 =	vadd.s32 v32, v35  }
0x155: {  	s11 =	sadd.s32 $0x10, s11;
	s4 =	smov.u32 s6;
	s6 =	sadd.s32 $0x40, s6;
	v35 =	vsel vm3, $0x1, v15;
	vm3 =	vcmask $0x3F38;
	vm2 =	vmand vm2, vm4  }
0x156: {  	v31 =	vadd.s32 v31, v34;
	v34 =	vsel vm1, $0x1, v15;
	vm0 =	vmand vm0, vm3  }
0x157: {  	v32 =	vadd.s32 v35, v32;
	v31 =	vadd.s32 v37, v31;
	v35 =	vsel vm2, $0x1, v15  }
0x158: {  	v32 =	vadd.s32 v36, v32;
	vm2 =	vcmask $0x3F34;
	v30 =	vadd.s32 v30, v31  }
0x159: {  	v32 =	vadd.s32 v33, v32;
	vm1 =	vmand vm1, vm2;
	v30 =	vadd.s32 v34, v30  }
0x15a: {  	v31 =	vadd.s32 v35, v32;
	v32 =	vsel vm0, $0x1, v15;
	vm0 =	vcmask $0x3F3C  }
0x15b: {  	v33 =	vsel vm1, $0x1, v15;
	v29 =	vadd.s32 v29, v30;
	vm0 =	vmand vm15, vm0  }
0x15c: {  	vm1 =	veq.s32 v25, v27;
	v30 =	vadd.s32 v33, v31;
	v27 =	vadd.s32 v28, v29;
	v28 =	vld.idx.msk [tilespmem:v25+s17+$0x0], $0xffff  }
0x15d: {  	v31 =	vsel vm1, $0x1, v15;
	v29 =	vadd.s32 v32, v30;
	v30 =	vsel vm0, $0x1, v15  }
0x15e: {  	v32 =	vmov s11;
	v27 =	vadd.s32 v31, v27;
	v29 =	vadd.s32 v30, v29  }
0x15f: {  	v30 =	vshll.u32 v32, $0x8;
	vm0 =	veq.s32 v29, v27;
	_ =	sdelay $0x2  }
0x160: {  	v27 =	vadd.s32 v28, v29;
	_ =	sdelay $0x1  }
0x161: {  	v28 =	vadd.s32 $0x1, v27  }
0x162: {  	[tilespmem:v25+s17+$0x0] =	vst.idx.msk vm0, v28;
	v25 =	vor.u32 v17, v23;
	v23 =	vmov v30  }
0x163: {  	[tilespmem:v22+s15+$0x0 ss:$0x1] =	vst.idx.msk $0xffff, v27;
	v24 =	vor.u32 v25, v24  }
0x164: {  	[tilespmem:v21+s15+$0x0 ss:$0x1] =	vst.idx.msk $0xffff, v24;
	s15 =	sshra.s32 s4, $0x2  }
0x165: {  	v24 =	vld.idx.msk [tilespmem:v26+s15+$0x0 ss:$0x1], $0xffff;
	_ =	sdelay $0x4  }
0x166: {  	v25 =	vshrl.u32 v24, $0x8  }
0x167: {  	v28 =	vbroadcast v25, $0x0  }
0x168: {  	vm14 =	vmmov vm12;
	v27 =	vbroadcast v25, $0xF;
	v29 =	vbroadcast v25, $0x2  }
0x169: {  	vm11 =	vmmov vm9;
	v30 =	vbroadcast v25, $0xE;
	v31 =	vbroadcast v25, $0x3  }
0x16a: {  	vm13 =	vcmask $0x3F20;
	v34 =	vbroadcast v25, $0x4;
	v37 =	vbroadcast v25, $0x1  }
0x16b: {  	v24 =	vand.u32 $0xFF, v24;
	v40 =	vbroadcast v25, $0x9;
	v42 =	vbroadcast v25, $0x8  }
0x16c: {  	v43 =	vbroadcast v25, $0x7;
	vm0 =	veq.s32 v25, v28;
	v28 =	vbroadcast v25, $0xD  }
0x16d: {  	vm15 =	veq.s32 v25, v30;
	v30 =	vbroadcast v25, $0x6;
	vm3 =	veq.s32 v25, v31  }
0x16e: {  	v31 =	vbroadcast v25, $0xC;
	vm4 =	vne.s32 v25, v37;
	vm5 =	veq.s32 v25, v34  }
0x16f: {  	v34 =	vbroadcast v25, $0xA;
	vm1 =	vmand vm0, vm6;
	v32 =	vsel vm0, $0x1, v15  }
0x170: {  	v38 =	vsel vm3, $0x1, v15;
	v41 =	vsel vm4, $0xFFFFFFFF, v15;
	v33 =	vsel vm1, $0x1, v15  }
0x171: {  	vm0 =	veq.s32 v25, v28;
	vm1 =	veq.s32 v25, v29;
	v28 =	vsel vm15, $0x1, v15  }
0x172: {  	v32 =	vadd.s32 v32, v41;
	vm2 =	vmand vm1, vm8;
	v36 =	vsel vm1, $0x1, v15  }
0x173: {  	v29 =	vsel vm0, $0x1, v15;
	vm1 =	veq.s32 v25, v31;
	v31 =	vsel vm5, $0x1, v15  }
0x174: {  	vm5 =	vmand vm5, vm10;
	v35 =	vsel vm2, $0x1, v15;
	vm2 =	vmand vm3, vm9  }
0x175: {  	vm3 =	veq.s32 v25, v30;
	v30 =	vbroadcast v25, $0xB;
	v32 =	vadd.s32 v36, v32  }
0x176: {  	v36 =	vsel vm5, $0x1, v15;
	vm5 =	veq.s32 v25, v40;
	vm9 =	vmmov vm7  }
0x177: {  	v39 =	vsel vm2, $0x1, v15;
	vm4 =	vmand vm3, vm12;
	v41 =	vsel vm3, $0x1, v15  }
0x178: {  	v32 =	vadd.s32 v38, v32;
	vm3 =	veq.s32 v25, v37;
	vm12 =	vmmov vm10  }
0x179: {  	vm10 =	vmmov vm8;
	vm8 =	vmmov vm6;
	vm2 =	veq.s32 v25, v30  }
0x17a: {  	vm6 =	veq.s32 v25, v43;
	v37 =	vadd.s32 v31, v32;
	v30 =	vsel vm2, $0x1, v15  }
0x17b: {  	vm3 =	vmand vm3, vm7;
	v32 =	vbroadcast v25, $0x5;
	v40 =	vsel vm6, $0x1, v15  }
0x17c: {  	v31 =	vsel vm5, $0x1, v15;
	vm6 =	vmand vm6, vm13;
	v38 =	vsel vm3, $0x1, v15  }
0x17d: {  	vm13 =	vcmask $0x3F24;
	vm3 =	veq.s32 v25, v42;
	v33 =	vadd.s32 v38, v33  }
0x17e: {  	vm7 =	veq.s32 v25, v32;
	v38 =	vsel vm3, $0x1, v15;
	vm3 =	vmand vm3, vm13  }
0x17f: {  	vm13 =	vcmask $0x3F18;
	v32 =	vadd.s32 v35, v33;
	v33 =	vsel vm7, $0x1, v15  }
0x180: {  	vm7 =	vmand vm7, vm13;
	v32 =	vadd.s32 v39, v32;
	v39 =	vsel vm4, $0x1, v15  }
0x181: {  	v33 =	vadd.s32 v33, v37;
	vm4 =	veq.s32 v25, v34;
	v35 =	vadd.s32 v36, v32  }
0x182: {  	v32 =	vsel vm6, $0x1, v15;
	v36 =	vsel vm7, $0x1, v15;
	vm7 =	vmmov vm9  }
.Ltmp5:
0x183: {  	vm9 =	vmmov vm11;
	v33 =	vadd.s32 v41, v33;
	vm6 =	vcmask $0x3F2C;
	(pc) =	sbr.rel @p1 .LBB2_10-.Ltmp5, $4  }
0x184: {  	vm11 =	vcmask $0x3F28;
	v35 =	vadd.s32 v36, v35;
	vm6 =	vmand vm4, vm6  }
0x185: {  	v34 =	vadd.s32 v40, v33;
	vm5 =	vmand vm5, vm11;
	v35 =	vadd.s32 v39, v35  }
0x186: {  	v33 =	vsel vm6, $0x1, v15;
	vm6 =	vmmov vm8;
	vm8 =	vmmov vm10  }
0x187: {  	vm10 =	vmmov vm12;
	vm12 =	vmmov vm14;
	v34 =	vadd.s32 v38, v34  }
0x188: {  	v26 =	vsel vm5, $0x1, v15  }
0x189: {  	v36 =	vsel vm4, $0x1, v15;
	vm4 =	vcmask $0x3F30;
	v32 =	vadd.s32 v32, v35  }
0x18a: {  	v54 =	vsel vm3, $0x1, v15;
	vm3 =	vcmask $0x3F38;
	v31 =	vadd.s32 v31, v34  }
0x18b: {  	v56 =	vsel vm1, $0x1, v15;
	vm2 =	vmand vm2, vm4;
	vm0 =	vmand vm0, vm3  }
0x18c: {  	v32 =	vadd.s32 v54, v32;
	v31 =	vadd.s32 v36, v31;
	v55 =	vsel vm2, $0x1, v15  }
0x18d: {  	v26 =	vadd.s32 v26, v32;
	vm2 =	vcmask $0x3F34;
	v30 =	vadd.s32 v30, v31  }
0x18e: {  	v57 =	vsel vm0, $0x1, v15;
	vm0 =	vcmask $0x3F3C;
	v26 =	vadd.s32 v33, v26  }
0x18f: {  	vm1 =	vmand vm1, vm2;
	v30 =	vadd.s32 v56, v30;
	vm0 =	vmand vm15, vm0  }
0x190: {  	v26 =	vadd.s32 v55, v26;
	v58 =	vsel vm1, $0x1, v15;
	v29 =	vadd.s32 v29, v30  }
0x191: {  	vm1 =	veq.s32 v25, v27;
	v60 =	vsel vm0, $0x1, v15;
	v26 =	vadd.s32 v58, v26  }
0x192: {  	v59 =	vadd.s32 v28, v29;
	v61 =	vsel vm1, $0x1, v15;
	v26 =	vadd.s32 v57, v26  }
0x193: {  	v62 =	vld.idx.msk [tilespmem:v25+s17+$0x0], $0xffff;
	v27 =	vadd.s32 v61, v59;
	v26 =	vadd.s32 v60, v26  }
0x194: {  	vm0 =	veq.s32 v26, v27;
	_ =	sdelay $0x1  }
0x195: {  	s13 =	sadd.s32 $0x1, s13  }
0x196: {  	p1 =	sne.s32 s13, $0x8  }
.Ltmp6:
0x197: {  	v26 =	vadd.s32 v62, v26;
	(pc) =	sbr.rel @p1 .LBB2_9-.Ltmp6, $4  }
0x198: {  	v63 =	vadd.s32 $0x1, v26  }
0x199: {  	v23 =	vor.u32 v17, v23;
	[tilespmem:v25+s17+$0x0] =	vst.idx.msk vm0, v63  }
0x19a: {  	s31 =	sadd.s32 $0x80, s31;
	[tilespmem:v22+s15+$0x0 ss:$0x1] =	vst.idx.msk $0xffff, v26;
	v22 =	vor.u32 v23, v24  }
0x19b: {  	s2 =	sadd.s32 $0x80, s2;
	s18 =	sadd.s32 $0x80, s18;
	s10 =	sadd.s32 $0x80, s10;
	vm13 =	vcmask $0x3F18;
	vm14 =	vcmask $0x3F20;
	vm11 =	vcmask $0x3F24;
	[tilespmem:v21+s15+$0x0 ss:$0x1] =	vst.idx.msk $0xffff, v22  }
0x19c: {  	[spmem:s3] =	stream.indirect.scatter [tilespmem:s9], [sflag:$0x2], $0x1, s8, s19, $0xb8;
	[tilespmem:$0x12FD0] =	vst v63  }
0x19d: {  	_ =	swait.ge [sflag:s16], $0x80  }
0x19e: {  	[sflag:s16] =	ssyncset.done $0x0  }
0x19f: {  	s2 =	simm.s32 $0x6DB0;
	s4 =	simm.s32 $0x71B0;
	[sflag:s16] =	ssyncadd.s32 $0xFFFFFF80  }
0x1a0: {  	[spmem:s3] =	stream.indirect.scatter [tilespmem:s4], [sflag:$0x2], $0x1, s2, s19, $0xb8;
	[tilespmem:$0x12FD0] =	vst v63  }
0x1a1: {  	_ =	swait.ge [sflag:s16], $0x80  }
0x1a2: {  	[sflag:s16] =	ssyncset.done $0x0  }
0x1a3: {  	s13 =	simm.s32 $0x6E30;
	s15 =	simm.s32 $0x7230;
	[sflag:s16] =	ssyncadd.s32 $0xFFFFFF80  }
0x1a4: {  	[spmem:s3] =	stream.indirect.scatter [tilespmem:s15], [sflag:$0x2], $0x1, s13, s19, $0xb8;
	[tilespmem:$0x12FD0] =	vst v63  }
0x1a5: {  	_ =	swait.ge [sflag:s16], $0x80  }
0x1a6: {  	[sflag:s16] =	ssyncset.done $0x0  }
0x1a7: {  	s18 =	simm.s32 $0x6EB0;
	s31 =	simm.s32 $0x72B0;
	[sflag:s16] =	ssyncadd.s32 $0xFFFFFF80  }
0x1a8: {  	[spmem:s3] =	stream.indirect.scatter [tilespmem:s31], [sflag:$0x2], $0x1, s18, s19, $0xb8;
	[tilespmem:$0x12FD0] =	vst v63  }
0x1a9: {  	_ =	swait.ge [sflag:s16], $0x80  }
0x1aa: {  	[sflag:s16] =	ssyncset.done $0x0  }
0x1ab: {  	s6 =	simm.s32 $0x7330;
	s4 =	simm.s32 $0x6F30;
	[sflag:s16] =	ssyncadd.s32 $0xFFFFFF80  }
0x1ac: {  	[spmem:s3] =	stream.indirect.scatter [tilespmem:s6], [sflag:$0x2], $0x1, s4, s19, $0xb8;
	[tilespmem:$0x12FD0] =	vst v63  }
0x1ad: {  	_ =	swait.ge [sflag:s16], $0x80  }
0x1ae: {  	[sflag:s16] =	ssyncset.done $0x0  }
0x1af: {  	s10 =	simm.s32 $0x6FB0;
	s11 =	simm.s32 $0x73B0;
	[sflag:s16] =	ssyncadd.s32 $0xFFFFFF80  }
0x1b0: {  	[spmem:s3] =	stream.indirect.scatter [tilespmem:s11], [sflag:$0x2], $0x1, s10, s19, $0xb8;
	[tilespmem:$0x12FD0] =	vst v63  }
0x1b1: {  	_ =	swait.ge [sflag:s16], $0x80  }
0x1b2: {  	[sflag:s16] =	ssyncset.done $0x0  }
0x1b3: {  	s13 =	simm.s32 $0x7030;
	s15 =	simm.s32 $0x7430;
	[sflag:s16] =	ssyncadd.s32 $0xFFFFFF80  }
0x1b4: {  	[spmem:s3] =	stream.indirect.scatter [tilespmem:s15], [sflag:$0x2], $0x1, s13, s19, $0xb8;
	[tilespmem:$0x12FD0] =	vst v63  }
0x1b5: {  	s0 =	sadd.s32 $0x1, s0;
	_ =	swait.ge [sflag:s16], $0x80  }
0x1b6: {  	p1 =	sne.s32 s0, $0x8;
	s18 =	simm.s32 $0x70B0;
	[sflag:s16] =	ssyncset.done $0x0  }
.Ltmp7:
0x1b7: {  	s31 =	simm.s32 $0x74B0;
	[sflag:s16] =	ssyncadd.s32 $0xFFFFFF80;
	(pc) =	sbr.rel @p1 .LBB2_8-.Ltmp7, $4  }
0x1b8: {  	[spmem:s3] =	stream.indirect.scatter [tilespmem:s31], [sflag:$0x2], $0x1, s18, s19, $0xb8;
	[tilespmem:$0x12FD0] =	vst v63  }
0x1b9: {  	_ =	swait.ge [sflag:s16], $0x80  }
0x1ba: {  	[sflag:s16] =	ssyncset.done $0x0  }
0x1bb: {  	vm15 =	vmmov vm13;
	s7 =	sadd.s32 $0x400, s7;
	s30 =	sadd.s32 $0x400, s30;
	[sflag:s16] =	ssyncadd.s32 $0xFFFFFF80  }
.Ltmp8:
0x1bc: {  	(pc) =	sbr.rel .LBB2_14-.Ltmp8, $3  }
0x1bd: {  	_ =	sdelay $0x1  }
0x1be: {  	v21 =	vimm.f32 $0.0e+00;
	v25 =	vimm.f32 $0.0e+00;
	[bflag:$0x0] =	sbarrier.arrive $0xFFFF  }
0x1bf: {  	s30 =	simm.s32 $0x0;
	v22 =	vimm.f32 $0.0e+00;
	v23 =	vimm.f32 $0.0e+00;
	v24 =	vimm.f32 $0.0e+00  }
.LBB2_25:
0x1c0: {  	v26 =	vld [tilespmem:$0xB530];
	_ =	sdelay $0x1  }
0x1c1: {  	v27 =	vld [tilespmem:$0xB540];
	_ =	sdelay $0x1  }
0x1c2: {  	v28 =	vld [tilespmem:$0xB550]  }
0x1c3: {  	vm0 =	vgt.s32 v26, $0x0  }
0x1c4: {  	v29 =	vld [tilespmem:$0xB560];
	v26 =	vsel vm0, $0x3F800000, v18  }
0x1c5: {  	vm0 =	vgt.s32 v27, $0x0;
	v25 =	vadd.f32 v26, v25  }
0x1c6: {  	v27 =	vld [tilespmem:$0xB570];
	v26 =	vsel vm0, $0x3F800000, v18  }
0x1c7: {  	vm0 =	vgt.s32 v28, $0x0;
	v25 =	vadd.f32 v26, v25  }
0x1c8: {  	v58 =	vld [tilespmem:$0xB580];
	v26 =	vsel vm0, $0x3F800000, v18  }
0x1c9: {  	vm0 =	vgt.s32 v29, $0x0;
	v25 =	vadd.f32 v26, v25  }
0x1ca: {  	v59 =	vld [tilespmem:$0xB590];
	v26 =	vsel vm0, $0x3F800000, v18  }
0x1cb: {  	vm0 =	vgt.s32 v27, $0x0;
	v25 =	vadd.f32 v26, v25  }
0x1cc: {  	v27 =	vld [tilespmem:$0xB5A0];
	v26 =	vsel vm0, $0x3F800000, v18  }
0x1cd: {  	vm0 =	vgt.s32 v58, $0x0;
	v25 =	vadd.f32 v26, v25  }
0x1ce: {  	v60 =	vld [tilespmem:$0xB5B0];
	v26 =	vsel vm0, $0x3F800000, v18  }
0x1cf: {  	vm0 =	vgt.s32 v59, $0x0;
	v25 =	vadd.f32 v26, v25  }
0x1d0: {  	v61 =	vld [tilespmem:$0xB5C0];
	v26 =	vsel vm0, $0x3F800000, v18  }
0x1d1: {  	vm0 =	vgt.s32 v27, $0x0;
	v27 =	vld [tilespmem:$0xB5D0];
	v25 =	vadd.f32 v26, v25  }
0x1d2: {  	v30 =	vld [tilespmem:$0xB5F0];
	v26 =	vsel vm0, $0x3F800000, v18  }
0x1d3: {  	v62 =	vld [tilespmem:$0xB600];
	vm0 =	vgt.s32 v60, $0x0;
	v25 =	vadd.f32 v26, v25  }
0x1d4: {  	s0 =	sshll.u32 s31, $0x5;
	s2 =	rddreg [dreg:$0x6];
	v28 =	vsel vm0, $0x3F800000, v18;
	v26 =	vld [tilespmem:$0xB5E0]  }
0x1d5: {  	v31 =	vld [tilespmem:$0xB610];
	s4 =	simm.s32 $0x0;
	s0 =	sadd.s32 s2, s0;
	vm0 =	vgt.s32 v61, $0x0;
	v25 =	vadd.f32 v28, v25  }
0x1d6: {  	v29 =	vsel vm0, $0x3F800000, v18;
	vm0 =	vgt.s32 v27, $0x0;
	v27 =	vld [tilespmem:$0xB620];
	[hbm4b:s0+s4] =	stream.linear.scatter [tilespmem:s12], [sflag:$0x2], $0x100, $0x38  }
0x1d7: {  	_ =	swait.ge [sflag:s16], $0x100;
	v25 =	vadd.f32 v29, v25  }
0x1d8: {  	v63 =	vsel vm0, $0x3F800000, v18;
	[sflag:s16] =	ssyncset.done $0x0  }
0x1d9: {  	[sflag:s16] =	ssyncadd.s32 $0xFFFFFF00;
	vm0 =	vgt.s32 v26, $0x0;
	v25 =	vadd.f32 v63, v25  }
0x1da: {  	s13 =	sshll.u32 s31, $0xA;
	s15 =	rddreg [dreg:$0x1];
	v26 =	vsel vm0, $0x3F800000, v18  }
0x1db: {  	s6 =	simm.s32 $0x7530;
	vm0 =	vgt.s32 v30, $0x0;
	s2 =	sadd.s32 s15, s13;
	v25 =	vadd.f32 v26, v25  }
0x1dc: {  	[hbm4b:s2+s4] =	stream.linear.scatter [tilespmem:s6], [sflag:$0x2], $0x2000, $0x38;
	v26 =	vsel vm0, $0x3F800000, v18;
	[tilespmem:$0x12FD0] =	vst v63  }
0x1dd: {  	s31 =	simm.s32 $0x9530;
	s30 =	sadd.s32 $0x1, s30;
	vm0 =	vgt.s32 v62, $0x0;
	_ =	swait.ge [sflag:s16], $0x2000;
	v25 =	vadd.f32 v26, v25  }
0x1de: {  	p1 =	sne.s32 s30, $0x20;
	[sflag:s16] =	ssyncset.done $0x0;
	s18 =	rddreg [dreg:$0x5];
	v26 =	vsel vm0, $0x3F800000, v18  }
.Ltmp9:
0x1df: {  	vm0 =	vgt.s32 v31, $0x0;
	[sflag:s16] =	ssyncadd.s32 $0xFFFFE000;
	s0 =	sadd.s32 s18, s13;
	v25 =	vadd.f32 v26, v25;
	(pc) =	sbr.rel @!p1 .LBB2_26-.Ltmp9, $4  }
0x1e0: {  	[hbm4b:s0+s4] =	stream.linear.scatter [tilespmem:s31], [sflag:$0x2], $0x2000, $0x38;
	v26 =	vsel vm0, $0x3F800000, v18;
	[tilespmem:$0x12FD0] =	vst v63  }
0x1e1: {  	vm0 =	vgt.s32 v27, $0x0;
	_ =	swait.ge [sflag:s16], $0x2000;
	v25 =	vadd.f32 v26, v25  }
0x1e2: {  	[sflag:s16] =	ssyncset.done $0x0;
	v26 =	vsel vm0, $0x3F800000, v18  }
0x1e3: {  	[sflag:s16] =	ssyncadd.s32 $0xFFFFE000;
	v25 =	vadd.f32 v26, v25  }
.LBB2_14:
0x1e4: {  	_ =	sdelay $0x3  }
0x1e5: {  	v26 =	vld.idx.msk [tilespmem:v20+s30+$0x6920 ss:$0x1], $0xffff  }
0x1e6: {  	v27 =	vld.idx.msk [tilespmem:v20+s30+$0x6510 ss:$0x1], $0xffff;
	_ =	sdelay $0x3  }
0x1e7: {  	(v2sf) =	vpush v26, $0x0  }
0x1e8: {  	(v2sf) =	vpush v27, $0x0;
	_ =	sdelay $0x6  }
0x1e9: {  	[tilespmem:$0xB530] =	vst v15  }
0x1ea: {  	[tilespmem:$0xB540] =	vst v15  }
0x1eb: {  	[tilespmem:$0xB550] =	vst v15  }
0x1ec: {  	[tilespmem:$0xB560] =	vst v15  }
0x1ed: {  	[tilespmem:$0xB570] =	vst v15  }
0x1ee: {  	[tilespmem:$0xB580] =	vst v15  }
0x1ef: {  	[tilespmem:$0xB590] =	vst v15  }
0x1f0: {  	[tilespmem:$0xB5A0] =	vst v15;
	s0 =	spop (v2sf)  }
0x1f1: {  	[tilespmem:$0xB5B0] =	vst v15;
	s15 =	spop (v2sf)  }
0x1f2: {  	[tilespmem:$0xB5C0] =	vst v15;
	s2 =	sadd.s32 $0x1FF, s15  }
0x1f3: {  	[tilespmem:$0xB5D0] =	vst v15;
	s18 =	sshrl.u32 s2, $0x9  }
0x1f4: {  	[tilespmem:$0xB5E0] =	vst v15;
	p1 =	seq.s32 s18, $0x0  }
.Ltmp10:
0x1f5: {  	[tilespmem:$0xB5F0] =	vst v15;
	(pc) =	sbr.rel @p1 .LBB2_25-.Ltmp10, $4  }
0x1f6: {  	[tilespmem:$0xB600] =	vst v15  }
0x1f7: {  	[tilespmem:$0xB610] =	vst v15  }
0x1f8: {  	[tilespmem:$0xB620] =	vst v15;
	s13 =	rddreg [dreg:$0x7]  }
0x1f9: {  	[tilespmem:$0xB630] =	vst v15;
	s31 =	sadd.s32 s13, s30  }
.Ltmp11:
0x1fa: {  	(pc) =	sbr.rel .LBB2_16-.Ltmp11, $3  }
0x1fb: {  	_ =	sdelay $0x1  }
0x1fc: {  	s10 =	sand.u32 $0x7, s0  }
0x1fd: {  	s13 =	simm.s32 $0x0;
	s2 =	smov.u32 s15;
	s11 =	sor.u32 $0xB640, s10  }
.LBB2_21:
0x1fe: {  	s6 =	smov.u32 s10;
	v26 =	vmovc v24;
	v27 =	vmov v23;
	v28 =	vmov v22;
	v29 =	vmov v21  }
.LBB2_23:
0x1ff: {  	[tilespmem:s4+$0x7540] =	vst @p1 v33;
	v32 =	vsel @p1 vm0, v34, v32  }
0x200: {  	[tilespmem:s4+$0x9540] =	vst @p1 v32  }
0x201: {  	v32 =	vld [tilespmem:s7+$0x0];
	_ =	sdelay $0x4  }
0x202: {  	(v2sf) =	vpush v32, $0x0;
	_ =	sdelay $0xd  }
0x203: {  	s4 =	spop @p1 (v2sf)  }
0x204: {  	s9 =	spop (v2sf)  }
0x205: {  	s7 =	sand.u32 $0xFF, s9  }
0x206: {  	v49 =	vld [tilespmem:s7+$0xB530];
	_ =	sdelay $0x1  }
0x207: {  	v50 =	vmov s7  }
0x208: {  	v33 =	vbroadcast v50, $0x0  }
0x209: {  	s6 =	sadd.s32 @p1 $0x1, s6;
	s8 =	smov.u32 s10  }
0x20a: {  	s8 =	smov.u32 @p1 s6;
	(v2sf) =	vpush v49, $0x0  }
0x20b: {  	s6 =	sshll.u32 s8, $0x5  }
0x20c: {  	v51 =	vor.u32 s6, v16  }
0x20d: {  	v36 =	vor.u32 s6, v19;
	v35 =	vadd.s32 $0x1, v49  }
0x20e: {  	s8 =	sshll.u32 s7, $0x5;
	[tilespmem:v33+s12+$0x0] =	vst.idx.msk $0x1, v35  }
0x20f: {  	p2 =	slt.s32 @p1 s4, $0x10;
	v33 =	vld [tilespmem:s8+$0x9530]  }
0x210: {  	s4 =	simm.f32 $1.000000000e+00;
	p2 =	por !p2, !p1;
	v35 =	vld [tilespmem:s8+$0x7530]  }
0x211: {  	v37 =	vmul.f32 @p1 v30, v30;
	v38 =	vmul.f32 @p1 v31, v31;
	s4 =	simm.s32 @p2 $0x0;
	v34 =	vld.idx.msk [tilespmem:v51+s20+$0x0], $0xffff  }
0x212: {  	v30 =	vmul.f32 @p1 s4, v30;
	v31 =	vmul.f32 @p1 s4, v31;
	v36 =	vld.idx.msk [tilespmem:v36+s20+$0x0], $0xffff  }
0x213: {  	v37 =	vmul.f32 @p1 s4, v37;
	v38 =	vmul.f32 @p1 s4, v38;
	v39 =	vld [tilespmem:s8+$0x7540]  }
0x214: {  	v26 =	vadd.f32 @p1 v30, v26;
	v27 =	vadd.f32 @p1 v31, v27;
	v53 =	vld [tilespmem:s8+$0x9540]  }
0x215: {  	v28 =	vadd.f32 @p1 v37, v28;
	v29 =	vadd.f32 @p1 v38, v29  }
0x216: {  	v24 =	vpsel p1, v26, v24;
	v52 =	vbroadcast v49, $0x0  }
0x217: {  	v23 =	vpsel p1, v27, v23;
	v22 =	vpsel p1, v28, v22;
	v21 =	vpsel p1, v29, v21  }
0x218: {  	vm0 =	veq.s32 v52, $0x0;
	vm1 =	vlt.s32 v52, $0x10;
	v54 =	vmax.f32 v35, v34  }
0x219: {  	v55 =	vmin.f32 v33, v34;
	v58 =	vmax.f32 v39, v36;
	v60 =	vmin.f32 v53, v36;
	s9 =	spop (v2sf)  }
0x21a: {  	s4 =	simm.f32 $1.000000000e+00;
	v26 =	vmul.f32 v34, v34;
	v27 =	vmul.f32 v36, v36;
	v56 =	vsel vm0, v34, v54;
	p2 =	slt.s32 s9, $0x10  }
0x21b: {  	v57 =	vsel vm0, v34, v55;
	v59 =	vsel vm0, v36, v58;
	v30 =	vsel vm1, v56, v35;
	s4 =	simm.s32 @!p2 $0x0  }
0x21c: {  	v31 =	vsel vm1, v57, v33;
	v61 =	vmul.f32 s4, v34;
	v62 =	vmul.f32 s4, v36  }
0x21d: {  	v33 =	vsel vm1, v59, v39;
	[tilespmem:s8+$0x7530] =	vst v30;
	v26 =	vmul.f32 s4, v26;
	v27 =	vmul.f32 s4, v27  }
0x21e: {  	v35 =	vsel vm0, v36, v60;
	[tilespmem:s8+$0x9530] =	vst v31;
	v24 =	vadd.f32 v61, v24;
	v23 =	vadd.f32 v62, v23  }
0x21f: {  	[tilespmem:s8+$0x7540] =	vst v33;
	v63 =	vsel vm1, v35, v53;
	v22 =	vadd.f32 v26, v22;
	v21 =	vadd.f32 v27, v21  }
0x220: {  	[tilespmem:s8+$0x9540] =	vst v63  }
.LBB2_24:
0x221: {  	s13 =	sadd.s32 $0x1, s13  }
0x222: {  	p1 =	sne.s32 s13, s18  }
.Ltmp12:
0x223: {  	_ = 	snop;
	(pc) =	sbr.rel @!p1 .LBB2_25-.Ltmp12, $2  }
0x224: {  	_ =	sdelay $0x2  }
0x225: {  	s2 =	sadd.s32 $0xFFFFFE00, s2  }
.LBB2_16:
0x226: {  	s4 =	sshll.u32 s13, $0x9  }
0x227: {  	s6 =	sadd.s32 s0, s4  }
0x228: {  	s6 =	sand.u32 $0xFFFFFFF8, s6  }
0x229: {  	s7 =	simm.s32 $0xB640;
	s6 =	sadd.s32 s6, s3  }
0x22a: {  	[tilespmem:s7], [sflag:$0x2] =	stream.linear.gather [spmem:s6], $0x280, $0x38;
	[tilespmem:$0x12FD0] =	vst v63  }
0x22b: {  	_ =	swait.ge [sflag:s16], $0x280  }
0x22c: {  	p1 =	sgt.s32 s2, $0x1;
	s6 =	smov.u32 s2;
	[sflag:s16] =	ssyncset.done $0x0  }
0x22d: {  	s7 =	simm.s32 $0x0;
	s6 =	simm.s32 @!p1 $0x1;
	[sflag:s16] =	ssyncadd.s32 $0xFFFFFD80  }
0x22e: {  	s8 =	simm.s32 $0x40;
	s6 =	smin.u32 s6, $0x200;
	v26 =	vld [tilespmem:s7+$0xB640]  }
.LBB2_17:
0x22f: {  	p1 =	sne.s32 s8, $0x9C0  }
.Ltmp13:
0x230: {  	_ = 	snop;
	(pc) =	sbr.rel @p1 .LBB2_17-.Ltmp13, $3  }
0x231: {  	_ =	sdelay $0x1  }
0x232: {  	s9 =	sshra.s32 s8, $0x2;
	s8 =	sadd.s32 $0x40, s8;
	v27 =	vshrl.u32 v26, $0x8  }
0x233: {  	v26 =	vld [tilespmem:s9+$0xB640];
	[tilespmem:s7+$0xB8C0] =	vst v27;
	s7 =	smov.u32 s9  }
0x234: {  	_ =	sdelay $0x3  }
0x235: {  	v26 =	vshrl.u32 v26, $0x8  }
0x236: {  	[tilespmem:s7+$0xB8C0] =	vst v26  }
0x237: {  	[tilespmem:s20], [sflag:$0x1] =	stream.indirect.gather [hbm4b:s5+s19], $0x20, s1, s19, $0xb8;
	[tilespmem:$0x12FD0] =	vst v63  }
0x238: {  	_ = 	snop  }
0x239: {  	[tilespmem:s22], [sflag:$0x1] =	stream.indirect.gather [hbm4b:s5+s19], $0x20, s21, s19, $0xb8;
	[tilespmem:$0x12FD0] =	vst v63  }
0x23a: {  	_ = 	snop  }
0x23b: {  	[tilespmem:s24], [sflag:$0x1] =	stream.indirect.gather [hbm4b:s5+s19], $0x20, s23, s19, $0xb8;
	[tilespmem:$0x12FD0] =	vst v63  }
0x23c: {  	_ = 	snop  }
0x23d: {  	[tilespmem:s26], [sflag:$0x1] =	stream.indirect.gather [hbm4b:s5+s19], $0x20, s25, s19, $0xb8;
	[tilespmem:$0x12FD0] =	vst v63  }
0x23e: {  	_ = 	snop  }
0x23f: {  	[tilespmem:s29], [sflag:$0x1] =	stream.indirect.gather [hbm4b:s5+s19], $0x20, s28, s19, $0xb8;
	[tilespmem:$0x12FD0] =	vst v63  }
0x240: {  	_ =	swait.ge [sflag:s14], $0x1000  }
0x241: {  	[sflag:s14] =	ssyncset.done $0x0  }
0x242: {  	[sflag:s14] =	ssyncadd.s32 $0xFFFFF000  }
0x243: {  	_ =	swait.ge [sflag:s14], $0x1000  }
0x244: {  	[sflag:s14] =	ssyncset.done $0x0  }
0x245: {  	[sflag:s14] =	ssyncadd.s32 $0xFFFFF000  }
0x246: {  	_ =	swait.ge [sflag:s14], $0x1000  }
0x247: {  	[sflag:s14] =	ssyncset.done $0x0  }
0x248: {  	s4 =	ssub.s32 s15, s4;
	[sflag:s14] =	ssyncadd.s32 $0xFFFFF000  }
0x249: {  	p1 =	slt.s32 s4, $0x1;
	_ =	swait.ge [sflag:s14], $0x1000  }
.Ltmp14:
0x24a: {  	[sflag:s14] =	ssyncset.done $0x0;
	(pc) =	sbr.rel @p1 .LBB2_24-.Ltmp14, $4  }
0x24b: {  	[sflag:s14] =	ssyncadd.s32 $0xFFFFF000  }
0x24c: {  	_ =	swait.ge [sflag:s14], $0x1000  }
0x24d: {  	[sflag:s14] =	ssyncset.done $0x0  }
0x24e: {  	[sflag:s14] =	ssyncadd.s32 $0xFFFFF000  }
0x24f: {  	p2 =	sne.s32 s6, $0x1  }
.Ltmp15:
0x250: {  	_ = 	snop;
	(pc) =	sbr.rel @!p2 .LBB2_23-.Ltmp15, $3  }
0x251: {  	_ =	sdelay $0x1  }
0x252: {  	s8 =	sadd.s32 $0xFFFFFFFF, s6  }
0x253: {  	p1 =	por $0x0, $0x0;
	s6 =	smov.u32 s10;
	s7 =	smov.u32 s11;
	v26 =	vmovc v24;
	v27 =	vmov v23;
	v28 =	vmov v22;
	v29 =	vmov v21  }
0x254: {  	v26 =	vld [tilespmem:s11+$0x0];
	_ =	sdelay $0x4  }
0x255: {  	(v2sf) =	vpush v26, $0x0;
	_ =	sdelay $0xe  }
0x256: {  	s4 =	spop (v2sf)  }
0x257: {  	s4 =	sand.u32 $0xFF, s4  }
0x258: {  	v26 =	vmov s4  }
0x259: {  	v27 =	vld [tilespmem:s4+$0xB530];
	v26 =	vbroadcast v26, $0x0;
	_ =	sdelay $0x2  }
0x25a: {  	s6 =	sshll.u32 s10, $0x5  }
0x25b: {  	v28 =	vor.u32 s6, v16  }
0x25c: {  	v31 =	vor.u32 s6, v19;
	v29 =	vadd.s32 $0x1, v27  }
0x25d: {  	s4 =	sshll.u32 s4, $0x5;
	(v2sf) =	vpush v27, $0x0;
	[tilespmem:v26+s12+$0x0] =	vst.idx.msk $0x1, v29  }
0x25e: {  	v26 =	vld [tilespmem:s4+$0x9530]  }
0x25f: {  	v29 =	vld [tilespmem:s4+$0x7530]  }
0x260: {  	v30 =	vld.idx.msk [tilespmem:v28+s20+$0x0], $0xffff  }
0x261: {  	v31 =	vld.idx.msk [tilespmem:v31+s20+$0x0], $0xffff  }
0x262: {  	v28 =	vld [tilespmem:s4+$0x7540]  }
0x263: {  	v33 =	vbroadcast v27, $0x0  }
0x264: {  	v32 =	vld [tilespmem:s4+$0x9540]  }
0x265: {  	vm1 =	veq.s32 v33, $0x0;
	v34 =	vmax.f32 v29, v30  }
0x266: {  	p2 =	sne.s32 s8, $0x1;
	vm0 =	vlt.s32 v33, $0x10;
	v61 =	vmin.f32 v26, v30;
	v34 =	vsel vm1, v30, v34  }
.Ltmp16:
0x267: {  	v62 =	vmax.f32 v28, v31;
	v33 =	vsel vm1, v30, v61;
	v29 =	vsel vm0, v34, v29;
	(pc) =	sbr.rel @!p2 .LBB2_21-.Ltmp16, $4  }
0x268: {  	v26 =	vsel vm0, v33, v26;
	[tilespmem:s4+$0x7530] =	vst v29;
	v29 =	vsel vm1, v31, v62  }
0x269: {  	v63 =	vmin.f32 v32, v31  }
0x26a: {  	s8 =	sadd.s32 $0xFFFFFFFF, s8;
	v34 =	vsel vm1, v31, v63  }
0x26b: {  	s7 =	sadd.s32 $0x1, s11;
	p1 =	por $0x1, $0x1;
	s6 =	smov.u32 s10;
	v27 =	vmovc v23;
	[tilespmem:s4+$0x9530] =	vst v26;
	v33 =	vsel vm0, v29, v28;
	v28 =	vmovc v22;
	v26 =	vmov v24;
	v29 =	vmov v21  }
.LBB2_22:
0x26c: {  	p2 =	sne.s32 s8, $0x1;
	[tilespmem:s4+$0x7540] =	vst v33;
	v32 =	vsel vm0, v34, v32;
	s6 =	sadd.s32 $0x1, s6;
	s9 =	spop (v2sf)  }
0x26d: {  	s8 =	sadd.s32 $0xFFFFFFFF, s8;
	v33 =	vmul.f32 v30, v30;
	v34 =	vmul.f32 v31, v31;
	p3 =	slt.s32 s9, $0x10;
	[tilespmem:s4+$0x9540] =	vst v32;
	s4 =	simm.f32 $1.000000000e+00  }
0x26e: {  	v32 =	vld [tilespmem:s7+$0x0];
	s4 =	simm.s32 @!p3 $0x0  }
0x26f: {  	v30 =	vmul.f32 s4, v30;
	v31 =	vmul.f32 s4, v31  }
0x270: {  	v33 =	vmul.f32 s4, v33;
	v34 =	vmul.f32 s4, v34  }
0x271: {  	v26 =	vadd.f32 v30, v26;
	v27 =	vadd.f32 v31, v27  }
0x272: {  	v28 =	vadd.f32 v33, v28;
	v29 =	vadd.f32 v34, v29  }
0x273: {  	(v2sf) =	vpush v32, $0x0;
	_ =	sdelay $0xe  }
0x274: {  	s4 =	spop (v2sf)  }
0x275: {  	s4 =	sand.u32 $0xFF, s4  }
0x276: {  	v30 =	vmov s4  }
0x277: {  	v31 =	vld [tilespmem:s4+$0xB530];
	v30 =	vbroadcast v30, $0x0;
	_ =	sdelay $0x2  }
0x278: {  	s9 =	sshll.u32 s6, $0x5  }
0x279: {  	v32 =	vor.u32 s9, v16  }
0x27a: {  	v33 =	vadd.s32 $0x1, v31;
	v34 =	vbroadcast v31, $0x0;
	(v2sf) =	vpush v31, $0x0  }
0x27b: {  	s4 =	sshll.u32 s4, $0x5;
	v31 =	vor.u32 s9, v19;
	[tilespmem:v30+s12+$0x0] =	vst.idx.msk $0x1, v33  }
0x27c: {  	v33 =	vld [tilespmem:s4+$0x9530]  }
0x27d: {  	v35 =	vld [tilespmem:s4+$0x7530]  }
0x27e: {  	v30 =	vld.idx.msk [tilespmem:v32+s20+$0x0], $0xffff  }
0x27f: {  	v32 =	vld [tilespmem:s4+$0x9540]  }
0x280: {  	v31 =	vld.idx.msk [tilespmem:v31+s20+$0x0], $0xffff  }
0x281: {  	v36 =	vld [tilespmem:s4+$0x7540];
	_ =	sdelay $0x2  }
.Ltmp17:
0x282: {  	vm1 =	veq.s32 v34, $0x0;
	v37 =	vmax.f32 v35, v30;
	v38 =	vmin.f32 v33, v30;
	(pc) =	sbr.rel @p2 .LBB2_22-.Ltmp17, $4  }
0x283: {  	vm0 =	vlt.s32 v34, $0x10;
	v34 =	vsel vm1, v30, v37;
	v37 =	vsel vm1, v30, v38  }
0x284: {  	s7 =	sadd.s32 $0x1, s7;
	v34 =	vsel vm0, v34, v35;
	v37 =	vsel vm0, v37, v33;
	v35 =	vmax.f32 v36, v31  }
0x285: {  	[tilespmem:s4+$0x7530] =	vst v34;
	v33 =	vsel vm1, v31, v35;
	v34 =	vmin.f32 v32, v31  }
0x286: {  	v33 =	vsel vm0, v33, v36;
	[tilespmem:s4+$0x9530] =	vst v37;
	v34 =	vsel vm1, v31, v34  }
.Ltmp18:
0x287: {  	_ = 	snop;
	(pc) =	sbr.rel .LBB2_23-.Ltmp18, $1  }
0x288: {  	_ =	sdelay $0x3  }
.LBB2_27:
0x289: {  	_ =	sfence.sel $0x180000  }
0x28a: {  	[bflag:$0x0] =	sbarrier.arrive $0xFFFF  }
0x28b: {  	_ =	strace $0x90000047  }
0x28c: {  	[bflag:$0x2] =	sbarrier.arrive $0xFFFF  }
0x28d: {  	s0 =	rddreg [dreg:$0x4]  }
0x28e: {  	s0 =	sadd.s32 @!p0 $0x100000, s0  }
0x28f: {  	[sflag:s0] =	ssyncadd.tile.s32 @!p0 $0x1;
	_ =	shalt  }
.Lfunc_end2:
_tile_overlayer_lowered:
.L_overlay_start_2:
0x290: {  	(tag) =	ssettag $0x2  }
0x291: {  	s0 =	rddreg [dreg:$0x0];
	s2 =	stileid.u32  }
0x292: {  	s1 =	rddreg [dreg:$0x1];
	p0 =	sne.s32 s2, $0x0  }
0x293: {  	s3 =	rddreg [dreg:$0x2];
	[bflag:$0x3] =	sbarrier.arrive $0xFFFF;
	s2 =	simm.s32 @!p0 $0x1C02  }
0x294: {  	[timem:s3], [sflag:s2] =	dma.local @!p0 [hbm:s0], s1  }
0x295: {  	s0 =	simm.s32 @!p0 $0x2  }
0x296: {  	_ =	swait.ge @!p0 [sflag:s0], s1  }
0x297: {  	s1 =	ssub.s32 @!p0 $0x0, s1;
	[sflag:s0] =	ssyncset.done @!p0 $0x0  }
0x298: {  	[sflag:s0] =	ssyncadd.s32 @!p0 s1  }
0x299: {  	[bflag:$0x3] =	sbarrier.arrive $0xFFFF  }
0x29a: {  	_ =	shalt  }

</sc_bundles>
